<compile_context>
chip_gen: v7x
topology: tpu7x:2x2x1
jax: 0.10.2.dev20260603
libtpu: 0.0.44.dev20260713+nightly
codegen_flags: <defaults>
</compile_context>

<pallas_src>
import functools

import jax
import jax.numpy as jnp
from jax import lax
from jax.experimental import pallas as pl
from jax.experimental.pallas import tpu as pltpu
from jax.experimental.pallas import tpu_sc as plsc

_TN = 200
_CHUNK = 128
_NBUF = 8
_LEAD = 4
_NW = 32


def _sc_gather_body(n_frames, n_beads, edges_per_frame, ch_core0, ch_core1,
                    nl_ref, feat_ref, out_ref, idx_m, rows_v, *sems):
    gsem = sems[:_NBUF]
    ssem = sems[_NBUF:]

    cax = lax.axis_index("c")
    sax = lax.axis_index("s")

    def _do(base_chunk, count):
        pltpu.sync_copy(nl_ref.at[pl.ds(base_chunk, count)],
                        idx_m.at[pl.ds(0, count)])

        def _fix_chunk(j, _):
            frame = jnp.minimum((base_chunk + j) * _CHUNK
                                // edges_per_frame, n_frames - 1)
            off = frame * n_beads
            def _fix_slice(l, _):
                sl = pl.ds(l * 16, 16)
                idx_m[j, sl] = idx_m[j, sl] + off
                return 0
            lax.fori_loop(0, _CHUNK // 16, _fix_slice, 0)
            return 0

        lax.fori_loop(0, count, _fix_chunk, 0)

        def _gather_start(c, b):
            pltpu.async_copy(feat_ref.at[idx_m.at[c]], rows_v.at[b],
                             gsem[b])

        def _gather_wait(b):
            pltpu.make_async_copy(feat_ref.at[pl.ds(0, _CHUNK)],
                                  rows_v.at[b], gsem[b]).wait()

        def _scatter_start(c, b):
            pltpu.async_copy(
                rows_v.at[b],
                out_ref.at[pl.ds((base_chunk + c) * _CHUNK, _CHUNK)],
                ssem[b])

        def _scatter_wait(b):
            pltpu.make_async_copy(rows_v.at[b],
                                  out_ref.at[pl.ds(0, _CHUNK)],
                                  ssem[b]).wait()

        for c in range(_LEAD):
            _gather_start(c, c)

        def _round(r, _):
            for b in range(_NBUF):
                c = r * _NBUF + b
                b2 = (b + _LEAD) % _NBUF

                @pl.when(c + _LEAD < count)
                def _():
                    @pl.when(c >= _NBUF - _LEAD)
                    def _():
                        _scatter_wait(b2)
                    _gather_start(c + _LEAD, b2)

                _gather_wait(b)
                _scatter_start(c, b)
            return 0

        lax.fori_loop(0, count // _NBUF, _round, 0)
        for c in range(count - _LEAD, count):
            _scatter_wait(c % _NBUF)

    @pl.when(cax == 0)
    def _():
        _do(sax * ch_core0, ch_core0)

    @pl.when(cax == 1)
    def _():
        _do(16 * ch_core0 + sax * ch_core1, ch_core1)


def _tc_body(nl_unused, rbf_ref, mask_ref, gath_ref, w1_ref, b1_ref,
             w2_ref, b2_ref, out_ref):
    tn, k, g_dim = rbf_ref.shape[1], rbf_ref.shape[2], rbf_ref.shape[3]
    f = out_ref.shape[2]
    rows = tn * k

    rbf = rbf_ref[0].reshape(rows, g_dim)
    h = jnp.dot(rbf, w1_ref[...], preferred_element_type=jnp.float32)
    h = h + b1_ref[...]
    h = jax.nn.softplus(h) - jnp.log(2.0)
    filt = jnp.dot(h.astype(jnp.bfloat16), w2_ref[...],
                   preferred_element_type=jnp.float32)
    filt = filt + b2_ref[...]

    fw = f // 2
    packed = gath_ref[...]
    g_lo = lax.bitcast_convert_type(packed << 16, jnp.float32)
    g_hi = lax.bitcast_convert_type(
        packed & jnp.int32(-65536), jnp.float32)
    mask3 = lax.broadcast_in_dim(mask_ref[0], (tn, k, fw), (0, 1))
    out_lo = ((filt[:, :fw] * g_lo).reshape(tn, k, fw) * mask3).sum(axis=1)
    out_hi = ((filt[:, fw:] * g_hi).reshape(tn, k, fw) * mask3).sum(axis=1)
    out_ref[0] = jnp.concatenate([out_lo, out_hi], axis=1)


def kernel(features, rbf_expansion, neighbor_list, neighbor_mask,
           W1, b1, W2, b2):
    B, N, F = features.shape
    _, _, K, G = rbf_expansion.shape
    tn = _TN
    edges = B * N * K
    total_chunks = -(-edges // (_NW * _NBUF * _CHUNK)) * (_NW * _NBUF)
    ch_core0 = total_chunks // _NW
    ch_core1 = (total_chunks - 16 * ch_core0) // 16
    assert ch_core1 % _NBUF == 0 and 16 * (ch_core0 + ch_core1) == total_chunks
    edges_pad = total_chunks * _CHUNK
    fw = F // 2

    nl_flat = neighbor_list.reshape(-1)
    nl_pad = jnp.concatenate(
        [nl_flat, jnp.zeros((edges_pad - edges,), jnp.int32)])
    nl2d = nl_pad.reshape(edges_pad // _CHUNK, _CHUNK)
    feat_bf = features.astype(jnp.bfloat16).reshape(B * N, F)
    table = lax.bitcast_convert_type(
        jnp.stack([feat_bf[:, :fw], feat_bf[:, fw:]], axis=-1), jnp.int32)

    mesh = plsc.VectorSubcoreMesh(core_axis_name="c", subcore_axis_name="s")
    gathered = pl.kernel(
        functools.partial(_sc_gather_body, B, N, N * K, ch_core0, ch_core1),
        out_type=jax.ShapeDtypeStruct((edges_pad, fw), jnp.int32),
        mesh=mesh,
        compiler_params=pltpu.CompilerParams(use_tc_tiling_on_sc=False),
        scratch_types=(
            [pltpu.VMEM((max(ch_core0, ch_core1), _CHUNK), jnp.int32),
             pltpu.VMEM((_NBUF, _CHUNK, fw), jnp.int32)]
            + [pltpu.SemaphoreType.DMA] * (2 * _NBUF)),
    )(nl2d, table)

    b1r = b1.reshape(1, F)
    b2r = b2.reshape(1, F)
    w1 = W1.astype(jnp.bfloat16)
    w2 = W2.astype(jnp.bfloat16)
    rows = tn * K

    return pl.pallas_call(
        _tc_body,
        grid=(B, N // tn),
        in_specs=[
            pl.BlockSpec((1, tn, K), lambda b, t: (b, t, 0)),
            pl.BlockSpec((1, tn, K, G), lambda b, t: (b, t, 0, 0)),
            pl.BlockSpec((1, tn, K), lambda b, t: (b, t, 0)),
            pl.BlockSpec((rows, fw),
                         lambda b, t, nt=N // tn: (b * nt + t, 0)),
            pl.BlockSpec((G, F), lambda b, t: (0, 0)),
            pl.BlockSpec((1, F), lambda b, t: (0, 0)),
            pl.BlockSpec((F, F), lambda b, t: (0, 0)),
            pl.BlockSpec((1, F), lambda b, t: (0, 0)),
        ],
        out_specs=pl.BlockSpec((1, tn, F), lambda b, t: (b, t, 0)),
        out_shape=jax.ShapeDtypeStruct((B, N, F), jnp.float32),
    )(neighbor_list, rbf_expansion.astype(jnp.bfloat16), neighbor_mask,
      gathered, w1, b1r, w2, b2r)

# --- scband reference (transcript-rebuilt; emitter-appended) ---
"""Pipeline reference for scband-continuous-filter-convolution-32882269618458 (READ-ONLY COPY).

The authoritative reference and input builder live on the scoring server;
editing this copy changes nothing except your own understanding.
"""

import jax, jax.numpy as jnp
import numpy as np


def ssp(x):
    # ShiftedSoftplus: softplus(x) - log(2)
    return jax.nn.softplus(x) - jnp.log(2.0)


def setup_inputs(seed: int = 0) -> dict:
    key = jax.random.key(seed)
    ks = jax.random.split(key, 6)
    B, N, K, G, F = 10, 1000, 32, 64, 128
    features = jax.random.normal(ks[0], (B, N, F), dtype=jnp.float32)
    rbf_expansion = jax.random.normal(ks[1], (B, N, K, G), dtype=jnp.float32)
    neighbor_list = jax.random.randint(ks[2], (B, N, K), 0, N, dtype=jnp.int32)
    neighbor_mask = jnp.ones((B, N, K), dtype=jnp.float32)
    # filter generator params: Linear(G->F) + ssp, then Linear(F->F)
    W1 = jax.random.normal(ks[3], (G, F), dtype=jnp.float32) * (1.0 / np.sqrt(G))
    b1 = jnp.zeros((F,), dtype=jnp.float32)
    W2 = jax.random.normal(ks[4], (F, F), dtype=jnp.float32) * (1.0 / np.sqrt(F))
    b2 = jnp.zeros((F,), dtype=jnp.float32)
    return {
        'features': features,
        'rbf_expansion': rbf_expansion,
        'neighbor_list': neighbor_list,
        'neighbor_mask': neighbor_mask,
        'W1': W1, 'b1': b1, 'W2': W2, 'b2': b2,
    }


def reference(features, rbf_expansion, neighbor_list, neighbor_mask, W1, b1, W2, b2):
    # Filter-generating network
    conv_filter = ssp(jnp.einsum('bnkg,gf->bnkf', rbf_expansion, W1) + b1)
    conv_filter = jnp.einsum('bnkf,fh->bnkh', conv_filter, W2) + b2
    B, N, K = neighbor_list.shape
    F = features.shape[-1]
    # Gather neighbor features along the bead axis (per frame)
    nl = neighbor_list.reshape(B, N * K, 1)
    nl = jnp.broadcast_to(nl, (B, N * K, F))
    neighbor_features = jnp.take_along_axis(features, nl, axis=1)
    neighbor_features = neighbor_features.reshape(B, N, K, F)
    # Element-wise continuous-filter convolution + masking
    conv_features = neighbor_features * conv_filter
    conv_features = conv_features * neighbor_mask[:, :, :, None]
    aggregated_features = jnp.sum(conv_features, axis=2)
    return aggregated_features

if __name__ == "__main__":
    import jax
    _d = setup_inputs()
    print(jax.jit(kernel)(*tuple(_d.values())))

</pallas_src>

<mosaic_0001>
#map = affine_map<(d0, d1) -> (0, 0)>
module attributes {stable_mosaic.version = 14 : i64} {
  func.func @_sc_gather_body(%arg0: i32, %arg1: i32, %arg2: memref<2560x128xi32, #tpu.memory_space<hbm>>, %arg3: memref<10000x64xi32, #tpu.memory_space<hbm>>, %arg4: memref<327680x64xi32, #tpu.memory_space<hbm>>, %arg5: memref<80x128xi32, #tpu.memory_space<vmem>>, %arg6: memref<8x128x64xi32, #tpu.memory_space<vmem>>, %arg7: memref<!tpu.dma_semaphore, #tpu.memory_space<semaphore_mem>>, %arg8: memref<!tpu.dma_semaphore, #tpu.memory_space<semaphore_mem>>, %arg9: memref<!tpu.dma_semaphore, #tpu.memory_space<semaphore_mem>>, %arg10: memref<!tpu.dma_semaphore, #tpu.memory_space<semaphore_mem>>, %arg11: memref<!tpu.dma_semaphore, #tpu.memory_space<semaphore_mem>>, %arg12: memref<!tpu.dma_semaphore, #tpu.memory_space<semaphore_mem>>, %arg13: memref<!tpu.dma_semaphore, #tpu.memory_space<semaphore_mem>>, %arg14: memref<!tpu.dma_semaphore, #tpu.memory_space<semaphore_mem>>, %arg15: memref<!tpu.dma_semaphore, #tpu.memory_space<semaphore_mem>>, %arg16: memref<!tpu.dma_semaphore, #tpu.memory_space<semaphore_mem>>, %arg17: memref<!tpu.dma_semaphore, #tpu.memory_space<semaphore_mem>>, %arg18: memref<!tpu.dma_semaphore, #tpu.memory_space<semaphore_mem>>, %arg19: memref<!tpu.dma_semaphore, #tpu.memory_space<semaphore_mem>>, %arg20: memref<!tpu.dma_semaphore, #tpu.memory_space<semaphore_mem>>, %arg21: memref<!tpu.dma_semaphore, #tpu.memory_space<semaphore_mem>>, %arg22: memref<!tpu.dma_semaphore, #tpu.memory_space<semaphore_mem>>) attributes {dimension_semantics = [#tpu.dimension_semantics<core_parallel>, #tpu.dimension_semantics<subcore_parallel>], iteration_bounds = array<i64: 2, 16>, scalar_prefetch = 0 : i64, scratch_operands = 18 : i64, tpu.core_type = #tpu.core_type<sc_vector_subcore>, window_params = [{transform_indices = #map}, {transform_indices = #map}, {transform_indices = #map}]} {
    %eq3A = arith.constant 0 : i32
    %eq3A_0 = arith.cmpi eq, %arg0, %eq3A : i32
    %convert_element_type3A = arith.extui %eq3A_0 : i1 to i32
    %cond3A = arith.constant 0 : i32
    %cond3A_1 = arith.cmpi ne, %convert_element_type3A, %cond3A : i32
    scf.if %cond3A_1 {
      %mul3A = arith.constant 80 : i32
      %mul3A_7 = arith.muli %arg1, %mul3A : i32
      "tpu.region"() ({
        %run_scoped3A = tpu.sem_alloc : memref<!tpu.dma_semaphore, #tpu.memory_space<semaphore_mem>>
        %dma_start3A_127 = arith.constant 0 : i32
        %dma_start3A_128 = arith.constant 0 : i32
        %dma_start3A_129 = tpu.memref_slice %arg5[%dma_start3A_127, %dma_start3A_128] : memref<80x128xi32, #tpu.memory_space<vmem>> -> memref<80x128xi32, #tpu.memory_space<vmem>>
        %dma_start3A_130 = arith.constant 0 : i32
        %dma_start3A_131 = tpu.memref_slice %arg2[%mul3A_7, %dma_start3A_130] : memref<2560x128xi32, #tpu.memory_space<hbm>> -> memref<80x128xi32, #tpu.memory_space<hbm>>
        %dma_start3A_132 = arith.constant 0 : i32
        %dma_start3A_133 = arith.constant 0 : i32
        %dma_start3A_134 = tpu.memref_slice %arg5[%dma_start3A_132, %dma_start3A_133] : memref<80x128xi32, #tpu.memory_space<vmem>> -> memref<80x128xi32, #tpu.memory_space<vmem>>
        %dma_start3A_135 = arith.constant 0 : i32
        %dma_start3A_136 = tpu.memref_slice %arg2[%mul3A_7, %dma_start3A_135] : memref<2560x128xi32, #tpu.memory_space<hbm>> -> memref<80x128xi32, #tpu.memory_space<hbm>>
        tpu.enqueue_dma source(%dma_start3A_136 : memref<80x128xi32, #tpu.memory_space<hbm>>) target(%dma_start3A_134 : memref<80x128xi32, #tpu.memory_space<vmem>>) target_semaphore(%run_scoped3A : memref<!tpu.dma_semaphore, #tpu.memory_space<semaphore_mem>>)
        %dma_wait3A_137 = arith.constant 0 : i32
        %dma_wait3A_138 = arith.constant 0 : i32
        %dma_wait3A_139 = tpu.memref_slice %arg5[%dma_wait3A_137, %dma_wait3A_138] : memref<80x128xi32, #tpu.memory_space<vmem>> -> memref<80x128xi32, #tpu.memory_space<vmem>>
        %dma_wait3A_140 = arith.constant 0 : i32
        %dma_wait3A_141 = tpu.memref_slice %arg2[%mul3A_7, %dma_wait3A_140] : memref<2560x128xi32, #tpu.memory_space<hbm>> -> memref<80x128xi32, #tpu.memory_space<hbm>>
        %dma_wait3A_142 = arith.constant 0 : i32
        %dma_wait3A_143 = arith.constant 0 : i32
        %dma_wait3A_144 = tpu.memref_slice %arg5[%dma_wait3A_142, %dma_wait3A_143] : memref<80x128xi32, #tpu.memory_space<vmem>> -> memref<80x128xi32, #tpu.memory_space<vmem>>
        %dma_wait3A_145 = arith.constant 0 : i32
        %dma_wait3A_146 = tpu.memref_slice %arg2[%mul3A_7, %dma_wait3A_145] : memref<2560x128xi32, #tpu.memory_space<hbm>> -> memref<80x128xi32, #tpu.memory_space<hbm>>
        tpu.wait_dma2 semaphore(%run_scoped3A : memref<!tpu.dma_semaphore, #tpu.memory_space<semaphore_mem>>) src(%dma_wait3A_146 : memref<80x128xi32, #tpu.memory_space<hbm>>) dst(%dma_wait3A_144 : memref<80x128xi32, #tpu.memory_space<vmem>>)
        tpu.yield
      }) : () -> ()
      %scan3A = arith.constant 0 : i32
      %scan3A_8 = arith.constant 0 : i32
      %scan3A_9 = arith.constant 80 : i32
      %scan3A_10 = arith.addi %scan3A_8, %scan3A_9 : i32
      %scan3A_11 = arith.constant 1 : i32
      %scan3A_12 = scf.for %scan3A_127 = %scan3A_8 to %scan3A_10 step %scan3A_11 iter_args(%scan3A_128 = %scan3A) -> (i32)  : i32 {
        %add3A = arith.addi %mul3A_7, %scan3A_127 : i32
        %mul3A_129 = arith.constant 128 : i32
        %mul3A_130 = arith.muli %add3A, %mul3A_129 : i32
        %jit3A = arith.constant 32000 : i32
        %div3A = arith.divsi %mul3A_130, %jit3A : i32
        %sign3A = arith.constant 0 : i32
        %sign3A_131 = arith.cmpi sgt, %mul3A_130, %sign3A : i32
        %sign3A_132 = arith.extui %sign3A_131 : i1 to i32
        %sign3A_133 = arith.constant 0 : i32
        %sign3A_134 = arith.cmpi slt, %mul3A_130, %sign3A_133 : i32
        %sign3A_135 = arith.extui %sign3A_134 : i1 to i32
        %sign3A_136 = arith.subi %sign3A_132, %sign3A_135 : i32
        %sign3A_137 = arith.constant 0 : i32
        %sign3A_138 = arith.cmpi sgt, %jit3A, %sign3A_137 : i32
        %sign3A_139 = arith.extui %sign3A_138 : i1 to i32
        %sign3A_140 = arith.constant 0 : i32
        %sign3A_141 = arith.cmpi slt, %jit3A, %sign3A_140 : i32
        %sign3A_142 = arith.extui %sign3A_141 : i1 to i32
        %sign3A_143 = arith.subi %sign3A_139, %sign3A_142 : i32
        %ne3A = arith.cmpi ne, %sign3A_136, %sign3A_143 : i32
        %rem3A = arith.remsi %mul3A_130, %jit3A : i32
        %ne3A_144 = arith.constant 0 : i32
        %ne3A_145 = arith.cmpi ne, %rem3A, %ne3A_144 : i32
        %and3A = arith.andi %ne3A, %ne3A_145 : i1
        %sub3A = arith.constant 1 : i32
        %sub3A_146 = arith.subi %div3A, %sub3A : i32
        %select_n3A = arith.select %and3A, %sub3A_146, %div3A : i32
        %min3A = arith.constant 9 : i32
        %min3A_147 = arith.minsi %select_n3A, %min3A : i32
        %mul3A_148 = arith.constant 1000 : i32
        %mul3A_149 = arith.muli %min3A_147, %mul3A_148 : i32
        %scan3A_150 = arith.constant 0 : i32
        %scan3A_151 = arith.constant 0 : i32
        %scan3A_152 = arith.constant 8 : i32
        %scan3A_153 = arith.addi %scan3A_151, %scan3A_152 : i32
        %scan3A_154 = arith.constant 1 : i32
        %scan3A_155 = scf.for %scan3A_158 = %scan3A_151 to %scan3A_153 step %scan3A_154 iter_args(%scan3A_159 = %scan3A_150) -> (i32)  : i32 {
          %mul3A_160 = arith.constant 16 : i32
          %mul3A_161 = arith.muli %scan3A_158, %mul3A_160 : i32
          %get3A = arith.index_cast %scan3A_127 : i32 to index
          %get3A_162 = arith.index_cast %mul3A_161 : i32 to index
          %get3A_163 = tpu.vector_load %arg5[%get3A, %get3A_162] {strides = array<i32>} : memref<80x128xi32, #tpu.memory_space<vmem>>, vector<1x16xi32>,
          %get3A_164 = vector.shape_cast %get3A_163 : vector<1x16xi32> to vector<16xi32>
          %add3A_165 = vector.broadcast %mul3A_149 : i32 to vector<16xi32>
          %add3A_166 = arith.addi %get3A_164, %add3A_165 : vector<16xi32>
          %swap3A = arith.index_cast %scan3A_127 : i32 to index
          %swap3A_167 = arith.index_cast %mul3A_161 : i32 to index
          %swap3A_168 = tpu.vector_load %arg5[%swap3A, %swap3A_167] {strides = array<i32>} : memref<80x128xi32, #tpu.memory_space<vmem>>, vector<1x16xi32>,
          %swap3A_169 = vector.shape_cast %swap3A_168 : vector<1x16xi32> to vector<16xi32>
          %swap3A_170 = vector.shape_cast %add3A_166 : vector<16xi32> to vector<1x16xi32>
          tpu.vector_store %arg5[%swap3A, %swap3A_167], %swap3A_170 {strides = array<i32>} : memref<80x128xi32, #tpu.memory_space<vmem>>, vector<1x16xi32>,
          %scan3A_171 = arith.constant 0 : i32
          scf.yield %scan3A_171 : i32
        }
        %scan3A_156 = arith.constant 8 : i32
        %scan3A_157 = arith.constant 0 : i32
        scf.yield %scan3A_157 : i32
      }
      %scan3A_13 = arith.constant 80 : i32
      %dma_start3A = arith.constant 0 : i32
      %dma_start3A_14 = arith.constant 0 : i32
      %dma_start3A_15 = arith.constant 0 : i32
      %dma_start3A_16 = arith.constant 0 : i32
      %dma_start3A_17 = tpu.memref_slice %arg6[%dma_start3A_14, %dma_start3A_15, %dma_start3A_16] : memref<8x128x64xi32, #tpu.memory_space<vmem>> -> memref<1x128x64xi32, #tpu.memory_space<vmem>>
      %dma_start3A_18 = tpu.memref_squeeze %dma_start3A_17 : memref<1x128x64xi32, #tpu.memory_space<vmem>> -> memref<128x64xi32, #tpu.memory_space<vmem>>
      %dma_start3A_19 = arith.constant 0 : i32
      %dma_start3A_20 = tpu.memref_slice %arg5[%dma_start3A, %dma_start3A_19] : memref<80x128xi32, #tpu.memory_space<vmem>> -> memref<1x128xi32, #tpu.memory_space<vmem>>
      %dma_start3A_21 = tpu.memref_squeeze %dma_start3A_20 : memref<1x128xi32, #tpu.memory_space<vmem>> -> memref<128xi32, #tpu.memory_space<vmem>>
      %dma_start3A_22 = arith.constant 0 : i32
      %dma_start3A_23 = arith.constant 0 : i32
      %dma_start3A_24 = tpu.memref_slice %arg3[%dma_start3A_22, %dma_start3A_23] : memref<10000x64xi32, #tpu.memory_space<hbm>> -> memref<10000x64xi32, #tpu.memory_space<hbm>>
      tpu.enqueue_indirect_dma source(%dma_start3A_24 : memref<10000x64xi32, #tpu.memory_space<hbm>>) target(%dma_start3A_18 : memref<128x64xi32, #tpu.memory_space<vmem>>) offsets(%dma_start3A_21 : memref<128xi32, #tpu.memory_space<vmem>>) semaphore(%arg7 : memref<!tpu.dma_semaphore, #tpu.memory_space<semaphore_mem>>)
      %dma_start3A_25 = arith.constant 1 : i32
      %dma_start3A_26 = arith.constant 1 : i32
      %dma_start3A_27 = arith.constant 0 : i32
      %dma_start3A_28 = arith.constant 0 : i32
      %dma_start3A_29 = tpu.memref_slice %arg6[%dma_start3A_26, %dma_start3A_27, %dma_start3A_28] : memref<8x128x64xi32, #tpu.memory_space<vmem>> -> memref<1x128x64xi32, #tpu.memory_space<vmem>>
      %dma_start3A_30 = tpu.memref_squeeze %dma_start3A_29 : memref<1x128x64xi32, #tpu.memory_space<vmem>> -> memref<128x64xi32, #tpu.memory_space<vmem>>
      %dma_start3A_31 = arith.constant 0 : i32
      %dma_start3A_32 = tpu.memref_slice %arg5[%dma_start3A_25, %dma_start3A_31] : memref<80x128xi32, #tpu.memory_space<vmem>> -> memref<1x128xi32, #tpu.memory_space<vmem>>
      %dma_start3A_33 = tpu.memref_squeeze %dma_start3A_32 : memref<1x128xi32, #tpu.memory_space<vmem>> -> memref<128xi32, #tpu.memory_space<vmem>>
      %dma_start3A_34 = arith.constant 0 : i32
      %dma_start3A_35 = arith.constant 0 : i32
      %dma_start3A_36 = tpu.memref_slice %arg3[%dma_start3A_34, %dma_start3A_35] : memref<10000x64xi32, #tpu.memory_space<hbm>> -> memref<10000x64xi32, #tpu.memory_space<hbm>>
      tpu.enqueue_indirect_dma source(%dma_start3A_36 : memref<10000x64xi32, #tpu.memory_space<hbm>>) target(%dma_start3A_30 : memref<128x64xi32, #tpu.memory_space<vmem>>) offsets(%dma_start3A_33 : memref<128xi32, #tpu.memory_space<vmem>>) semaphore(%arg8 : memref<!tpu.dma_semaphore, #tpu.memory_space<semaphore_mem>>)
      %dma_start3A_37 = arith.constant 2 : i32
      %dma_start3A_38 = arith.constant 2 : i32
      %dma_start3A_39 = arith.constant 0 : i32
      %dma_start3A_40 = arith.constant 0 : i32
      %dma_start3A_41 = tpu.memref_slice %arg6[%dma_start3A_38, %dma_start3A_39, %dma_start3A_40] : memref<8x128x64xi32, #tpu.memory_space<vmem>> -> memref<1x128x64xi32, #tpu.memory_space<vmem>>
      %dma_start3A_42 = tpu.memref_squeeze %dma_start3A_41 : memref<1x128x64xi32, #tpu.memory_space<vmem>> -> memref<128x64xi32, #tpu.memory_space<vmem>>
      %dma_start3A_43 = arith.constant 0 : i32
      %dma_start3A_44 = tpu.memref_slice %arg5[%dma_start3A_37, %dma_start3A_43] : memref<80x128xi32, #tpu.memory_space<vmem>> -> memref<1x128xi32, #tpu.memory_space<vmem>>
      %dma_start3A_45 = tpu.memref_squeeze %dma_start3A_44 : memref<1x128xi32, #tpu.memory_space<vmem>> -> memref<128xi32, #tpu.memory_space<vmem>>
      %dma_start3A_46 = arith.constant 0 : i32
      %dma_start3A_47 = arith.constant 0 : i32
      %dma_start3A_48 = tpu.memref_slice %arg3[%dma_start3A_46, %dma_start3A_47] : memref<10000x64xi32, #tpu.memory_space<hbm>> -> memref<10000x64xi32, #tpu.memory_space<hbm>>
      tpu.enqueue_indirect_dma source(%dma_start3A_48 : memref<10000x64xi32, #tpu.memory_space<hbm>>) target(%dma_start3A_42 : memref<128x64xi32, #tpu.memory_space<vmem>>) offsets(%dma_start3A_45 : memref<128xi32, #tpu.memory_space<vmem>>) semaphore(%arg9 : memref<!tpu.dma_semaphore, #tpu.memory_space<semaphore_mem>>)
      %dma_start3A_49 = arith.constant 3 : i32
      %dma_start3A_50 = arith.constant 3 : i32
      %dma_start3A_51 = arith.constant 0 : i32
      %dma_start3A_52 = arith.constant 0 : i32
      %dma_start3A_53 = tpu.memref_slice %arg6[%dma_start3A_50, %dma_start3A_51, %dma_start3A_52] : memref<8x128x64xi32, #tpu.memory_space<vmem>> -> memref<1x128x64xi32, #tpu.memory_space<vmem>>
      %dma_start3A_54 = tpu.memref_squeeze %dma_start3A_53 : memref<1x128x64xi32, #tpu.memory_space<vmem>> -> memref<128x64xi32, #tpu.memory_space<vmem>>
      %dma_start3A_55 = arith.constant 0 : i32
      %dma_start3A_56 = tpu.memref_slice %arg5[%dma_start3A_49, %dma_start3A_55] : memref<80x128xi32, #tpu.memory_space<vmem>> -> memref<1x128xi32, #tpu.memory_space<vmem>>
      %dma_start3A_57 = tpu.memref_squeeze %dma_start3A_56 : memref<1x128xi32, #tpu.memory_space<vmem>> -> memref<128xi32, #tpu.memory_space<vmem>>
      %dma_start3A_58 = arith.constant 0 : i32
      %dma_start3A_59 = arith.constant 0 : i32
      %dma_start3A_60 = tpu.memref_slice %arg3[%dma_start3A_58, %dma_start3A_59] : memref<10000x64xi32, #tpu.memory_space<hbm>> -> memref<10000x64xi32, #tpu.memory_space<hbm>>
      tpu.enqueue_indirect_dma source(%dma_start3A_60 : memref<10000x64xi32, #tpu.memory_space<hbm>>) target(%dma_start3A_54 : memref<128x64xi32, #tpu.memory_space<vmem>>) offsets(%dma_start3A_57 : memref<128xi32, #tpu.memory_space<vmem>>) semaphore(%arg10 : memref<!tpu.dma_semaphore, #tpu.memory_space<semaphore_mem>>)
      %scan3A_61 = arith.constant 0 : i32
      %scan3A_62 = arith.constant 0 : i32
      %scan3A_63 = arith.constant 10 : i32
      %scan3A_64 = arith.addi %scan3A_62, %scan3A_63 : i32
      %scan3A_65 = arith.constant 1 : i32
      %scan3A_66 = scf.for %scan3A_127 = %scan3A_62 to %scan3A_64 step %scan3A_65 iter_args(%scan3A_128 = %scan3A_61) -> (i32)  : i32 {
        %mul3A_129 = arith.constant 8 : i32
        %mul3A_130 = arith.muli %scan3A_127, %mul3A_129 : i32
        %add3A = arith.constant 0 : i32
        %add3A_131 = arith.addi %mul3A_130, %add3A : i32
        %add3A_132 = arith.constant 4 : i32
        %add3A_133 = arith.addi %add3A_131, %add3A_132 : i32
        %lt3A = arith.constant 80 : i32
        %lt3A_134 = arith.cmpi slt, %add3A_133, %lt3A : i32
        %convert_element_type3A_135 = arith.extui %lt3A_134 : i1 to i32
        %cond3A_136 = arith.constant 0 : i32
        %cond3A_137 = arith.cmpi ne, %convert_element_type3A_135, %cond3A_136 : i32
        scf.if %cond3A_137 {
          %ge3A = arith.constant 4 : i32
          %ge3A_464 = arith.cmpi sge, %add3A_131, %ge3A : i32
          %convert_element_type3A_465 = arith.extui %ge3A_464 : i1 to i32
          %cond3A_466 = arith.constant 0 : i32
          %cond3A_467 = arith.cmpi ne, %convert_element_type3A_465, %cond3A_466 : i32
          scf.if %cond3A_467 {
            %dma_wait3A_481 = arith.constant 4 : i32
            %dma_wait3A_482 = arith.constant 0 : i32
            %dma_wait3A_483 = arith.constant 0 : i32
            %dma_wait3A_484 = tpu.memref_slice %arg6[%dma_wait3A_481, %dma_wait3A_482, %dma_wait3A_483] : memref<8x128x64xi32, #tpu.memory_space<vmem>> -> memref<1x128x64xi32, #tpu.memory_space<vmem>>
            %dma_wait3A_485 = tpu.memref_squeeze %dma_wait3A_484 : memref<1x128x64xi32, #tpu.memory_space<vmem>> -> memref<128x64xi32, #tpu.memory_space<vmem>>
            %dma_wait3A_486 = arith.constant 0 : i32
            %dma_wait3A_487 = arith.constant 0 : i32
            %dma_wait3A_488 = tpu.memref_slice %arg4[%dma_wait3A_486, %dma_wait3A_487] : memref<327680x64xi32, #tpu.memory_space<hbm>> -> memref<128x64xi32, #tpu.memory_space<hbm>>
            %dma_wait3A_489 = arith.constant 0 : i32
            %dma_wait3A_490 = arith.constant 0 : i32
            %dma_wait3A_491 = tpu.memref_slice %arg4[%dma_wait3A_489, %dma_wait3A_490] : memref<327680x64xi32, #tpu.memory_space<hbm>> -> memref<128x64xi32, #tpu.memory_space<hbm>>
            %dma_wait3A_492 = arith.constant 0 : i32
            %dma_wait3A_493 = arith.constant 0 : i32
            %dma_wait3A_494 = tpu.memref_slice %arg6[%dma_wait3A_481, %dma_wait3A_492, %dma_wait3A_493] : memref<8x128x64xi32, #tpu.memory_space<vmem>> -> memref<1x128x64xi32, #tpu.memory_space<vmem>>
            %dma_wait3A_495 = tpu.memref_squeeze %dma_wait3A_494 : memref<1x128x64xi32, #tpu.memory_space<vmem>> -> memref<128x64xi32, #tpu.memory_space<vmem>>
            tpu.wait_dma2 semaphore(%arg19 : memref<!tpu.dma_semaphore, #tpu.memory_space<semaphore_mem>>) src(%dma_wait3A_495 : memref<128x64xi32, #tpu.memory_space<vmem>>) dst(%dma_wait3A_491 : memref<128x64xi32, #tpu.memory_space<hbm>>)
          } else {
          }
          %add3A_468 = arith.constant 4 : i32
          %add3A_469 = arith.addi %add3A_131, %add3A_468 : i32
          %dma_start3A_470 = arith.constant 4 : i32
          %dma_start3A_471 = arith.constant 0 : i32
          %dma_start3A_472 = arith.constant 0 : i32
          %dma_start3A_473 = tpu.memref_slice %arg6[%dma_start3A_470, %dma_start3A_471, %dma_start3A_472] : memref<8x128x64xi32, #tpu.memory_space<vmem>> -> memref<1x128x64xi32, #tpu.memory_space<vmem>>
          %dma_start3A_474 = tpu.memref_squeeze %dma_start3A_473 : memref<1x128x64xi32, #tpu.memory_space<vmem>> -> memref<128x64xi32, #tpu.memory_space<vmem>>
          %dma_start3A_475 = arith.constant 0 : i32
          %dma_start3A_476 = tpu.memref_slice %arg5[%add3A_469, %dma_start3A_475] : memref<80x128xi32, #tpu.memory_space<vmem>> -> memref<1x128xi32, #tpu.memory_space<vmem>>
          %dma_start3A_477 = tpu.memref_squeeze %dma_start3A_476 : memref<1x128xi32, #tpu.memory_space<vmem>> -> memref<128xi32, #tpu.memory_space<vmem>>
          %dma_start3A_478 = arith.constant 0 : i32
          %dma_start3A_479 = arith.constant 0 : i32
          %dma_start3A_480 = tpu.memref_slice %arg3[%dma_start3A_478, %dma_start3A_479] : memref<10000x64xi32, #tpu.memory_space<hbm>> -> memref<10000x64xi32, #tpu.memory_space<hbm>>
          tpu.enqueue_indirect_dma source(%dma_start3A_480 : memref<10000x64xi32, #tpu.memory_space<hbm>>) target(%dma_start3A_474 : memref<128x64xi32, #tpu.memory_space<vmem>>) offsets(%dma_start3A_477 : memref<128xi32, #tpu.memory_space<vmem>>) semaphore(%arg11 : memref<!tpu.dma_semaphore, #tpu.memory_space<semaphore_mem>>)
        } else {
        }
        %dma_wait3A_138 = arith.constant 0 : i32
        %dma_wait3A_139 = arith.constant 0 : i32
        %dma_wait3A_140 = arith.constant 0 : i32
        %dma_wait3A_141 = tpu.memref_slice %arg6[%dma_wait3A_138, %dma_wait3A_139, %dma_wait3A_140] : memref<8x128x64xi32, #tpu.memory_space<vmem>> -> memref<1x128x64xi32, #tpu.memory_space<vmem>>
        %dma_wait3A_142 = tpu.memref_squeeze %dma_wait3A_141 : memref<1x128x64xi32, #tpu.memory_space<vmem>> -> memref<128x64xi32, #tpu.memory_space<vmem>>
        %dma_wait3A_143 = arith.constant 0 : i32
        %dma_wait3A_144 = arith.constant 0 : i32
        %dma_wait3A_145 = tpu.memref_slice %arg3[%dma_wait3A_143, %dma_wait3A_144] : memref<10000x64xi32, #tpu.memory_space<hbm>> -> memref<128x64xi32, #tpu.memory_space<hbm>>
        %dma_wait3A_146 = arith.constant 0 : i32
        %dma_wait3A_147 = arith.constant 0 : i32
        %dma_wait3A_148 = tpu.memref_slice %arg6[%dma_wait3A_138, %dma_wait3A_146, %dma_wait3A_147] : memref<8x128x64xi32, #tpu.memory_space<vmem>> -> memref<1x128x64xi32, #tpu.memory_space<vmem>>
        %dma_wait3A_149 = tpu.memref_squeeze %dma_wait3A_148 : memref<1x128x64xi32, #tpu.memory_space<vmem>> -> memref<128x64xi32, #tpu.memory_space<vmem>>
        %dma_wait3A_150 = arith.constant 0 : i32
        %dma_wait3A_151 = arith.constant 0 : i32
        %dma_wait3A_152 = tpu.memref_slice %arg3[%dma_wait3A_150, %dma_wait3A_151] : memref<10000x64xi32, #tpu.memory_space<hbm>> -> memref<128x64xi32, #tpu.memory_space<hbm>>
        tpu.wait_dma2 semaphore(%arg7 : memref<!tpu.dma_semaphore, #tpu.memory_space<semaphore_mem>>) src(%dma_wait3A_152 : memref<128x64xi32, #tpu.memory_space<hbm>>) dst(%dma_wait3A_149 : memref<128x64xi32, #tpu.memory_space<vmem>>)
        %add3A_153 = arith.addi %mul3A_7, %add3A_131 : i32
        %mul3A_154 = arith.constant 128 : i32
        %mul3A_155 = arith.muli %add3A_153, %mul3A_154 : i32
        %dma_start3A_156 = arith.constant 0 : i32
        %dma_start3A_157 = arith.constant 0 : i32
        %dma_start3A_158 = arith.constant 0 : i32
        %dma_start3A_159 = tpu.memref_slice %arg6[%dma_start3A_156, %dma_start3A_157, %dma_start3A_158] : memref<8x128x64xi32, #tpu.memory_space<vmem>> -> memref<1x128x64xi32, #tpu.memory_space<vmem>>
        %dma_start3A_160 = tpu.memref_squeeze %dma_start3A_159 : memref<1x128x64xi32, #tpu.memory_space<vmem>> -> memref<128x64xi32, #tpu.memory_space<vmem>>
        %dma_start3A_161 = arith.constant 0 : i32
        %dma_start3A_162 = tpu.memref_slice %arg4[%mul3A_155, %dma_start3A_161] : memref<327680x64xi32, #tpu.memory_space<hbm>> -> memref<128x64xi32, #tpu.memory_space<hbm>>
        %dma_start3A_163 = arith.constant 0 : i32
        %dma_start3A_164 = tpu.memref_slice %arg4[%mul3A_155, %dma_start3A_163] : memref<327680x64xi32, #tpu.memory_space<hbm>> -> memref<128x64xi32, #tpu.memory_space<hbm>>
        %dma_start3A_165 = arith.constant 0 : i32
        %dma_start3A_166 = arith.constant 0 : i32
        %dma_start3A_167 = tpu.memref_slice %arg6[%dma_start3A_156, %dma_start3A_165, %dma_start3A_166] : memref<8x128x64xi32, #tpu.memory_space<vmem>> -> memref<1x128x64xi32, #tpu.memory_space<vmem>>
        %dma_start3A_168 = tpu.memref_squeeze %dma_start3A_167 : memref<1x128x64xi32, #tpu.memory_space<vmem>> -> memref<128x64xi32, #tpu.memory_space<vmem>>
        tpu.enqueue_dma source(%dma_start3A_168 : memref<128x64xi32, #tpu.memory_space<vmem>>) target(%dma_start3A_164 : memref<128x64xi32, #tpu.memory_space<hbm>>) target_semaphore(%arg15 : memref<!tpu.dma_semaphore, #tpu.memory_space<semaphore_mem>>)
        %mul3A_169 = arith.constant 8 : i32
        %mul3A_170 = arith.muli %scan3A_127, %mul3A_169 : i32
        %add3A_171 = arith.constant 1 : i32
        %add3A_172 = arith.addi %mul3A_170, %add3A_171 : i32
        %add3A_173 = arith.constant 4 : i32
        %add3A_174 = arith.addi %add3A_172, %add3A_173 : i32
        %lt3A_175 = arith.constant 80 : i32
        %lt3A_176 = arith.cmpi slt, %add3A_174, %lt3A_175 : i32
        %convert_element_type3A_177 = arith.extui %lt3A_176 : i1 to i32
        %cond3A_178 = arith.constant 0 : i32
        %cond3A_179 = arith.cmpi ne, %convert_element_type3A_177, %cond3A_178 : i32
        scf.if %cond3A_179 {
          %ge3A = arith.constant 4 : i32
          %ge3A_464 = arith.cmpi sge, %add3A_172, %ge3A : i32
          %convert_element_type3A_465 = arith.extui %ge3A_464 : i1 to i32
          %cond3A_466 = arith.constant 0 : i32
          %cond3A_467 = arith.cmpi ne, %convert_element_type3A_465, %cond3A_466 : i32
          scf.if %cond3A_467 {
            %dma_wait3A_481 = arith.constant 5 : i32
            %dma_wait3A_482 = arith.constant 0 : i32
            %dma_wait3A_483 = arith.constant 0 : i32
            %dma_wait3A_484 = tpu.memref_slice %arg6[%dma_wait3A_481, %dma_wait3A_482, %dma_wait3A_483] : memref<8x128x64xi32, #tpu.memory_space<vmem>> -> memref<1x128x64xi32, #tpu.memory_space<vmem>>
            %dma_wait3A_485 = tpu.memref_squeeze %dma_wait3A_484 : memref<1x128x64xi32, #tpu.memory_space<vmem>> -> memref<128x64xi32, #tpu.memory_space<vmem>>
            %dma_wait3A_486 = arith.constant 0 : i32
            %dma_wait3A_487 = arith.constant 0 : i32
            %dma_wait3A_488 = tpu.memref_slice %arg4[%dma_wait3A_486, %dma_wait3A_487] : memref<327680x64xi32, #tpu.memory_space<hbm>> -> memref<128x64xi32, #tpu.memory_space<hbm>>
            %dma_wait3A_489 = arith.constant 0 : i32
            %dma_wait3A_490 = arith.constant 0 : i32
            %dma_wait3A_491 = tpu.memref_slice %arg4[%dma_wait3A_489, %dma_wait3A_490] : memref<327680x64xi32, #tpu.memory_space<hbm>> -> memref<128x64xi32, #tpu.memory_space<hbm>>
            %dma_wait3A_492 = arith.constant 0 : i32
            %dma_wait3A_493 = arith.constant 0 : i32
            %dma_wait3A_494 = tpu.memref_slice %arg6[%dma_wait3A_481, %dma_wait3A_492, %dma_wait3A_493] : memref<8x128x64xi32, #tpu.memory_space<vmem>> -> memref<1x128x64xi32, #tpu.memory_space<vmem>>
            %dma_wait3A_495 = tpu.memref_squeeze %dma_wait3A_494 : memref<1x128x64xi32, #tpu.memory_space<vmem>> -> memref<128x64xi32, #tpu.memory_space<vmem>>
            tpu.wait_dma2 semaphore(%arg20 : memref<!tpu.dma_semaphore, #tpu.memory_space<semaphore_mem>>) src(%dma_wait3A_495 : memref<128x64xi32, #tpu.memory_space<vmem>>) dst(%dma_wait3A_491 : memref<128x64xi32, #tpu.memory_space<hbm>>)
          } else {
          }
          %add3A_468 = arith.constant 4 : i32
          %add3A_469 = arith.addi %add3A_172, %add3A_468 : i32
          %dma_start3A_470 = arith.constant 5 : i32
          %dma_start3A_471 = arith.constant 0 : i32
          %dma_start3A_472 = arith.constant 0 : i32
          %dma_start3A_473 = tpu.memref_slice %arg6[%dma_start3A_470, %dma_start3A_471, %dma_start3A_472] : memref<8x128x64xi32, #tpu.memory_space<vmem>> -> memref<1x128x64xi32, #tpu.memory_space<vmem>>
          %dma_start3A_474 = tpu.memref_squeeze %dma_start3A_473 : memref<1x128x64xi32, #tpu.memory_space<vmem>> -> memref<128x64xi32, #tpu.memory_space<vmem>>
          %dma_start3A_475 = arith.constant 0 : i32
          %dma_start3A_476 = tpu.memref_slice %arg5[%add3A_469, %dma_start3A_475] : memref<80x128xi32, #tpu.memory_space<vmem>> -> memref<1x128xi32, #tpu.memory_space<vmem>>
          %dma_start3A_477 = tpu.memref_squeeze %dma_start3A_476 : memref<1x128xi32, #tpu.memory_space<vmem>> -> memref<128xi32, #tpu.memory_space<vmem>>
          %dma_start3A_478 = arith.constant 0 : i32
          %dma_start3A_479 = arith.constant 0 : i32
          %dma_start3A_480 = tpu.memref_slice %arg3[%dma_start3A_478, %dma_start3A_479] : memref<10000x64xi32, #tpu.memory_space<hbm>> -> memref<10000x64xi32, #tpu.memory_space<hbm>>
          tpu.enqueue_indirect_dma source(%dma_start3A_480 : memref<10000x64xi32, #tpu.memory_space<hbm>>) target(%dma_start3A_474 : memref<128x64xi32, #tpu.memory_space<vmem>>) offsets(%dma_start3A_477 : memref<128xi32, #tpu.memory_space<vmem>>) semaphore(%arg12 : memref<!tpu.dma_semaphore, #tpu.memory_space<semaphore_mem>>)
        } else {
        }
        %dma_wait3A_180 = arith.constant 1 : i32
        %dma_wait3A_181 = arith.constant 0 : i32
        %dma_wait3A_182 = arith.constant 0 : i32
        %dma_wait3A_183 = tpu.memref_slice %arg6[%dma_wait3A_180, %dma_wait3A_181, %dma_wait3A_182] : memref<8x128x64xi32, #tpu.memory_space<vmem>> -> memref<1x128x64xi32, #tpu.memory_space<vmem>>
        %dma_wait3A_184 = tpu.memref_squeeze %dma_wait3A_183 : memref<1x128x64xi32, #tpu.memory_space<vmem>> -> memref<128x64xi32, #tpu.memory_space<vmem>>
        %dma_wait3A_185 = arith.constant 0 : i32
        %dma_wait3A_186 = arith.constant 0 : i32
        %dma_wait3A_187 = tpu.memref_slice %arg3[%dma_wait3A_185, %dma_wait3A_186] : memref<10000x64xi32, #tpu.memory_space<hbm>> -> memref<128x64xi32, #tpu.memory_space<hbm>>
        %dma_wait3A_188 = arith.constant 0 : i32
        %dma_wait3A_189 = arith.constant 0 : i32
        %dma_wait3A_190 = tpu.memref_slice %arg6[%dma_wait3A_180, %dma_wait3A_188, %dma_wait3A_189] : memref<8x128x64xi32, #tpu.memory_space<vmem>> -> memref<1x128x64xi32, #tpu.memory_space<vmem>>
        %dma_wait3A_191 = tpu.memref_squeeze %dma_wait3A_190 : memref<1x128x64xi32, #tpu.memory_space<vmem>> -> memref<128x64xi32, #tpu.memory_space<vmem>>
        %dma_wait3A_192 = arith.constant 0 : i32
        %dma_wait3A_193 = arith.constant 0 : i32
        %dma_wait3A_194 = tpu.memref_slice %arg3[%dma_wait3A_192, %dma_wait3A_193] : memref<10000x64xi32, #tpu.memory_space<hbm>> -> memref<128x64xi32, #tpu.memory_space<hbm>>
        tpu.wait_dma2 semaphore(%arg8 : memref<!tpu.dma_semaphore, #tpu.memory_space<semaphore_mem>>) src(%dma_wait3A_194 : memref<128x64xi32, #tpu.memory_space<hbm>>) dst(%dma_wait3A_191 : memref<128x64xi32, #tpu.memory_space<vmem>>)
        %add3A_195 = arith.addi %mul3A_7, %add3A_172 : i32
        %mul3A_196 = arith.constant 128 : i32
        %mul3A_197 = arith.muli %add3A_195, %mul3A_196 : i32
        %dma_start3A_198 = arith.constant 1 : i32
        %dma_start3A_199 = arith.constant 0 : i32
        %dma_start3A_200 = arith.constant 0 : i32
        %dma_start3A_201 = tpu.memref_slice %arg6[%dma_start3A_198, %dma_start3A_199, %dma_start3A_200] : memref<8x128x64xi32, #tpu.memory_space<vmem>> -> memref<1x128x64xi32, #tpu.memory_space<vmem>>
        %dma_start3A_202 = tpu.memref_squeeze %dma_start3A_201 : memref<1x128x64xi32, #tpu.memory_space<vmem>> -> memref<128x64xi32, #tpu.memory_space<vmem>>
        %dma_start3A_203 = arith.constant 0 : i32
        %dma_start3A_204 = tpu.memref_slice %arg4[%mul3A_197, %dma_start3A_203] : memref<327680x64xi32, #tpu.memory_space<hbm>> -> memref<128x64xi32, #tpu.memory_space<hbm>>
        %dma_start3A_205 = arith.constant 0 : i32
        %dma_start3A_206 = tpu.memref_slice %arg4[%mul3A_197, %dma_start3A_205] : memref<327680x64xi32, #tpu.memory_space<hbm>> -> memref<128x64xi32, #tpu.memory_space<hbm>>
        %dma_start3A_207 = arith.constant 0 : i32
        %dma_start3A_208 = arith.constant 0 : i32
        %dma_start3A_209 = tpu.memref_slice %arg6[%dma_start3A_198, %dma_start3A_207, %dma_start3A_208] : memref<8x128x64xi32, #tpu.memory_space<vmem>> -> memref<1x128x64xi32, #tpu.memory_space<vmem>>
        %dma_start3A_210 = tpu.memref_squeeze %dma_start3A_209 : memref<1x128x64xi32, #tpu.memory_space<vmem>> -> memref<128x64xi32, #tpu.memory_space<vmem>>
        tpu.enqueue_dma source(%dma_start3A_210 : memref<128x64xi32, #tpu.memory_space<vmem>>) target(%dma_start3A_206 : memref<128x64xi32, #tpu.memory_space<hbm>>) target_semaphore(%arg16 : memref<!tpu.dma_semaphore, #tpu.memory_space<semaphore_mem>>)
        %mul3A_211 = arith.constant 8 : i32
        %mul3A_212 = arith.muli %scan3A_127, %mul3A_211 : i32
        %add3A_213 = arith.constant 2 : i32
        %add3A_214 = arith.addi %mul3A_212, %add3A_213 : i32
        %add3A_215 = arith.constant 4 : i32
        %add3A_216 = arith.addi %add3A_214, %add3A_215 : i32
        %lt3A_217 = arith.constant 80 : i32
        %lt3A_218 = arith.cmpi slt, %add3A_216, %lt3A_217 : i32
        %convert_element_type3A_219 = arith.extui %lt3A_218 : i1 to i32
        %cond3A_220 = arith.constant 0 : i32
        %cond3A_221 = arith.cmpi ne, %convert_element_type3A_219, %cond3A_220 : i32
        scf.if %cond3A_221 {
          %ge3A = arith.constant 4 : i32
          %ge3A_464 = arith.cmpi sge, %add3A_214, %ge3A : i32
          %convert_element_type3A_465 = arith.extui %ge3A_464 : i1 to i32
          %cond3A_466 = arith.constant 0 : i32
          %cond3A_467 = arith.cmpi ne, %convert_element_type3A_465, %cond3A_466 : i32
          scf.if %cond3A_467 {
            %dma_wait3A_481 = arith.constant 6 : i32
            %dma_wait3A_482 = arith.constant 0 : i32
            %dma_wait3A_483 = arith.constant 0 : i32
            %dma_wait3A_484 = tpu.memref_slice %arg6[%dma_wait3A_481, %dma_wait3A_482, %dma_wait3A_483] : memref<8x128x64xi32, #tpu.memory_space<vmem>> -> memref<1x128x64xi32, #tpu.memory_space<vmem>>
            %dma_wait3A_485 = tpu.memref_squeeze %dma_wait3A_484 : memref<1x128x64xi32, #tpu.memory_space<vmem>> -> memref<128x64xi32, #tpu.memory_space<vmem>>
            %dma_wait3A_486 = arith.constant 0 : i32
            %dma_wait3A_487 = arith.constant 0 : i32
            %dma_wait3A_488 = tpu.memref_slice %arg4[%dma_wait3A_486, %dma_wait3A_487] : memref<327680x64xi32, #tpu.memory_space<hbm>> -> memref<128x64xi32, #tpu.memory_space<hbm>>
            %dma_wait3A_489 = arith.constant 0 : i32
            %dma_wait3A_490 = arith.constant 0 : i32
            %dma_wait3A_491 = tpu.memref_slice %arg4[%dma_wait3A_489, %dma_wait3A_490] : memref<327680x64xi32, #tpu.memory_space<hbm>> -> memref<128x64xi32, #tpu.memory_space<hbm>>
            %dma_wait3A_492 = arith.constant 0 : i32
            %dma_wait3A_493 = arith.constant 0 : i32
            %dma_wait3A_494 = tpu.memref_slice %arg6[%dma_wait3A_481, %dma_wait3A_492, %dma_wait3A_493] : memref<8x128x64xi32, #tpu.memory_space<vmem>> -> memref<1x128x64xi32, #tpu.memory_space<vmem>>
            %dma_wait3A_495 = tpu.memref_squeeze %dma_wait3A_494 : memref<1x128x64xi32, #tpu.memory_space<vmem>> -> memref<128x64xi32, #tpu.memory_space<vmem>>
            tpu.wait_dma2 semaphore(%arg21 : memref<!tpu.dma_semaphore, #tpu.memory_space<semaphore_mem>>) src(%dma_wait3A_495 : memref<128x64xi32, #tpu.memory_space<vmem>>) dst(%dma_wait3A_491 : memref<128x64xi32, #tpu.memory_space<hbm>>)
          } else {
          }
          %add3A_468 = arith.constant 4 : i32
          %add3A_469 = arith.addi %add3A_214, %add3A_468 : i32
          %dma_start3A_470 = arith.constant 6 : i32
          %dma_start3A_471 = arith.constant 0 : i32
          %dma_start3A_472 = arith.constant 0 : i32
          %dma_start3A_473 = tpu.memref_slice %arg6[%dma_start3A_470, %dma_start3A_471, %dma_start3A_472] : memref<8x128x64xi32, #tpu.memory_space<vmem>> -> memref<1x128x64xi32, #tpu.memory_space<vmem>>
          %dma_start3A_474 = tpu.memref_squeeze %dma_start3A_473 : memref<1x128x64xi32, #tpu.memory_space<vmem>> -> memref<128x64xi32, #tpu.memory_space<vmem>>
          %dma_start3A_475 = arith.constant 0 : i32
          %dma_start3A_476 = tpu.memref_slice %arg5[%add3A_469, %dma_start3A_475] : memref<80x128xi32, #tpu.memory_space<vmem>> -> memref<1x128xi32, #tpu.memory_space<vmem>>
          %dma_start3A_477 = tpu.memref_squeeze %dma_start3A_476 : memref<1x128xi32, #tpu.memory_space<vmem>> -> memref<128xi32, #tpu.memory_space<vmem>>
          %dma_start3A_478 = arith.constant 0 : i32
          %dma_start3A_479 = arith.constant 0 : i32
          %dma_start3A_480 = tpu.memref_slice %arg3[%dma_start3A_478, %dma_start3A_479] : memref<10000x64xi32, #tpu.memory_space<hbm>> -> memref<10000x64xi32, #tpu.memory_space<hbm>>
          tpu.enqueue_indirect_dma source(%dma_start3A_480 : memref<10000x64xi32, #tpu.memory_space<hbm>>) target(%dma_start3A_474 : memref<128x64xi32, #tpu.memory_space<vmem>>) offsets(%dma_start3A_477 : memref<128xi32, #tpu.memory_space<vmem>>) semaphore(%arg13 : memref<!tpu.dma_semaphore, #tpu.memory_space<semaphore_mem>>)
        } else {
        }
        %dma_wait3A_222 = arith.constant 2 : i32
        %dma_wait3A_223 = arith.constant 0 : i32
        %dma_wait3A_224 = arith.constant 0 : i32
        %dma_wait3A_225 = tpu.memref_slice %arg6[%dma_wait3A_222, %dma_wait3A_223, %dma_wait3A_224] : memref<8x128x64xi32, #tpu.memory_space<vmem>> -> memref<1x128x64xi32, #tpu.memory_space<vmem>>
        %dma_wait3A_226 = tpu.memref_squeeze %dma_wait3A_225 : memref<1x128x64xi32, #tpu.memory_space<vmem>> -> memref<128x64xi32, #tpu.memory_space<vmem>>
        %dma_wait3A_227 = arith.constant 0 : i32
        %dma_wait3A_228 = arith.constant 0 : i32
        %dma_wait3A_229 = tpu.memref_slice %arg3[%dma_wait3A_227, %dma_wait3A_228] : memref<10000x64xi32, #tpu.memory_space<hbm>> -> memref<128x64xi32, #tpu.memory_space<hbm>>
        %dma_wait3A_230 = arith.constant 0 : i32
        %dma_wait3A_231 = arith.constant 0 : i32
        %dma_wait3A_232 = tpu.memref_slice %arg6[%dma_wait3A_222, %dma_wait3A_230, %dma_wait3A_231] : memref<8x128x64xi32, #tpu.memory_space<vmem>> -> memref<1x128x64xi32, #tpu.memory_space<vmem>>
        %dma_wait3A_233 = tpu.memref_squeeze %dma_wait3A_232 : memref<1x128x64xi32, #tpu.memory_space<vmem>> -> memref<128x64xi32, #tpu.memory_space<vmem>>
        %dma_wait3A_234 = arith.constant 0 : i32
        %dma_wait3A_235 = arith.constant 0 : i32
        %dma_wait3A_236 = tpu.memref_slice %arg3[%dma_wait3A_234, %dma_wait3A_235] : memref<10000x64xi32, #tpu.memory_space<hbm>> -> memref<128x64xi32, #tpu.memory_space<hbm>>
        tpu.wait_dma2 semaphore(%arg9 : memref<!tpu.dma_semaphore, #tpu.memory_space<semaphore_mem>>) src(%dma_wait3A_236 : memref<128x64xi32, #tpu.memory_space<hbm>>) dst(%dma_wait3A_233 : memref<128x64xi32, #tpu.memory_space<vmem>>)
        %add3A_237 = arith.addi %mul3A_7, %add3A_214 : i32
        %mul3A_238 = arith.constant 128 : i32
        %mul3A_239 = arith.muli %add3A_237, %mul3A_238 : i32
        %dma_start3A_240 = arith.constant 2 : i32
        %dma_start3A_241 = arith.constant 0 : i32
        %dma_start3A_242 = arith.constant 0 : i32
        %dma_start3A_243 = tpu.memref_slice %arg6[%dma_start3A_240, %dma_start3A_241, %dma_start3A_242] : memref<8x128x64xi32, #tpu.memory_space<vmem>> -> memref<1x128x64xi32, #tpu.memory_space<vmem>>
        %dma_start3A_244 = tpu.memref_squeeze %dma_start3A_243 : memref<1x128x64xi32, #tpu.memory_space<vmem>> -> memref<128x64xi32, #tpu.memory_space<vmem>>
        %dma_start3A_245 = arith.constant 0 : i32
        %dma_start3A_246 = tpu.memref_slice %arg4[%mul3A_239, %dma_start3A_245] : memref<327680x64xi32, #tpu.memory_space<hbm>> -> memref<128x64xi32, #tpu.memory_space<hbm>>
        %dma_start3A_247 = arith.constant 0 : i32
        %dma_start3A_248 = tpu.memref_slice %arg4[%mul3A_239, %dma_start3A_247] : memref<327680x64xi32, #tpu.memory_space<hbm>> -> memref<128x64xi32, #tpu.memory_space<hbm>>
        %dma_start3A_249 = arith.constant 0 : i32
        %dma_start3A_250 = arith.constant 0 : i32
        %dma_start3A_251 = tpu.memref_slice %arg6[%dma_start3A_240, %dma_start3A_249, %dma_start3A_250] : memref<8x128x64xi32, #tpu.memory_space<vmem>> -> memref<1x128x64xi32, #tpu.memory_space<vmem>>
        %dma_start3A_252 = tpu.memref_squeeze %dma_start3A_251 : memref<1x128x64xi32, #tpu.memory_space<vmem>> -> memref<128x64xi32, #tpu.memory_space<vmem>>
        tpu.enqueue_dma source(%dma_start3A_252 : memref<128x64xi32, #tpu.memory_space<vmem>>) target(%dma_start3A_248 : memref<128x64xi32, #tpu.memory_space<hbm>>) target_semaphore(%arg17 : memref<!tpu.dma_semaphore, #tpu.memory_space<semaphore_mem>>)
        %mul3A_253 = arith.constant 8 : i32
        %mul3A_254 = arith.muli %scan3A_127, %mul3A_253 : i32
        %add3A_255 = arith.constant 3 : i32
        %add3A_256 = arith.addi %mul3A_254, %add3A_255 : i32
        %add3A_257 = arith.constant 4 : i32
        %add3A_258 = arith.addi %add3A_256, %add3A_257 : i32
        %lt3A_259 = arith.constant 80 : i32
        %lt3A_260 = arith.cmpi slt, %add3A_258, %lt3A_259 : i32
        %convert_element_type3A_261 = arith.extui %lt3A_260 : i1 to i32
        %cond3A_262 = arith.constant 0 : i32
        %cond3A_263 = arith.cmpi ne, %convert_element_type3A_261, %cond3A_262 : i32
        scf.if %cond3A_263 {
          %ge3A = arith.constant 4 : i32
          %ge3A_464 = arith.cmpi sge, %add3A_256, %ge3A : i32
          %convert_element_type3A_465 = arith.extui %ge3A_464 : i1 to i32
          %cond3A_466 = arith.constant 0 : i32
          %cond3A_467 = arith.cmpi ne, %convert_element_type3A_465, %cond3A_466 : i32
          scf.if %cond3A_467 {
            %dma_wait3A_481 = arith.constant 7 : i32
            %dma_wait3A_482 = arith.constant 0 : i32
            %dma_wait3A_483 = arith.constant 0 : i32
            %dma_wait3A_484 = tpu.memref_slice %arg6[%dma_wait3A_481, %dma_wait3A_482, %dma_wait3A_483] : memref<8x128x64xi32, #tpu.memory_space<vmem>> -> memref<1x128x64xi32, #tpu.memory_space<vmem>>
            %dma_wait3A_485 = tpu.memref_squeeze %dma_wait3A_484 : memref<1x128x64xi32, #tpu.memory_space<vmem>> -> memref<128x64xi32, #tpu.memory_space<vmem>>
            %dma_wait3A_486 = arith.constant 0 : i32
            %dma_wait3A_487 = arith.constant 0 : i32
            %dma_wait3A_488 = tpu.memref_slice %arg4[%dma_wait3A_486, %dma_wait3A_487] : memref<327680x64xi32, #tpu.memory_space<hbm>> -> memref<128x64xi32, #tpu.memory_space<hbm>>
            %dma_wait3A_489 = arith.constant 0 : i32
            %dma_wait3A_490 = arith.constant 0 : i32
            %dma_wait3A_491 = tpu.memref_slice %arg4[%dma_wait3A_489, %dma_wait3A_490] : memref<327680x64xi32, #tpu.memory_space<hbm>> -> memref<128x64xi32, #tpu.memory_space<hbm>>
            %dma_wait3A_492 = arith.constant 0 : i32
            %dma_wait3A_493 = arith.constant 0 : i32
            %dma_wait3A_494 = tpu.memref_slice %arg6[%dma_wait3A_481, %dma_wait3A_492, %dma_wait3A_493] : memref<8x128x64xi32, #tpu.memory_space<vmem>> -> memref<1x128x64xi32, #tpu.memory_space<vmem>>
            %dma_wait3A_495 = tpu.memref_squeeze %dma_wait3A_494 : memref<1x128x64xi32, #tpu.memory_space<vmem>> -> memref<128x64xi32, #tpu.memory_space<vmem>>
            tpu.wait_dma2 semaphore(%arg22 : memref<!tpu.dma_semaphore, #tpu.memory_space<semaphore_mem>>) src(%dma_wait3A_495 : memref<128x64xi32, #tpu.memory_space<vmem>>) dst(%dma_wait3A_491 : memref<128x64xi32, #tpu.memory_space<hbm>>)
          } else {
          }
          %add3A_468 = arith.constant 4 : i32
          %add3A_469 = arith.addi %add3A_256, %add3A_468 : i32
          %dma_start3A_470 = arith.constant 7 : i32
          %dma_start3A_471 = arith.constant 0 : i32
          %dma_start3A_472 = arith.constant 0 : i32
          %dma_start3A_473 = tpu.memref_slice %arg6[%dma_start3A_470, %dma_start3A_471, %dma_start3A_472] : memref<8x128x64xi32, #tpu.memory_space<vmem>> -> memref<1x128x64xi32, #tpu.memory_space<vmem>>
          %dma_start3A_474 = tpu.memref_squeeze %dma_start3A_473 : memref<1x128x64xi32, #tpu.memory_space<vmem>> -> memref<128x64xi32, #tpu.memory_space<vmem>>
          %dma_start3A_475 = arith.constant 0 : i32
          %dma_start3A_476 = tpu.memref_slice %arg5[%add3A_469, %dma_start3A_475] : memref<80x128xi32, #tpu.memory_space<vmem>> -> memref<1x128xi32, #tpu.memory_space<vmem>>
          %dma_start3A_477 = tpu.memref_squeeze %dma_start3A_476 : memref<1x128xi32, #tpu.memory_space<vmem>> -> memref<128xi32, #tpu.memory_space<vmem>>
          %dma_start3A_478 = arith.constant 0 : i32
          %dma_start3A_479 = arith.constant 0 : i32
          %dma_start3A_480 = tpu.memref_slice %arg3[%dma_start3A_478, %dma_start3A_479] : memref<10000x64xi32, #tpu.memory_space<hbm>> -> memref<10000x64xi32, #tpu.memory_space<hbm>>
          tpu.enqueue_indirect_dma source(%dma_start3A_480 : memref<10000x64xi32, #tpu.memory_space<hbm>>) target(%dma_start3A_474 : memref<128x64xi32, #tpu.memory_space<vmem>>) offsets(%dma_start3A_477 : memref<128xi32, #tpu.memory_space<vmem>>) semaphore(%arg14 : memref<!tpu.dma_semaphore, #tpu.memory_space<semaphore_mem>>)
        } else {
        }
        %dma_wait3A_264 = arith.constant 3 : i32
        %dma_wait3A_265 = arith.constant 0 : i32
        %dma_wait3A_266 = arith.constant 0 : i32
        %dma_wait3A_267 = tpu.memref_slice %arg6[%dma_wait3A_264, %dma_wait3A_265, %dma_wait3A_266] : memref<8x128x64xi32, #tpu.memory_space<vmem>> -> memref<1x128x64xi32, #tpu.memory_space<vmem>>
        %dma_wait3A_268 = tpu.memref_squeeze %dma_wait3A_267 : memref<1x128x64xi32, #tpu.memory_space<vmem>> -> memref<128x64xi32, #tpu.memory_space<vmem>>
        %dma_wait3A_269 = arith.constant 0 : i32
        %dma_wait3A_270 = arith.constant 0 : i32
        %dma_wait3A_271 = tpu.memref_slice %arg3[%dma_wait3A_269, %dma_wait3A_270] : memref<10000x64xi32, #tpu.memory_space<hbm>> -> memref<128x64xi32, #tpu.memory_space<hbm>>
        %dma_wait3A_272 = arith.constant 0 : i32
        %dma_wait3A_273 = arith.constant 0 : i32
        %dma_wait3A_274 = tpu.memref_slice %arg6[%dma_wait3A_264, %dma_wait3A_272, %dma_wait3A_273] : memref<8x128x64xi32, #tpu.memory_space<vmem>> -> memref<1x128x64xi32, #tpu.memory_space<vmem>>
        %dma_wait3A_275 = tpu.memref_squeeze %dma_wait3A_274 : memref<1x128x64xi32, #tpu.memory_space<vmem>> -> memref<128x64xi32, #tpu.memory_space<vmem>>
        %dma_wait3A_276 = arith.constant 0 : i32
        %dma_wait3A_277 = arith.constant 0 : i32
        %dma_wait3A_278 = tpu.memref_slice %arg3[%dma_wait3A_276, %dma_wait3A_277] : memref<10000x64xi32, #tpu.memory_space<hbm>> -> memref<128x64xi32, #tpu.memory_space<hbm>>
        tpu.wait_dma2 semaphore(%arg10 : memref<!tpu.dma_semaphore, #tpu.memory_space<semaphore_mem>>) src(%dma_wait3A_278 : memref<128x64xi32, #tpu.memory_space<hbm>>) dst(%dma_wait3A_275 : memref<128x64xi32, #tpu.memory_space<vmem>>)
        %add3A_279 = arith.addi %mul3A_7, %add3A_256 : i32
        %mul3A_280 = arith.constant 128 : i32
        %mul3A_281 = arith.muli %add3A_279, %mul3A_280 : i32
        %dma_start3A_282 = arith.constant 3 : i32
        %dma_start3A_283 = arith.constant 0 : i32
        %dma_start3A_284 = arith.constant 0 : i32
        %dma_start3A_285 = tpu.memref_slice %arg6[%dma_start3A_282, %dma_start3A_283, %dma_start3A_284] : memref<8x128x64xi32, #tpu.memory_space<vmem>> -> memref<1x128x64xi32, #tpu.memory_space<vmem>>
        %dma_start3A_286 = tpu.memref_squeeze %dma_start3A_285 : memref<1x128x64xi32, #tpu.memory_space<vmem>> -> memref<128x64xi32, #tpu.memory_space<vmem>>
        %dma_start3A_287 = arith.constant 0 : i32
        %dma_start3A_288 = tpu.memref_slice %arg4[%mul3A_281, %dma_start3A_287] : memref<327680x64xi32, #tpu.memory_space<hbm>> -> memref<128x64xi32, #tpu.memory_space<hbm>>
        %dma_start3A_289 = arith.constant 0 : i32
        %dma_start3A_290 = tpu.memref_slice %arg4[%mul3A_281, %dma_start3A_289] : memref<327680x64xi32, #tpu.memory_space<hbm>> -> memref<128x64xi32, #tpu.memory_space<hbm>>
        %dma_start3A_291 = arith.constant 0 : i32
        %dma_start3A_292 = arith.constant 0 : i32
        %dma_start3A_293 = tpu.memref_slice %arg6[%dma_start3A_282, %dma_start3A_291, %dma_start3A_292] : memref<8x128x64xi32, #tpu.memory_space<vmem>> -> memref<1x128x64xi32, #tpu.memory_space<vmem>>
        %dma_start3A_294 = tpu.memref_squeeze %dma_start3A_293 : memref<1x128x64xi32, #tpu.memory_space<vmem>> -> memref<128x64xi32, #tpu.memory_space<vmem>>
        tpu.enqueue_dma source(%dma_start3A_294 : memref<128x64xi32, #tpu.memory_space<vmem>>) target(%dma_start3A_290 : memref<128x64xi32, #tpu.memory_space<hbm>>) target_semaphore(%arg18 : memref<!tpu.dma_semaphore, #tpu.memory_space<semaphore_mem>>)
        %mul3A_295 = arith.constant 8 : i32
        %mul3A_296 = arith.muli %scan3A_127, %mul3A_295 : i32
        %add3A_297 = arith.constant 4 : i32
        %add3A_298 = arith.addi %mul3A_296, %add3A_297 : i32
        %add3A_299 = arith.constant 4 : i32
        %add3A_300 = arith.addi %add3A_298, %add3A_299 : i32
        %lt3A_301 = arith.constant 80 : i32
        %lt3A_302 = arith.cmpi slt, %add3A_300, %lt3A_301 : i32
        %convert_element_type3A_303 = arith.extui %lt3A_302 : i1 to i32
        %cond3A_304 = arith.constant 0 : i32
        %cond3A_305 = arith.cmpi ne, %convert_element_type3A_303, %cond3A_304 : i32
        scf.if %cond3A_305 {
          %ge3A = arith.constant 4 : i32
          %ge3A_464 = arith.cmpi sge, %add3A_298, %ge3A : i32
          %convert_element_type3A_465 = arith.extui %ge3A_464 : i1 to i32
          %cond3A_466 = arith.constant 0 : i32
          %cond3A_467 = arith.cmpi ne, %convert_element_type3A_465, %cond3A_466 : i32
          scf.if %cond3A_467 {
            %dma_wait3A_481 = arith.constant 0 : i32
            %dma_wait3A_482 = arith.constant 0 : i32
            %dma_wait3A_483 = arith.constant 0 : i32
            %dma_wait3A_484 = tpu.memref_slice %arg6[%dma_wait3A_481, %dma_wait3A_482, %dma_wait3A_483] : memref<8x128x64xi32, #tpu.memory_space<vmem>> -> memref<1x128x64xi32, #tpu.memory_space<vmem>>
            %dma_wait3A_485 = tpu.memref_squeeze %dma_wait3A_484 : memref<1x128x64xi32, #tpu.memory_space<vmem>> -> memref<128x64xi32, #tpu.memory_space<vmem>>
            %dma_wait3A_486 = arith.constant 0 : i32
            %dma_wait3A_487 = arith.constant 0 : i32
            %dma_wait3A_488 = tpu.memref_slice %arg4[%dma_wait3A_486, %dma_wait3A_487] : memref<327680x64xi32, #tpu.memory_space<hbm>> -> memref<128x64xi32, #tpu.memory_space<hbm>>
            %dma_wait3A_489 = arith.constant 0 : i32
            %dma_wait3A_490 = arith.constant 0 : i32
            %dma_wait3A_491 = tpu.memref_slice %arg4[%dma_wait3A_489, %dma_wait3A_490] : memref<327680x64xi32, #tpu.memory_space<hbm>> -> memref<128x64xi32, #tpu.memory_space<hbm>>
            %dma_wait3A_492 = arith.constant 0 : i32
            %dma_wait3A_493 = arith.constant 0 : i32
            %dma_wait3A_494 = tpu.memref_slice %arg6[%dma_wait3A_481, %dma_wait3A_492, %dma_wait3A_493] : memref<8x128x64xi32, #tpu.memory_space<vmem>> -> memref<1x128x64xi32, #tpu.memory_space<vmem>>
            %dma_wait3A_495 = tpu.memref_squeeze %dma_wait3A_494 : memref<1x128x64xi32, #tpu.memory_space<vmem>> -> memref<128x64xi32, #tpu.memory_space<vmem>>
            tpu.wait_dma2 semaphore(%arg15 : memref<!tpu.dma_semaphore, #tpu.memory_space<semaphore_mem>>) src(%dma_wait3A_495 : memref<128x64xi32, #tpu.memory_space<vmem>>) dst(%dma_wait3A_491 : memref<128x64xi32, #tpu.memory_space<hbm>>)
          } else {
          }
          %add3A_468 = arith.constant 4 : i32
          %add3A_469 = arith.addi %add3A_298, %add3A_468 : i32
          %dma_start3A_470 = arith.constant 0 : i32
          %dma_start3A_471 = arith.constant 0 : i32
          %dma_start3A_472 = arith.constant 0 : i32
          %dma_start3A_473 = tpu.memref_slice %arg6[%dma_start3A_470, %dma_start3A_471, %dma_start3A_472] : memref<8x128x64xi32, #tpu.memory_space<vmem>> -> memref<1x128x64xi32, #tpu.memory_space<vmem>>
          %dma_start3A_474 = tpu.memref_squeeze %dma_start3A_473 : memref<1x128x64xi32, #tpu.memory_space<vmem>> -> memref<128x64xi32, #tpu.memory_space<vmem>>
          %dma_start3A_475 = arith.constant 0 : i32
          %dma_start3A_476 = tpu.memref_slice %arg5[%add3A_469, %dma_start3A_475] : memref<80x128xi32, #tpu.memory_space<vmem>> -> memref<1x128xi32, #tpu.memory_space<vmem>>
          %dma_start3A_477 = tpu.memref_squeeze %dma_start3A_476 : memref<1x128xi32, #tpu.memory_space<vmem>> -> memref<128xi32, #tpu.memory_space<vmem>>
          %dma_start3A_478 = arith.constant 0 : i32
          %dma_start3A_479 = arith.constant 0 : i32
          %dma_start3A_480 = tpu.memref_slice %arg3[%dma_start3A_478, %dma_start3A_479] : memref<10000x64xi32, #tpu.memory_space<hbm>> -> memref<10000x64xi32, #tpu.memory_space<hbm>>
          tpu.enqueue_indirect_dma source(%dma_start3A_480 : memref<10000x64xi32, #tpu.memory_space<hbm>>) target(%dma_start3A_474 : memref<128x64xi32, #tpu.memory_space<vmem>>) offsets(%dma_start3A_477 : memref<128xi32, #tpu.memory_space<vmem>>) semaphore(%arg7 : memref<!tpu.dma_semaphore, #tpu.memory_space<semaphore_mem>>)
        } else {
        }
        %dma_wait3A_306 = arith.constant 4 : i32
        %dma_wait3A_307 = arith.constant 0 : i32
        %dma_wait3A_308 = arith.constant 0 : i32
        %dma_wait3A_309 = tpu.memref_slice %arg6[%dma_wait3A_306, %dma_wait3A_307, %dma_wait3A_308] : memref<8x128x64xi32, #tpu.memory_space<vmem>> -> memref<1x128x64xi32, #tpu.memory_space<vmem>>
        %dma_wait3A_310 = tpu.memref_squeeze %dma_wait3A_309 : memref<1x128x64xi32, #tpu.memory_space<vmem>> -> memref<128x64xi32, #tpu.memory_space<vmem>>
        %dma_wait3A_311 = arith.constant 0 : i32
        %dma_wait3A_312 = arith.constant 0 : i32
        %dma_wait3A_313 = tpu.memref_slice %arg3[%dma_wait3A_311, %dma_wait3A_312] : memref<10000x64xi32, #tpu.memory_space<hbm>> -> memref<128x64xi32, #tpu.memory_space<hbm>>
        %dma_wait3A_314 = arith.constant 0 : i32
        %dma_wait3A_315 = arith.constant 0 : i32
        %dma_wait3A_316 = tpu.memref_slice %arg6[%dma_wait3A_306, %dma_wait3A_314, %dma_wait3A_315] : memref<8x128x64xi32, #tpu.memory_space<vmem>> -> memref<1x128x64xi32, #tpu.memory_space<vmem>>
        %dma_wait3A_317 = tpu.memref_squeeze %dma_wait3A_316 : memref<1x128x64xi32, #tpu.memory_space<vmem>> -> memref<128x64xi32, #tpu.memory_space<vmem>>
        %dma_wait3A_318 = arith.constant 0 : i32
        %dma_wait3A_319 = arith.constant 0 : i32
        %dma_wait3A_320 = tpu.memref_slice %arg3[%dma_wait3A_318, %dma_wait3A_319] : memref<10000x64xi32, #tpu.memory_space<hbm>> -> memref<128x64xi32, #tpu.memory_space<hbm>>
        tpu.wait_dma2 semaphore(%arg11 : memref<!tpu.dma_semaphore, #tpu.memory_space<semaphore_mem>>) src(%dma_wait3A_320 : memref<128x64xi32, #tpu.memory_space<hbm>>) dst(%dma_wait3A_317 : memref<128x64xi32, #tpu.memory_space<vmem>>)
        %add3A_321 = arith.addi %mul3A_7, %add3A_298 : i32
        %mul3A_322 = arith.constant 128 : i32
        %mul3A_323 = arith.muli %add3A_321, %mul3A_322 : i32
        %dma_start3A_324 = arith.constant 4 : i32
        %dma_start3A_325 = arith.constant 0 : i32
        %dma_start3A_326 = arith.constant 0 : i32
        %dma_start3A_327 = tpu.memref_slice %arg6[%dma_start3A_324, %dma_start3A_325, %dma_start3A_326] : memref<8x128x64xi32, #tpu.memory_space<vmem>> -> memref<1x128x64xi32, #tpu.memory_space<vmem>>
        %dma_start3A_328 = tpu.memref_squeeze %dma_start3A_327 : memref<1x128x64xi32, #tpu.memory_space<vmem>> -> memref<128x64xi32, #tpu.memory_space<vmem>>
        %dma_start3A_329 = arith.constant 0 : i32
        %dma_start3A_330 = tpu.memref_slice %arg4[%mul3A_323, %dma_start3A_329] : memref<327680x64xi32, #tpu.memory_space<hbm>> -> memref<128x64xi32, #tpu.memory_space<hbm>>
        %dma_start3A_331 = arith.constant 0 : i32
        %dma_start3A_332 = tpu.memref_slice %arg4[%mul3A_323, %dma_start3A_331] : memref<327680x64xi32, #tpu.memory_space<hbm>> -> memref<128x64xi32, #tpu.memory_space<hbm>>
        %dma_start3A_333 = arith.constant 0 : i32
        %dma_start3A_334 = arith.constant 0 : i32
        %dma_start3A_335 = tpu.memref_slice %arg6[%dma_start3A_324, %dma_start3A_333, %dma_start3A_334] : memref<8x128x64xi32, #tpu.memory_space<vmem>> -> memref<1x128x64xi32, #tpu.memory_space<vmem>>
        %dma_start3A_336 = tpu.memref_squeeze %dma_start3A_335 : memref<1x128x64xi32, #tpu.memory_space<vmem>> -> memref<128x64xi32, #tpu.memory_space<vmem>>
        tpu.enqueue_dma source(%dma_start3A_336 : memref<128x64xi32, #tpu.memory_space<vmem>>) target(%dma_start3A_332 : memref<128x64xi32, #tpu.memory_space<hbm>>) target_semaphore(%arg19 : memref<!tpu.dma_semaphore, #tpu.memory_space<semaphore_mem>>)
        %mul3A_337 = arith.constant 8 : i32
        %mul3A_338 = arith.muli %scan3A_127, %mul3A_337 : i32
        %add3A_339 = arith.constant 5 : i32
        %add3A_340 = arith.addi %mul3A_338, %add3A_339 : i32
        %add3A_341 = arith.constant 4 : i32
        %add3A_342 = arith.addi %add3A_340, %add3A_341 : i32
        %lt3A_343 = arith.constant 80 : i32
        %lt3A_344 = arith.cmpi slt, %add3A_342, %lt3A_343 : i32
        %convert_element_type3A_345 = arith.extui %lt3A_344 : i1 to i32
        %cond3A_346 = arith.constant 0 : i32
        %cond3A_347 = arith.cmpi ne, %convert_element_type3A_345, %cond3A_346 : i32
        scf.if %cond3A_347 {
          %ge3A = arith.constant 4 : i32
          %ge3A_464 = arith.cmpi sge, %add3A_340, %ge3A : i32
          %convert_element_type3A_465 = arith.extui %ge3A_464 : i1 to i32
          %cond3A_466 = arith.constant 0 : i32
          %cond3A_467 = arith.cmpi ne, %convert_element_type3A_465, %cond3A_466 : i32
          scf.if %cond3A_467 {
            %dma_wait3A_481 = arith.constant 1 : i32
            %dma_wait3A_482 = arith.constant 0 : i32
            %dma_wait3A_483 = arith.constant 0 : i32
            %dma_wait3A_484 = tpu.memref_slice %arg6[%dma_wait3A_481, %dma_wait3A_482, %dma_wait3A_483] : memref<8x128x64xi32, #tpu.memory_space<vmem>> -> memref<1x128x64xi32, #tpu.memory_space<vmem>>
            %dma_wait3A_485 = tpu.memref_squeeze %dma_wait3A_484 : memref<1x128x64xi32, #tpu.memory_space<vmem>> -> memref<128x64xi32, #tpu.memory_space<vmem>>
            %dma_wait3A_486 = arith.constant 0 : i32
            %dma_wait3A_487 = arith.constant 0 : i32
            %dma_wait3A_488 = tpu.memref_slice %arg4[%dma_wait3A_486, %dma_wait3A_487] : memref<327680x64xi32, #tpu.memory_space<hbm>> -> memref<128x64xi32, #tpu.memory_space<hbm>>
            %dma_wait3A_489 = arith.constant 0 : i32
            %dma_wait3A_490 = arith.constant 0 : i32
            %dma_wait3A_491 = tpu.memref_slice %arg4[%dma_wait3A_489, %dma_wait3A_490] : memref<327680x64xi32, #tpu.memory_space<hbm>> -> memref<128x64xi32, #tpu.memory_space<hbm>>
            %dma_wait3A_492 = arith.constant 0 : i32
            %dma_wait3A_493 = arith.constant 0 : i32
            %dma_wait3A_494 = tpu.memref_slice %arg6[%dma_wait3A_481, %dma_wait3A_492, %dma_wait3A_493] : memref<8x128x64xi32, #tpu.memory_space<vmem>> -> memref<1x128x64xi32, #tpu.memory_space<vmem>>
            %dma_wait3A_495 = tpu.memref_squeeze %dma_wait3A_494 : memref<1x128x64xi32, #tpu.memory_space<vmem>> -> memref<128x64xi32, #tpu.memory_space<vmem>>
            tpu.wait_dma2 semaphore(%arg16 : memref<!tpu.dma_semaphore, #tpu.memory_space<semaphore_mem>>) src(%dma_wait3A_495 : memref<128x64xi32, #tpu.memory_space<vmem>>) dst(%dma_wait3A_491 : memref<128x64xi32, #tpu.memory_space<hbm>>)
          } else {
          }
          %add3A_468 = arith.constant 4 : i32
          %add3A_469 = arith.addi %add3A_340, %add3A_468 : i32
          %dma_start3A_470 = arith.constant 1 : i32
          %dma_start3A_471 = arith.constant 0 : i32
          %dma_start3A_472 = arith.constant 0 : i32
          %dma_start3A_473 = tpu.memref_slice %arg6[%dma_start3A_470, %dma_start3A_471, %dma_start3A_472] : memref<8x128x64xi32, #tpu.memory_space<vmem>> -> memref<1x128x64xi32, #tpu.memory_space<vmem>>
          %dma_start3A_474 = tpu.memref_squeeze %dma_start3A_473 : memref<1x128x64xi32, #tpu.memory_space<vmem>> -> memref<128x64xi32, #tpu.memory_space<vmem>>
          %dma_start3A_475 = arith.constant 0 : i32
          %dma_start3A_476 = tpu.memref_slice %arg5[%add3A_469, %dma_start3A_475] : memref<80x128xi32, #tpu.memory_space<vmem>> -> memref<1x128xi32, #tpu.memory_space<vmem>>
          %dma_start3A_477 = tpu.memref_squeeze %dma_start3A_476 : memref<1x128xi32, #tpu.memory_space<vmem>> -> memref<128xi32, #tpu.memory_space<vmem>>
          %dma_start3A_478 = arith.constant 0 : i32
          %dma_start3A_479 = arith.constant 0 : i32
          %dma_start3A_480 = tpu.memref_slice %arg3[%dma_start3A_478, %dma_start3A_479] : memref<10000x64xi32, #tpu.memory_space<hbm>> -> memref<10000x64xi32, #tpu.memory_space<hbm>>
          tpu.enqueue_indirect_dma source(%dma_start3A_480 : memref<10000x64xi32, #tpu.memory_space<hbm>>) target(%dma_start3A_474 : memref<128x64xi32, #tpu.memory_space<vmem>>) offsets(%dma_start3A_477 : memref<128xi32, #tpu.memory_space<vmem>>) semaphore(%arg8 : memref<!tpu.dma_semaphore, #tpu.memory_space<semaphore_mem>>)
        } else {
        }
        %dma_wait3A_348 = arith.constant 5 : i32
        %dma_wait3A_349 = arith.constant 0 : i32
        %dma_wait3A_350 = arith.constant 0 : i32
        %dma_wait3A_351 = tpu.memref_slice %arg6[%dma_wait3A_348, %dma_wait3A_349, %dma_wait3A_350] : memref<8x128x64xi32, #tpu.memory_space<vmem>> -> memref<1x128x64xi32, #tpu.memory_space<vmem>>
        %dma_wait3A_352 = tpu.memref_squeeze %dma_wait3A_351 : memref<1x128x64xi32, #tpu.memory_space<vmem>> -> memref<128x64xi32, #tpu.memory_space<vmem>>
        %dma_wait3A_353 = arith.constant 0 : i32
        %dma_wait3A_354 = arith.constant 0 : i32
        %dma_wait3A_355 = tpu.memref_slice %arg3[%dma_wait3A_353, %dma_wait3A_354] : memref<10000x64xi32, #tpu.memory_space<hbm>> -> memref<128x64xi32, #tpu.memory_space<hbm>>
        %dma_wait3A_356 = arith.constant 0 : i32
        %dma_wait3A_357 = arith.constant 0 : i32
        %dma_wait3A_358 = tpu.memref_slice %arg6[%dma_wait3A_348, %dma_wait3A_356, %dma_wait3A_357] : memref<8x128x64xi32, #tpu.memory_space<vmem>> -> memref<1x128x64xi32, #tpu.memory_space<vmem>>
        %dma_wait3A_359 = tpu.memref_squeeze %dma_wait3A_358 : memref<1x128x64xi32, #tpu.memory_space<vmem>> -> memref<128x64xi32, #tpu.memory_space<vmem>>
        %dma_wait3A_360 = arith.constant 0 : i32
        %dma_wait3A_361 = arith.constant 0 : i32
        %dma_wait3A_362 = tpu.memref_slice %arg3[%dma_wait3A_360, %dma_wait3A_361] : memref<10000x64xi32, #tpu.memory_space<hbm>> -> memref<128x64xi32, #tpu.memory_space<hbm>>
        tpu.wait_dma2 semaphore(%arg12 : memref<!tpu.dma_semaphore, #tpu.memory_space<semaphore_mem>>) src(%dma_wait3A_362 : memref<128x64xi32, #tpu.memory_space<hbm>>) dst(%dma_wait3A_359 : memref<128x64xi32, #tpu.memory_space<vmem>>)
        %add3A_363 = arith.addi %mul3A_7, %add3A_340 : i32
        %mul3A_364 = arith.constant 128 : i32
        %mul3A_365 = arith.muli %add3A_363, %mul3A_364 : i32
        %dma_start3A_366 = arith.constant 5 : i32
        %dma_start3A_367 = arith.constant 0 : i32
        %dma_start3A_368 = arith.constant 0 : i32
        %dma_start3A_369 = tpu.memref_slice %arg6[%dma_start3A_366, %dma_start3A_367, %dma_start3A_368] : memref<8x128x64xi32, #tpu.memory_space<vmem>> -> memref<1x128x64xi32, #tpu.memory_space<vmem>>
        %dma_start3A_370 = tpu.memref_squeeze %dma_start3A_369 : memref<1x128x64xi32, #tpu.memory_space<vmem>> -> memref<128x64xi32, #tpu.memory_space<vmem>>
        %dma_start3A_371 = arith.constant 0 : i32
        %dma_start3A_372 = tpu.memref_slice %arg4[%mul3A_365, %dma_start3A_371] : memref<327680x64xi32, #tpu.memory_space<hbm>> -> memref<128x64xi32, #tpu.memory_space<hbm>>
        %dma_start3A_373 = arith.constant 0 : i32
        %dma_start3A_374 = tpu.memref_slice %arg4[%mul3A_365, %dma_start3A_373] : memref<327680x64xi32, #tpu.memory_space<hbm>> -> memref<128x64xi32, #tpu.memory_space<hbm>>
        %dma_start3A_375 = arith.constant 0 : i32
        %dma_start3A_376 = arith.constant 0 : i32
        %dma_start3A_377 = tpu.memref_slice %arg6[%dma_start3A_366, %dma_start3A_375, %dma_start3A_376] : memref<8x128x64xi32, #tpu.memory_space<vmem>> -> memref<1x128x64xi32, #tpu.memory_space<vmem>>
        %dma_start3A_378 = tpu.memref_squeeze %dma_start3A_377 : memref<1x128x64xi32, #tpu.memory_space<vmem>> -> memref<128x64xi32, #tpu.memory_space<vmem>>
        tpu.enqueue_dma source(%dma_start3A_378 : memref<128x64xi32, #tpu.memory_space<vmem>>) target(%dma_start3A_374 : memref<128x64xi32, #tpu.memory_space<hbm>>) target_semaphore(%arg20 : memref<!tpu.dma_semaphore, #tpu.memory_space<semaphore_mem>>)
        %mul3A_379 = arith.constant 8 : i32
        %mul3A_380 = arith.muli %scan3A_127, %mul3A_379 : i32
        %add3A_381 = arith.constant 6 : i32
        %add3A_382 = arith.addi %mul3A_380, %add3A_381 : i32
        %add3A_383 = arith.constant 4 : i32
        %add3A_384 = arith.addi %add3A_382, %add3A_383 : i32
        %lt3A_385 = arith.constant 80 : i32
        %lt3A_386 = arith.cmpi slt, %add3A_384, %lt3A_385 : i32
        %convert_element_type3A_387 = arith.extui %lt3A_386 : i1 to i32
        %cond3A_388 = arith.constant 0 : i32
        %cond3A_389 = arith.cmpi ne, %convert_element_type3A_387, %cond3A_388 : i32
        scf.if %cond3A_389 {
          %ge3A = arith.constant 4 : i32
          %ge3A_464 = arith.cmpi sge, %add3A_382, %ge3A : i32
          %convert_element_type3A_465 = arith.extui %ge3A_464 : i1 to i32
          %cond3A_466 = arith.constant 0 : i32
          %cond3A_467 = arith.cmpi ne, %convert_element_type3A_465, %cond3A_466 : i32
          scf.if %cond3A_467 {
            %dma_wait3A_481 = arith.constant 2 : i32
            %dma_wait3A_482 = arith.constant 0 : i32
            %dma_wait3A_483 = arith.constant 0 : i32
            %dma_wait3A_484 = tpu.memref_slice %arg6[%dma_wait3A_481, %dma_wait3A_482, %dma_wait3A_483] : memref<8x128x64xi32, #tpu.memory_space<vmem>> -> memref<1x128x64xi32, #tpu.memory_space<vmem>>
            %dma_wait3A_485 = tpu.memref_squeeze %dma_wait3A_484 : memref<1x128x64xi32, #tpu.memory_space<vmem>> -> memref<128x64xi32, #tpu.memory_space<vmem>>
            %dma_wait3A_486 = arith.constant 0 : i32
            %dma_wait3A_487 = arith.constant 0 : i32
            %dma_wait3A_488 = tpu.memref_slice %arg4[%dma_wait3A_486, %dma_wait3A_487] : memref<327680x64xi32, #tpu.memory_space<hbm>> -> memref<128x64xi32, #tpu.memory_space<hbm>>
            %dma_wait3A_489 = arith.constant 0 : i32
            %dma_wait3A_490 = arith.constant 0 : i32
            %dma_wait3A_491 = tpu.memref_slice %arg4[%dma_wait3A_489, %dma_wait3A_490] : memref<327680x64xi32, #tpu.memory_space<hbm>> -> memref<128x64xi32, #tpu.memory_space<hbm>>
            %dma_wait3A_492 = arith.constant 0 : i32
            %dma_wait3A_493 = arith.constant 0 : i32
            %dma_wait3A_494 = tpu.memref_slice %arg6[%dma_wait3A_481, %dma_wait3A_492, %dma_wait3A_493] : memref<8x128x64xi32, #tpu.memory_space<vmem>> -> memref<1x128x64xi32, #tpu.memory_space<vmem>>
            %dma_wait3A_495 = tpu.memref_squeeze %dma_wait3A_494 : memref<1x128x64xi32, #tpu.memory_space<vmem>> -> memref<128x64xi32, #tpu.memory_space<vmem>>
            tpu.wait_dma2 semaphore(%arg17 : memref<!tpu.dma_semaphore, #tpu.memory_space<semaphore_mem>>) src(%dma_wait3A_495 : memref<128x64xi32, #tpu.memory_space<vmem>>) dst(%dma_wait3A_491 : memref<128x64xi32, #tpu.memory_space<hbm>>)
          } else {
          }
          %add3A_468 = arith.constant 4 : i32
          %add3A_469 = arith.addi %add3A_382, %add3A_468 : i32
          %dma_start3A_470 = arith.constant 2 : i32
          %dma_start3A_471 = arith.constant 0 : i32
          %dma_start3A_472 = arith.constant 0 : i32
          %dma_start3A_473 = tpu.memref_slice %arg6[%dma_start3A_470, %dma_start3A_471, %dma_start3A_472] : memref<8x128x64xi32, #tpu.memory_space<vmem>> -> memref<1x128x64xi32, #tpu.memory_space<vmem>>
          %dma_start3A_474 = tpu.memref_squeeze %dma_start3A_473 : memref<1x128x64xi32, #tpu.memory_space<vmem>> -> memref<128x64xi32, #tpu.memory_space<vmem>>
          %dma_start3A_475 = arith.constant 0 : i32
          %dma_start3A_476 = tpu.memref_slice %arg5[%add3A_469, %dma_start3A_475] : memref<80x128xi32, #tpu.memory_space<vmem>> -> memref<1x128xi32, #tpu.memory_space<vmem>>
          %dma_start3A_477 = tpu.memref_squeeze %dma_start3A_476 : memref<1x128xi32, #tpu.memory_space<vmem>> -> memref<128xi32, #tpu.memory_space<vmem>>
          %dma_start3A_478 = arith.constant 0 : i32
          %dma_start3A_479 = arith.constant 0 : i32
          %dma_start3A_480 = tpu.memref_slice %arg3[%dma_start3A_478, %dma_start3A_479] : memref<10000x64xi32, #tpu.memory_space<hbm>> -> memref<10000x64xi32, #tpu.memory_space<hbm>>
          tpu.enqueue_indirect_dma source(%dma_start3A_480 : memref<10000x64xi32, #tpu.memory_space<hbm>>) target(%dma_start3A_474 : memref<128x64xi32, #tpu.memory_space<vmem>>) offsets(%dma_start3A_477 : memref<128xi32, #tpu.memory_space<vmem>>) semaphore(%arg9 : memref<!tpu.dma_semaphore, #tpu.memory_space<semaphore_mem>>)
        } else {
        }
        %dma_wait3A_390 = arith.constant 6 : i32
        %dma_wait3A_391 = arith.constant 0 : i32
        %dma_wait3A_392 = arith.constant 0 : i32
        %dma_wait3A_393 = tpu.memref_slice %arg6[%dma_wait3A_390, %dma_wait3A_391, %dma_wait3A_392] : memref<8x128x64xi32, #tpu.memory_space<vmem>> -> memref<1x128x64xi32, #tpu.memory_space<vmem>>
        %dma_wait3A_394 = tpu.memref_squeeze %dma_wait3A_393 : memref<1x128x64xi32, #tpu.memory_space<vmem>> -> memref<128x64xi32, #tpu.memory_space<vmem>>
        %dma_wait3A_395 = arith.constant 0 : i32
        %dma_wait3A_396 = arith.constant 0 : i32
        %dma_wait3A_397 = tpu.memref_slice %arg3[%dma_wait3A_395, %dma_wait3A_396] : memref<10000x64xi32, #tpu.memory_space<hbm>> -> memref<128x64xi32, #tpu.memory_space<hbm>>
        %dma_wait3A_398 = arith.constant 0 : i32
        %dma_wait3A_399 = arith.constant 0 : i32
        %dma_wait3A_400 = tpu.memref_slice %arg6[%dma_wait3A_390, %dma_wait3A_398, %dma_wait3A_399] : memref<8x128x64xi32, #tpu.memory_space<vmem>> -> memref<1x128x64xi32, #tpu.memory_space<vmem>>
        %dma_wait3A_401 = tpu.memref_squeeze %dma_wait3A_400 : memref<1x128x64xi32, #tpu.memory_space<vmem>> -> memref<128x64xi32, #tpu.memory_space<vmem>>
        %dma_wait3A_402 = arith.constant 0 : i32
        %dma_wait3A_403 = arith.constant 0 : i32
        %dma_wait3A_404 = tpu.memref_slice %arg3[%dma_wait3A_402, %dma_wait3A_403] : memref<10000x64xi32, #tpu.memory_space<hbm>> -> memref<128x64xi32, #tpu.memory_space<hbm>>
        tpu.wait_dma2 semaphore(%arg13 : memref<!tpu.dma_semaphore, #tpu.memory_space<semaphore_mem>>) src(%dma_wait3A_404 : memref<128x64xi32, #tpu.memory_space<hbm>>) dst(%dma_wait3A_401 : memref<128x64xi32, #tpu.memory_space<vmem>>)
        %add3A_405 = arith.addi %mul3A_7, %add3A_382 : i32
        %mul3A_406 = arith.constant 128 : i32
        %mul3A_407 = arith.muli %add3A_405, %mul3A_406 : i32
        %dma_start3A_408 = arith.constant 6 : i32
        %dma_start3A_409 = arith.constant 0 : i32
        %dma_start3A_410 = arith.constant 0 : i32
        %dma_start3A_411 = tpu.memref_slice %arg6[%dma_start3A_408, %dma_start3A_409, %dma_start3A_410] : memref<8x128x64xi32, #tpu.memory_space<vmem>> -> memref<1x128x64xi32, #tpu.memory_space<vmem>>
        %dma_start3A_412 = tpu.memref_squeeze %dma_start3A_411 : memref<1x128x64xi32, #tpu.memory_space<vmem>> -> memref<128x64xi32, #tpu.memory_space<vmem>>
        %dma_start3A_413 = arith.constant 0 : i32
        %dma_start3A_414 = tpu.memref_slice %arg4[%mul3A_407, %dma_start3A_413] : memref<327680x64xi32, #tpu.memory_space<hbm>> -> memref<128x64xi32, #tpu.memory_space<hbm>>
        %dma_start3A_415 = arith.constant 0 : i32
        %dma_start3A_416 = tpu.memref_slice %arg4[%mul3A_407, %dma_start3A_415] : memref<327680x64xi32, #tpu.memory_space<hbm>> -> memref<128x64xi32, #tpu.memory_space<hbm>>
        %dma_start3A_417 = arith.constant 0 : i32
        %dma_start3A_418 = arith.constant 0 : i32
        %dma_start3A_419 = tpu.memref_slice %arg6[%dma_start3A_408, %dma_start3A_417, %dma_start3A_418] : memref<8x128x64xi32, #tpu.memory_space<vmem>> -> memref<1x128x64xi32, #tpu.memory_space<vmem>>
        %dma_start3A_420 = tpu.memref_squeeze %dma_start3A_419 : memref<1x128x64xi32, #tpu.memory_space<vmem>> -> memref<128x64xi32, #tpu.memory_space<vmem>>
        tpu.enqueue_dma source(%dma_start3A_420 : memref<128x64xi32, #tpu.memory_space<vmem>>) target(%dma_start3A_416 : memref<128x64xi32, #tpu.memory_space<hbm>>) target_semaphore(%arg21 : memref<!tpu.dma_semaphore, #tpu.memory_space<semaphore_mem>>)
        %mul3A_421 = arith.constant 8 : i32
        %mul3A_422 = arith.muli %scan3A_127, %mul3A_421 : i32
        %add3A_423 = arith.constant 7 : i32
        %add3A_424 = arith.addi %mul3A_422, %add3A_423 : i32
        %add3A_425 = arith.constant 4 : i32
        %add3A_426 = arith.addi %add3A_424, %add3A_425 : i32
        %lt3A_427 = arith.constant 80 : i32
        %lt3A_428 = arith.cmpi slt, %add3A_426, %lt3A_427 : i32
        %convert_element_type3A_429 = arith.extui %lt3A_428 : i1 to i32
        %cond3A_430 = arith.constant 0 : i32
        %cond3A_431 = arith.cmpi ne, %convert_element_type3A_429, %cond3A_430 : i32
        scf.if %cond3A_431 {
          %ge3A = arith.constant 4 : i32
          %ge3A_464 = arith.cmpi sge, %add3A_424, %ge3A : i32
          %convert_element_type3A_465 = arith.extui %ge3A_464 : i1 to i32
          %cond3A_466 = arith.constant 0 : i32
          %cond3A_467 = arith.cmpi ne, %convert_element_type3A_465, %cond3A_466 : i32
          scf.if %cond3A_467 {
            %dma_wait3A_481 = arith.constant 3 : i32
            %dma_wait3A_482 = arith.constant 0 : i32
            %dma_wait3A_483 = arith.constant 0 : i32
            %dma_wait3A_484 = tpu.memref_slice %arg6[%dma_wait3A_481, %dma_wait3A_482, %dma_wait3A_483] : memref<8x128x64xi32, #tpu.memory_space<vmem>> -> memref<1x128x64xi32, #tpu.memory_space<vmem>>
            %dma_wait3A_485 = tpu.memref_squeeze %dma_wait3A_484 : memref<1x128x64xi32, #tpu.memory_space<vmem>> -> memref<128x64xi32, #tpu.memory_space<vmem>>
            %dma_wait3A_486 = arith.constant 0 : i32
            %dma_wait3A_487 = arith.constant 0 : i32
            %dma_wait3A_488 = tpu.memref_slice %arg4[%dma_wait3A_486, %dma_wait3A_487] : memref<327680x64xi32, #tpu.memory_space<hbm>> -> memref<128x64xi32, #tpu.memory_space<hbm>>
            %dma_wait3A_489 = arith.constant 0 : i32
            %dma_wait3A_490 = arith.constant 0 : i32
            %dma_wait3A_491 = tpu.memref_slice %arg4[%dma_wait3A_489, %dma_wait3A_490] : memref<327680x64xi32, #tpu.memory_space<hbm>> -> memref<128x64xi32, #tpu.memory_space<hbm>>
            %dma_wait3A_492 = arith.constant 0 : i32
            %dma_wait3A_493 = arith.constant 0 : i32
            %dma_wait3A_494 = tpu.memref_slice %arg6[%dma_wait3A_481, %dma_wait3A_492, %dma_wait3A_493] : memref<8x128x64xi32, #tpu.memory_space<vmem>> -> memref<1x128x64xi32, #tpu.memory_space<vmem>>
            %dma_wait3A_495 = tpu.memref_squeeze %dma_wait3A_494 : memref<1x128x64xi32, #tpu.memory_space<vmem>> -> memref<128x64xi32, #tpu.memory_space<vmem>>
            tpu.wait_dma2 semaphore(%arg18 : memref<!tpu.dma_semaphore, #tpu.memory_space<semaphore_mem>>) src(%dma_wait3A_495 : memref<128x64xi32, #tpu.memory_space<vmem>>) dst(%dma_wait3A_491 : memref<128x64xi32, #tpu.memory_space<hbm>>)
          } else {
          }
          %add3A_468 = arith.constant 4 : i32
          %add3A_469 = arith.addi %add3A_424, %add3A_468 : i32
          %dma_start3A_470 = arith.constant 3 : i32
          %dma_start3A_471 = arith.constant 0 : i32
          %dma_start3A_472 = arith.constant 0 : i32
          %dma_start3A_473 = tpu.memref_slice %arg6[%dma_start3A_470, %dma_start3A_471, %dma_start3A_472] : memref<8x128x64xi32, #tpu.memory_space<vmem>> -> memref<1x128x64xi32, #tpu.memory_space<vmem>>
          %dma_start3A_474 = tpu.memref_squeeze %dma_start3A_473 : memref<1x128x64xi32, #tpu.memory_space<vmem>> -> memref<128x64xi32, #tpu.memory_space<vmem>>
          %dma_start3A_475 = arith.constant 0 : i32
          %dma_start3A_476 = tpu.memref_slice %arg5[%add3A_469, %dma_start3A_475] : memref<80x128xi32, #tpu.memory_space<vmem>> -> memref<1x128xi32, #tpu.memory_space<vmem>>
          %dma_start3A_477 = tpu.memref_squeeze %dma_start3A_476 : memref<1x128xi32, #tpu.memory_space<vmem>> -> memref<128xi32, #tpu.memory_space<vmem>>
          %dma_start3A_478 = arith.constant 0 : i32
          %dma_start3A_479 = arith.constant 0 : i32
          %dma_start3A_480 = tpu.memref_slice %arg3[%dma_start3A_478, %dma_start3A_479] : memref<10000x64xi32, #tpu.memory_space<hbm>> -> memref<10000x64xi32, #tpu.memory_space<hbm>>
          tpu.enqueue_indirect_dma source(%dma_start3A_480 : memref<10000x64xi32, #tpu.memory_space<hbm>>) target(%dma_start3A_474 : memref<128x64xi32, #tpu.memory_space<vmem>>) offsets(%dma_start3A_477 : memref<128xi32, #tpu.memory_space<vmem>>) semaphore(%arg10 : memref<!tpu.dma_semaphore, #tpu.memory_space<semaphore_mem>>)
        } else {
        }
        %dma_wait3A_432 = arith.constant 7 : i32
        %dma_wait3A_433 = arith.constant 0 : i32
        %dma_wait3A_434 = arith.constant 0 : i32
        %dma_wait3A_435 = tpu.memref_slice %arg6[%dma_wait3A_432, %dma_wait3A_433, %dma_wait3A_434] : memref<8x128x64xi32, #tpu.memory_space<vmem>> -> memref<1x128x64xi32, #tpu.memory_space<vmem>>
        %dma_wait3A_436 = tpu.memref_squeeze %dma_wait3A_435 : memref<1x128x64xi32, #tpu.memory_space<vmem>> -> memref<128x64xi32, #tpu.memory_space<vmem>>
        %dma_wait3A_437 = arith.constant 0 : i32
        %dma_wait3A_438 = arith.constant 0 : i32
        %dma_wait3A_439 = tpu.memref_slice %arg3[%dma_wait3A_437, %dma_wait3A_438] : memref<10000x64xi32, #tpu.memory_space<hbm>> -> memref<128x64xi32, #tpu.memory_space<hbm>>
        %dma_wait3A_440 = arith.constant 0 : i32
        %dma_wait3A_441 = arith.constant 0 : i32
        %dma_wait3A_442 = tpu.memref_slice %arg6[%dma_wait3A_432, %dma_wait3A_440, %dma_wait3A_441] : memref<8x128x64xi32, #tpu.memory_space<vmem>> -> memref<1x128x64xi32, #tpu.memory_space<vmem>>
        %dma_wait3A_443 = tpu.memref_squeeze %dma_wait3A_442 : memref<1x128x64xi32, #tpu.memory_space<vmem>> -> memref<128x64xi32, #tpu.memory_space<vmem>>
        %dma_wait3A_444 = arith.constant 0 : i32
        %dma_wait3A_445 = arith.constant 0 : i32
        %dma_wait3A_446 = tpu.memref_slice %arg3[%dma_wait3A_444, %dma_wait3A_445] : memref<10000x64xi32, #tpu.memory_space<hbm>> -> memref<128x64xi32, #tpu.memory_space<hbm>>
        tpu.wait_dma2 semaphore(%arg14 : memref<!tpu.dma_semaphore, #tpu.memory_space<semaphore_mem>>) src(%dma_wait3A_446 : memref<128x64xi32, #tpu.memory_space<hbm>>) dst(%dma_wait3A_443 : memref<128x64xi32, #tpu.memory_space<vmem>>)
        %add3A_447 = arith.addi %mul3A_7, %add3A_424 : i32
        %mul3A_448 = arith.constant 128 : i32
        %mul3A_449 = arith.muli %add3A_447, %mul3A_448 : i32
        %dma_start3A_450 = arith.constant 7 : i32
        %dma_start3A_451 = arith.constant 0 : i32
        %dma_start3A_452 = arith.constant 0 : i32
        %dma_start3A_453 = tpu.memref_slice %arg6[%dma_start3A_450, %dma_start3A_451, %dma_start3A_452] : memref<8x128x64xi32, #tpu.memory_space<vmem>> -> memref<1x128x64xi32, #tpu.memory_space<vmem>>
        %dma_start3A_454 = tpu.memref_squeeze %dma_start3A_453 : memref<1x128x64xi32, #tpu.memory_space<vmem>> -> memref<128x64xi32, #tpu.memory_space<vmem>>
        %dma_start3A_455 = arith.constant 0 : i32
        %dma_start3A_456 = tpu.memref_slice %arg4[%mul3A_449, %dma_start3A_455] : memref<327680x64xi32, #tpu.memory_space<hbm>> -> memref<128x64xi32, #tpu.memory_space<hbm>>
        %dma_start3A_457 = arith.constant 0 : i32
        %dma_start3A_458 = tpu.memref_slice %arg4[%mul3A_449, %dma_start3A_457] : memref<327680x64xi32, #tpu.memory_space<hbm>> -> memref<128x64xi32, #tpu.memory_space<hbm>>
        %dma_start3A_459 = arith.constant 0 : i32
        %dma_start3A_460 = arith.constant 0 : i32
        %dma_start3A_461 = tpu.memref_slice %arg6[%dma_start3A_450, %dma_start3A_459, %dma_start3A_460] : memref<8x128x64xi32, #tpu.memory_space<vmem>> -> memref<1x128x64xi32, #tpu.memory_space<vmem>>
        %dma_start3A_462 = tpu.memref_squeeze %dma_start3A_461 : memref<1x128x64xi32, #tpu.memory_space<vmem>> -> memref<128x64xi32, #tpu.memory_space<vmem>>
        tpu.enqueue_dma source(%dma_start3A_462 : memref<128x64xi32, #tpu.memory_space<vmem>>) target(%dma_start3A_458 : memref<128x64xi32, #tpu.memory_space<hbm>>) target_semaphore(%arg22 : memref<!tpu.dma_semaphore, #tpu.memory_space<semaphore_mem>>)
        %scan3A_463 = arith.constant 0 : i32
        scf.yield %scan3A_463 : i32
      }
      %scan3A_67 = arith.constant 10 : i32
      %dma_wait3A = arith.constant 4 : i32
      %dma_wait3A_68 = arith.constant 0 : i32
      %dma_wait3A_69 = arith.constant 0 : i32
      %dma_wait3A_70 = tpu.memref_slice %arg6[%dma_wait3A, %dma_wait3A_68, %dma_wait3A_69] : memref<8x128x64xi32, #tpu.memory_space<vmem>> -> memref<1x128x64xi32, #tpu.memory_space<vmem>>
      %dma_wait3A_71 = tpu.memref_squeeze %dma_wait3A_70 : memref<1x128x64xi32, #tpu.memory_space<vmem>> -> memref<128x64xi32, #tpu.memory_space<vmem>>
      %dma_wait3A_72 = arith.constant 0 : i32
      %dma_wait3A_73 = arith.constant 0 : i32
      %dma_wait3A_74 = tpu.memref_slice %arg4[%dma_wait3A_72, %dma_wait3A_73] : memref<327680x64xi32, #tpu.memory_space<hbm>> -> memref<128x64xi32, #tpu.memory_space<hbm>>
      %dma_wait3A_75 = arith.constant 0 : i32
      %dma_wait3A_76 = arith.constant 0 : i32
      %dma_wait3A_77 = tpu.memref_slice %arg4[%dma_wait3A_75, %dma_wait3A_76] : memref<327680x64xi32, #tpu.memory_space<hbm>> -> memref<128x64xi32, #tpu.memory_space<hbm>>
      %dma_wait3A_78 = arith.constant 0 : i32
      %dma_wait3A_79 = arith.constant 0 : i32
      %dma_wait3A_80 = tpu.memref_slice %arg6[%dma_wait3A, %dma_wait3A_78, %dma_wait3A_79] : memref<8x128x64xi32, #tpu.memory_space<vmem>> -> memref<1x128x64xi32, #tpu.memory_space<vmem>>
      %dma_wait3A_81 = tpu.memref_squeeze %dma_wait3A_80 : memref<1x128x64xi32, #tpu.memory_space<vmem>> -> memref<128x64xi32, #tpu.memory_space<vmem>>
      tpu.wait_dma2 semaphore(%arg19 : memref<!tpu.dma_semaphore, #tpu.memory_space<semaphore_mem>>) src(%dma_wait3A_81 : memref<128x64xi32, #tpu.memory_space<vmem>>) dst(%dma_wait3A_77 : memref<128x64xi32, #tpu.memory_space<hbm>>)
      %dma_wait3A_82 = arith.constant 5 : i32
      %dma_wait3A_83 = arith.constant 0 : i32
      %dma_wait3A_84 = arith.constant 0 : i32
      %dma_wait3A_85 = tpu.memref_slice %arg6[%dma_wait3A_82, %dma_wait3A_83, %dma_wait3A_84] : memref<8x128x64xi32, #tpu.memory_space<vmem>> -> memref<1x128x64xi32, #tpu.memory_space<vmem>>
      %dma_wait3A_86 = tpu.memref_squeeze %dma_wait3A_85 : memref<1x128x64xi32, #tpu.memory_space<vmem>> -> memref<128x64xi32, #tpu.memory_space<vmem>>
      %dma_wait3A_87 = arith.constant 0 : i32
      %dma_wait3A_88 = arith.constant 0 : i32
      %dma_wait3A_89 = tpu.memref_slice %arg4[%dma_wait3A_87, %dma_wait3A_88] : memref<327680x64xi32, #tpu.memory_space<hbm>> -> memref<128x64xi32, #tpu.memory_space<hbm>>
      %dma_wait3A_90 = arith.constant 0 : i32
      %dma_wait3A_91 = arith.constant 0 : i32
      %dma_wait3A_92 = tpu.memref_slice %arg4[%dma_wait3A_90, %dma_wait3A_91] : memref<327680x64xi32, #tpu.memory_space<hbm>> -> memref<128x64xi32, #tpu.memory_space<hbm>>
      %dma_wait3A_93 = arith.constant 0 : i32
      %dma_wait3A_94 = arith.constant 0 : i32
      %dma_wait3A_95 = tpu.memref_slice %arg6[%dma_wait3A_82, %dma_wait3A_93, %dma_wait3A_94] : memref<8x128x64xi32, #tpu.memory_space<vmem>> -> memref<1x128x64xi32, #tpu.memory_space<vmem>>
      %dma_wait3A_96 = tpu.memref_squeeze %dma_wait3A_95 : memref<1x128x64xi32, #tpu.memory_space<vmem>> -> memref<128x64xi32, #tpu.memory_space<vmem>>
      tpu.wait_dma2 semaphore(%arg20 : memref<!tpu.dma_semaphore, #tpu.memory_space<semaphore_mem>>) src(%dma_wait3A_96 : memref<128x64xi32, #tpu.memory_space<vmem>>) dst(%dma_wait3A_92 : memref<128x64xi32, #tpu.memory_space<hbm>>)
      %dma_wait3A_97 = arith.constant 6 : i32
      %dma_wait3A_98 = arith.constant 0 : i32
      %dma_wait3A_99 = arith.constant 0 : i32
      %dma_wait3A_100 = tpu.memref_slice %arg6[%dma_wait3A_97, %dma_wait3A_98, %dma_wait3A_99] : memref<8x128x64xi32, #tpu.memory_space<vmem>> -> memref<1x128x64xi32, #tpu.memory_space<vmem>>
      %dma_wait3A_101 = tpu.memref_squeeze %dma_wait3A_100 : memref<1x128x64xi32, #tpu.memory_space<vmem>> -> memref<128x64xi32, #tpu.memory_space<vmem>>
      %dma_wait3A_102 = arith.constant 0 : i32
      %dma_wait3A_103 = arith.constant 0 : i32
      %dma_wait3A_104 = tpu.memref_slice %arg4[%dma_wait3A_102, %dma_wait3A_103] : memref<327680x64xi32, #tpu.memory_space<hbm>> -> memref<128x64xi32, #tpu.memory_space<hbm>>
      %dma_wait3A_105 = arith.constant 0 : i32
      %dma_wait3A_106 = arith.constant 0 : i32
      %dma_wait3A_107 = tpu.memref_slice %arg4[%dma_wait3A_105, %dma_wait3A_106] : memref<327680x64xi32, #tpu.memory_space<hbm>> -> memref<128x64xi32, #tpu.memory_space<hbm>>
      %dma_wait3A_108 = arith.constant 0 : i32
      %dma_wait3A_109 = arith.constant 0 : i32
      %dma_wait3A_110 = tpu.memref_slice %arg6[%dma_wait3A_97, %dma_wait3A_108, %dma_wait3A_109] : memref<8x128x64xi32, #tpu.memory_space<vmem>> -> memref<1x128x64xi32, #tpu.memory_space<vmem>>
      %dma_wait3A_111 = tpu.memref_squeeze %dma_wait3A_110 : memref<1x128x64xi32, #tpu.memory_space<vmem>> -> memref<128x64xi32, #tpu.memory_space<vmem>>
      tpu.wait_dma2 semaphore(%arg21 : memref<!tpu.dma_semaphore, #tpu.memory_space<semaphore_mem>>) src(%dma_wait3A_111 : memref<128x64xi32, #tpu.memory_space<vmem>>) dst(%dma_wait3A_107 : memref<128x64xi32, #tpu.memory_space<hbm>>)
      %dma_wait3A_112 = arith.constant 7 : i32
      %dma_wait3A_113 = arith.constant 0 : i32
      %dma_wait3A_114 = arith.constant 0 : i32
      %dma_wait3A_115 = tpu.memref_slice %arg6[%dma_wait3A_112, %dma_wait3A_113, %dma_wait3A_114] : memref<8x128x64xi32, #tpu.memory_space<vmem>> -> memref<1x128x64xi32, #tpu.memory_space<vmem>>
      %dma_wait3A_116 = tpu.memref_squeeze %dma_wait3A_115 : memref<1x128x64xi32, #tpu.memory_space<vmem>> -> memref<128x64xi32, #tpu.memory_space<vmem>>
      %dma_wait3A_117 = arith.constant 0 : i32
      %dma_wait3A_118 = arith.constant 0 : i32
      %dma_wait3A_119 = tpu.memref_slice %arg4[%dma_wait3A_117, %dma_wait3A_118] : memref<327680x64xi32, #tpu.memory_space<hbm>> -> memref<128x64xi32, #tpu.memory_space<hbm>>
      %dma_wait3A_120 = arith.constant 0 : i32
      %dma_wait3A_121 = arith.constant 0 : i32
      %dma_wait3A_122 = tpu.memref_slice %arg4[%dma_wait3A_120, %dma_wait3A_121] : memref<327680x64xi32, #tpu.memory_space<hbm>> -> memref<128x64xi32, #tpu.memory_space<hbm>>
      %dma_wait3A_123 = arith.constant 0 : i32
      %dma_wait3A_124 = arith.constant 0 : i32
      %dma_wait3A_125 = tpu.memref_slice %arg6[%dma_wait3A_112, %dma_wait3A_123, %dma_wait3A_124] : memref<8x128x64xi32, #tpu.memory_space<vmem>> -> memref<1x128x64xi32, #tpu.memory_space<vmem>>
      %dma_wait3A_126 = tpu.memref_squeeze %dma_wait3A_125 : memref<1x128x64xi32, #tpu.memory_space<vmem>> -> memref<128x64xi32, #tpu.memory_space<vmem>>
      tpu.wait_dma2 semaphore(%arg22 : memref<!tpu.dma_semaphore, #tpu.memory_space<semaphore_mem>>) src(%dma_wait3A_126 : memref<128x64xi32, #tpu.memory_space<vmem>>) dst(%dma_wait3A_122 : memref<128x64xi32, #tpu.memory_space<hbm>>)
    } else {
    }
    %eq3A_2 = arith.constant 1 : i32
    %eq3A_3 = arith.cmpi eq, %arg0, %eq3A_2 : i32
    %convert_element_type3A_4 = arith.extui %eq3A_3 : i1 to i32
    %cond3A_5 = arith.constant 0 : i32
    %cond3A_6 = arith.cmpi ne, %convert_element_type3A_4, %cond3A_5 : i32
    scf.if %cond3A_6 {
      %mul3A = arith.constant 80 : i32
      %mul3A_7 = arith.muli %arg1, %mul3A : i32
      %add3A = arith.constant 1280 : i32
      %add3A_8 = arith.addi %add3A, %mul3A_7 : i32
      "tpu.region"() ({
        %run_scoped3A = tpu.sem_alloc : memref<!tpu.dma_semaphore, #tpu.memory_space<semaphore_mem>>
        %dma_start3A_128 = arith.constant 0 : i32
        %dma_start3A_129 = arith.constant 0 : i32
        %dma_start3A_130 = tpu.memref_slice %arg5[%dma_start3A_128, %dma_start3A_129] : memref<80x128xi32, #tpu.memory_space<vmem>> -> memref<80x128xi32, #tpu.memory_space<vmem>>
        %dma_start3A_131 = arith.constant 0 : i32
        %dma_start3A_132 = tpu.memref_slice %arg2[%add3A_8, %dma_start3A_131] : memref<2560x128xi32, #tpu.memory_space<hbm>> -> memref<80x128xi32, #tpu.memory_space<hbm>>
        %dma_start3A_133 = arith.constant 0 : i32
        %dma_start3A_134 = arith.constant 0 : i32
        %dma_start3A_135 = tpu.memref_slice %arg5[%dma_start3A_133, %dma_start3A_134] : memref<80x128xi32, #tpu.memory_space<vmem>> -> memref<80x128xi32, #tpu.memory_space<vmem>>
        %dma_start3A_136 = arith.constant 0 : i32
        %dma_start3A_137 = tpu.memref_slice %arg2[%add3A_8, %dma_start3A_136] : memref<2560x128xi32, #tpu.memory_space<hbm>> -> memref<80x128xi32, #tpu.memory_space<hbm>>
        tpu.enqueue_dma source(%dma_start3A_137 : memref<80x128xi32, #tpu.memory_space<hbm>>) target(%dma_start3A_135 : memref<80x128xi32, #tpu.memory_space<vmem>>) target_semaphore(%run_scoped3A : memref<!tpu.dma_semaphore, #tpu.memory_space<semaphore_mem>>)
        %dma_wait3A_138 = arith.constant 0 : i32
        %dma_wait3A_139 = arith.constant 0 : i32
        %dma_wait3A_140 = tpu.memref_slice %arg5[%dma_wait3A_138, %dma_wait3A_139] : memref<80x128xi32, #tpu.memory_space<vmem>> -> memref<80x128xi32, #tpu.memory_space<vmem>>
        %dma_wait3A_141 = arith.constant 0 : i32
        %dma_wait3A_142 = tpu.memref_slice %arg2[%add3A_8, %dma_wait3A_141] : memref<2560x128xi32, #tpu.memory_space<hbm>> -> memref<80x128xi32, #tpu.memory_space<hbm>>
        %dma_wait3A_143 = arith.constant 0 : i32
        %dma_wait3A_144 = arith.constant 0 : i32
        %dma_wait3A_145 = tpu.memref_slice %arg5[%dma_wait3A_143, %dma_wait3A_144] : memref<80x128xi32, #tpu.memory_space<vmem>> -> memref<80x128xi32, #tpu.memory_space<vmem>>
        %dma_wait3A_146 = arith.constant 0 : i32
        %dma_wait3A_147 = tpu.memref_slice %arg2[%add3A_8, %dma_wait3A_146] : memref<2560x128xi32, #tpu.memory_space<hbm>> -> memref<80x128xi32, #tpu.memory_space<hbm>>
        tpu.wait_dma2 semaphore(%run_scoped3A : memref<!tpu.dma_semaphore, #tpu.memory_space<semaphore_mem>>) src(%dma_wait3A_147 : memref<80x128xi32, #tpu.memory_space<hbm>>) dst(%dma_wait3A_145 : memref<80x128xi32, #tpu.memory_space<vmem>>)
        tpu.yield
      }) : () -> ()
      %scan3A = arith.constant 0 : i32
      %scan3A_9 = arith.constant 0 : i32
      %scan3A_10 = arith.constant 80 : i32
      %scan3A_11 = arith.addi %scan3A_9, %scan3A_10 : i32
      %scan3A_12 = arith.constant 1 : i32
      %scan3A_13 = scf.for %scan3A_128 = %scan3A_9 to %scan3A_11 step %scan3A_12 iter_args(%scan3A_129 = %scan3A) -> (i32)  : i32 {
        %add3A_130 = arith.addi %add3A_8, %scan3A_128 : i32
        %mul3A_131 = arith.constant 128 : i32
        %mul3A_132 = arith.muli %add3A_130, %mul3A_131 : i32
        %jit3A = arith.constant 32000 : i32
        %div3A = arith.divsi %mul3A_132, %jit3A : i32
        %sign3A = arith.constant 0 : i32
        %sign3A_133 = arith.cmpi sgt, %mul3A_132, %sign3A : i32
        %sign3A_134 = arith.extui %sign3A_133 : i1 to i32
        %sign3A_135 = arith.constant 0 : i32
        %sign3A_136 = arith.cmpi slt, %mul3A_132, %sign3A_135 : i32
        %sign3A_137 = arith.extui %sign3A_136 : i1 to i32
        %sign3A_138 = arith.subi %sign3A_134, %sign3A_137 : i32
        %sign3A_139 = arith.constant 0 : i32
        %sign3A_140 = arith.cmpi sgt, %jit3A, %sign3A_139 : i32
        %sign3A_141 = arith.extui %sign3A_140 : i1 to i32
        %sign3A_142 = arith.constant 0 : i32
        %sign3A_143 = arith.cmpi slt, %jit3A, %sign3A_142 : i32
        %sign3A_144 = arith.extui %sign3A_143 : i1 to i32
        %sign3A_145 = arith.subi %sign3A_141, %sign3A_144 : i32
        %ne3A = arith.cmpi ne, %sign3A_138, %sign3A_145 : i32
        %rem3A = arith.remsi %mul3A_132, %jit3A : i32
        %ne3A_146 = arith.constant 0 : i32
        %ne3A_147 = arith.cmpi ne, %rem3A, %ne3A_146 : i32
        %and3A = arith.andi %ne3A, %ne3A_147 : i1
        %sub3A = arith.constant 1 : i32
        %sub3A_148 = arith.subi %div3A, %sub3A : i32
        %select_n3A = arith.select %and3A, %sub3A_148, %div3A : i32
        %min3A = arith.constant 9 : i32
        %min3A_149 = arith.minsi %select_n3A, %min3A : i32
        %mul3A_150 = arith.constant 1000 : i32
        %mul3A_151 = arith.muli %min3A_149, %mul3A_150 : i32
        %scan3A_152 = arith.constant 0 : i32
        %scan3A_153 = arith.constant 0 : i32
        %scan3A_154 = arith.constant 8 : i32
        %scan3A_155 = arith.addi %scan3A_153, %scan3A_154 : i32
        %scan3A_156 = arith.constant 1 : i32
        %scan3A_157 = scf.for %scan3A_160 = %scan3A_153 to %scan3A_155 step %scan3A_156 iter_args(%scan3A_161 = %scan3A_152) -> (i32)  : i32 {
          %mul3A_162 = arith.constant 16 : i32
          %mul3A_163 = arith.muli %scan3A_160, %mul3A_162 : i32
          %get3A = arith.index_cast %scan3A_128 : i32 to index
          %get3A_164 = arith.index_cast %mul3A_163 : i32 to index
          %get3A_165 = tpu.vector_load %arg5[%get3A, %get3A_164] {strides = array<i32>} : memref<80x128xi32, #tpu.memory_space<vmem>>, vector<1x16xi32>,
          %get3A_166 = vector.shape_cast %get3A_165 : vector<1x16xi32> to vector<16xi32>
          %add3A_167 = vector.broadcast %mul3A_151 : i32 to vector<16xi32>
          %add3A_168 = arith.addi %get3A_166, %add3A_167 : vector<16xi32>
          %swap3A = arith.index_cast %scan3A_128 : i32 to index
          %swap3A_169 = arith.index_cast %mul3A_163 : i32 to index
          %swap3A_170 = tpu.vector_load %arg5[%swap3A, %swap3A_169] {strides = array<i32>} : memref<80x128xi32, #tpu.memory_space<vmem>>, vector<1x16xi32>,
          %swap3A_171 = vector.shape_cast %swap3A_170 : vector<1x16xi32> to vector<16xi32>
          %swap3A_172 = vector.shape_cast %add3A_168 : vector<16xi32> to vector<1x16xi32>
          tpu.vector_store %arg5[%swap3A, %swap3A_169], %swap3A_172 {strides = array<i32>} : memref<80x128xi32, #tpu.memory_space<vmem>>, vector<1x16xi32>,
          %scan3A_173 = arith.constant 0 : i32
          scf.yield %scan3A_173 : i32
        }
        %scan3A_158 = arith.constant 8 : i32
        %scan3A_159 = arith.constant 0 : i32
        scf.yield %scan3A_159 : i32
      }
      %scan3A_14 = arith.constant 80 : i32
      %dma_start3A = arith.constant 0 : i32
      %dma_start3A_15 = arith.constant 0 : i32
      %dma_start3A_16 = arith.constant 0 : i32
      %dma_start3A_17 = arith.constant 0 : i32
      %dma_start3A_18 = tpu.memref_slice %arg6[%dma_start3A_15, %dma_start3A_16, %dma_start3A_17] : memref<8x128x64xi32, #tpu.memory_space<vmem>> -> memref<1x128x64xi32, #tpu.memory_space<vmem>>
      %dma_start3A_19 = tpu.memref_squeeze %dma_start3A_18 : memref<1x128x64xi32, #tpu.memory_space<vmem>> -> memref<128x64xi32, #tpu.memory_space<vmem>>
      %dma_start3A_20 = arith.constant 0 : i32
      %dma_start3A_21 = tpu.memref_slice %arg5[%dma_start3A, %dma_start3A_20] : memref<80x128xi32, #tpu.memory_space<vmem>> -> memref<1x128xi32, #tpu.memory_space<vmem>>
      %dma_start3A_22 = tpu.memref_squeeze %dma_start3A_21 : memref<1x128xi32, #tpu.memory_space<vmem>> -> memref<128xi32, #tpu.memory_space<vmem>>
      %dma_start3A_23 = arith.constant 0 : i32
      %dma_start3A_24 = arith.constant 0 : i32
      %dma_start3A_25 = tpu.memref_slice %arg3[%dma_start3A_23, %dma_start3A_24] : memref<10000x64xi32, #tpu.memory_space<hbm>> -> memref<10000x64xi32, #tpu.memory_space<hbm>>
      tpu.enqueue_indirect_dma source(%dma_start3A_25 : memref<10000x64xi32, #tpu.memory_space<hbm>>) target(%dma_start3A_19 : memref<128x64xi32, #tpu.memory_space<vmem>>) offsets(%dma_start3A_22 : memref<128xi32, #tpu.memory_space<vmem>>) semaphore(%arg7 : memref<!tpu.dma_semaphore, #tpu.memory_space<semaphore_mem>>)
      %dma_start3A_26 = arith.constant 1 : i32
      %dma_start3A_27 = arith.constant 1 : i32
      %dma_start3A_28 = arith.constant 0 : i32
      %dma_start3A_29 = arith.constant 0 : i32
      %dma_start3A_30 = tpu.memref_slice %arg6[%dma_start3A_27, %dma_start3A_28, %dma_start3A_29] : memref<8x128x64xi32, #tpu.memory_space<vmem>> -> memref<1x128x64xi32, #tpu.memory_space<vmem>>
      %dma_start3A_31 = tpu.memref_squeeze %dma_start3A_30 : memref<1x128x64xi32, #tpu.memory_space<vmem>> -> memref<128x64xi32, #tpu.memory_space<vmem>>
      %dma_start3A_32 = arith.constant 0 : i32
      %dma_start3A_33 = tpu.memref_slice %arg5[%dma_start3A_26, %dma_start3A_32] : memref<80x128xi32, #tpu.memory_space<vmem>> -> memref<1x128xi32, #tpu.memory_space<vmem>>
      %dma_start3A_34 = tpu.memref_squeeze %dma_start3A_33 : memref<1x128xi32, #tpu.memory_space<vmem>> -> memref<128xi32, #tpu.memory_space<vmem>>
      %dma_start3A_35 = arith.constant 0 : i32
      %dma_start3A_36 = arith.constant 0 : i32
      %dma_start3A_37 = tpu.memref_slice %arg3[%dma_start3A_35, %dma_start3A_36] : memref<10000x64xi32, #tpu.memory_space<hbm>> -> memref<10000x64xi32, #tpu.memory_space<hbm>>
      tpu.enqueue_indirect_dma source(%dma_start3A_37 : memref<10000x64xi32, #tpu.memory_space<hbm>>) target(%dma_start3A_31 : memref<128x64xi32, #tpu.memory_space<vmem>>) offsets(%dma_start3A_34 : memref<128xi32, #tpu.memory_space<vmem>>) semaphore(%arg8 : memref<!tpu.dma_semaphore, #tpu.memory_space<semaphore_mem>>)
      %dma_start3A_38 = arith.constant 2 : i32
      %dma_start3A_39 = arith.constant 2 : i32
      %dma_start3A_40 = arith.constant 0 : i32
      %dma_start3A_41 = arith.constant 0 : i32
      %dma_start3A_42 = tpu.memref_slice %arg6[%dma_start3A_39, %dma_start3A_40, %dma_start3A_41] : memref<8x128x64xi32, #tpu.memory_space<vmem>> -> memref<1x128x64xi32, #tpu.memory_space<vmem>>
      %dma_start3A_43 = tpu.memref_squeeze %dma_start3A_42 : memref<1x128x64xi32, #tpu.memory_space<vmem>> -> memref<128x64xi32, #tpu.memory_space<vmem>>
      %dma_start3A_44 = arith.constant 0 : i32
      %dma_start3A_45 = tpu.memref_slice %arg5[%dma_start3A_38, %dma_start3A_44] : memref<80x128xi32, #tpu.memory_space<vmem>> -> memref<1x128xi32, #tpu.memory_space<vmem>>
      %dma_start3A_46 = tpu.memref_squeeze %dma_start3A_45 : memref<1x128xi32, #tpu.memory_space<vmem>> -> memref<128xi32, #tpu.memory_space<vmem>>
      %dma_start3A_47 = arith.constant 0 : i32
      %dma_start3A_48 = arith.constant 0 : i32
      %dma_start3A_49 = tpu.memref_slice %arg3[%dma_start3A_47, %dma_start3A_48] : memref<10000x64xi32, #tpu.memory_space<hbm>> -> memref<10000x64xi32, #tpu.memory_space<hbm>>
      tpu.enqueue_indirect_dma source(%dma_start3A_49 : memref<10000x64xi32, #tpu.memory_space<hbm>>) target(%dma_start3A_43 : memref<128x64xi32, #tpu.memory_space<vmem>>) offsets(%dma_start3A_46 : memref<128xi32, #tpu.memory_space<vmem>>) semaphore(%arg9 : memref<!tpu.dma_semaphore, #tpu.memory_space<semaphore_mem>>)
      %dma_start3A_50 = arith.constant 3 : i32
      %dma_start3A_51 = arith.constant 3 : i32
      %dma_start3A_52 = arith.constant 0 : i32
      %dma_start3A_53 = arith.constant 0 : i32
      %dma_start3A_54 = tpu.memref_slice %arg6[%dma_start3A_51, %dma_start3A_52, %dma_start3A_53] : memref<8x128x64xi32, #tpu.memory_space<vmem>> -> memref<1x128x64xi32, #tpu.memory_space<vmem>>
      %dma_start3A_55 = tpu.memref_squeeze %dma_start3A_54 : memref<1x128x64xi32, #tpu.memory_space<vmem>> -> memref<128x64xi32, #tpu.memory_space<vmem>>
      %dma_start3A_56 = arith.constant 0 : i32
      %dma_start3A_57 = tpu.memref_slice %arg5[%dma_start3A_50, %dma_start3A_56] : memref<80x128xi32, #tpu.memory_space<vmem>> -> memref<1x128xi32, #tpu.memory_space<vmem>>
      %dma_start3A_58 = tpu.memref_squeeze %dma_start3A_57 : memref<1x128xi32, #tpu.memory_space<vmem>> -> memref<128xi32, #tpu.memory_space<vmem>>
      %dma_start3A_59 = arith.constant 0 : i32
      %dma_start3A_60 = arith.constant 0 : i32
      %dma_start3A_61 = tpu.memref_slice %arg3[%dma_start3A_59, %dma_start3A_60] : memref<10000x64xi32, #tpu.memory_space<hbm>> -> memref<10000x64xi32, #tpu.memory_space<hbm>>
      tpu.enqueue_indirect_dma source(%dma_start3A_61 : memref<10000x64xi32, #tpu.memory_space<hbm>>) target(%dma_start3A_55 : memref<128x64xi32, #tpu.memory_space<vmem>>) offsets(%dma_start3A_58 : memref<128xi32, #tpu.memory_space<vmem>>) semaphore(%arg10 : memref<!tpu.dma_semaphore, #tpu.memory_space<semaphore_mem>>)
      %scan3A_62 = arith.constant 0 : i32
      %scan3A_63 = arith.constant 0 : i32
      %scan3A_64 = arith.constant 10 : i32
      %scan3A_65 = arith.addi %scan3A_63, %scan3A_64 : i32
      %scan3A_66 = arith.constant 1 : i32
      %scan3A_67 = scf.for %scan3A_128 = %scan3A_63 to %scan3A_65 step %scan3A_66 iter_args(%scan3A_129 = %scan3A_62) -> (i32)  : i32 {
        %mul3A_130 = arith.constant 8 : i32
        %mul3A_131 = arith.muli %scan3A_128, %mul3A_130 : i32
        %add3A_132 = arith.constant 0 : i32
        %add3A_133 = arith.addi %mul3A_131, %add3A_132 : i32
        %add3A_134 = arith.constant 4 : i32
        %add3A_135 = arith.addi %add3A_133, %add3A_134 : i32
        %lt3A = arith.constant 80 : i32
        %lt3A_136 = arith.cmpi slt, %add3A_135, %lt3A : i32
        %convert_element_type3A_137 = arith.extui %lt3A_136 : i1 to i32
        %cond3A_138 = arith.constant 0 : i32
        %cond3A_139 = arith.cmpi ne, %convert_element_type3A_137, %cond3A_138 : i32
        scf.if %cond3A_139 {
          %ge3A = arith.constant 4 : i32
          %ge3A_466 = arith.cmpi sge, %add3A_133, %ge3A : i32
          %convert_element_type3A_467 = arith.extui %ge3A_466 : i1 to i32
          %cond3A_468 = arith.constant 0 : i32
          %cond3A_469 = arith.cmpi ne, %convert_element_type3A_467, %cond3A_468 : i32
          scf.if %cond3A_469 {
            %dma_wait3A_483 = arith.constant 4 : i32
            %dma_wait3A_484 = arith.constant 0 : i32
            %dma_wait3A_485 = arith.constant 0 : i32
            %dma_wait3A_486 = tpu.memref_slice %arg6[%dma_wait3A_483, %dma_wait3A_484, %dma_wait3A_485] : memref<8x128x64xi32, #tpu.memory_space<vmem>> -> memref<1x128x64xi32, #tpu.memory_space<vmem>>
            %dma_wait3A_487 = tpu.memref_squeeze %dma_wait3A_486 : memref<1x128x64xi32, #tpu.memory_space<vmem>> -> memref<128x64xi32, #tpu.memory_space<vmem>>
            %dma_wait3A_488 = arith.constant 0 : i32
            %dma_wait3A_489 = arith.constant 0 : i32
            %dma_wait3A_490 = tpu.memref_slice %arg4[%dma_wait3A_488, %dma_wait3A_489] : memref<327680x64xi32, #tpu.memory_space<hbm>> -> memref<128x64xi32, #tpu.memory_space<hbm>>
            %dma_wait3A_491 = arith.constant 0 : i32
            %dma_wait3A_492 = arith.constant 0 : i32
            %dma_wait3A_493 = tpu.memref_slice %arg4[%dma_wait3A_491, %dma_wait3A_492] : memref<327680x64xi32, #tpu.memory_space<hbm>> -> memref<128x64xi32, #tpu.memory_space<hbm>>
            %dma_wait3A_494 = arith.constant 0 : i32
            %dma_wait3A_495 = arith.constant 0 : i32
            %dma_wait3A_496 = tpu.memref_slice %arg6[%dma_wait3A_483, %dma_wait3A_494, %dma_wait3A_495] : memref<8x128x64xi32, #tpu.memory_space<vmem>> -> memref<1x128x64xi32, #tpu.memory_space<vmem>>
            %dma_wait3A_497 = tpu.memref_squeeze %dma_wait3A_496 : memref<1x128x64xi32, #tpu.memory_space<vmem>> -> memref<128x64xi32, #tpu.memory_space<vmem>>
            tpu.wait_dma2 semaphore(%arg19 : memref<!tpu.dma_semaphore, #tpu.memory_space<semaphore_mem>>) src(%dma_wait3A_497 : memref<128x64xi32, #tpu.memory_space<vmem>>) dst(%dma_wait3A_493 : memref<128x64xi32, #tpu.memory_space<hbm>>)
          } else {
          }
          %add3A_470 = arith.constant 4 : i32
          %add3A_471 = arith.addi %add3A_133, %add3A_470 : i32
          %dma_start3A_472 = arith.constant 4 : i32
          %dma_start3A_473 = arith.constant 0 : i32
          %dma_start3A_474 = arith.constant 0 : i32
          %dma_start3A_475 = tpu.memref_slice %arg6[%dma_start3A_472, %dma_start3A_473, %dma_start3A_474] : memref<8x128x64xi32, #tpu.memory_space<vmem>> -> memref<1x128x64xi32, #tpu.memory_space<vmem>>
          %dma_start3A_476 = tpu.memref_squeeze %dma_start3A_475 : memref<1x128x64xi32, #tpu.memory_space<vmem>> -> memref<128x64xi32, #tpu.memory_space<vmem>>
          %dma_start3A_477 = arith.constant 0 : i32
          %dma_start3A_478 = tpu.memref_slice %arg5[%add3A_471, %dma_start3A_477] : memref<80x128xi32, #tpu.memory_space<vmem>> -> memref<1x128xi32, #tpu.memory_space<vmem>>
          %dma_start3A_479 = tpu.memref_squeeze %dma_start3A_478 : memref<1x128xi32, #tpu.memory_space<vmem>> -> memref<128xi32, #tpu.memory_space<vmem>>
          %dma_start3A_480 = arith.constant 0 : i32
          %dma_start3A_481 = arith.constant 0 : i32
          %dma_start3A_482 = tpu.memref_slice %arg3[%dma_start3A_480, %dma_start3A_481] : memref<10000x64xi32, #tpu.memory_space<hbm>> -> memref<10000x64xi32, #tpu.memory_space<hbm>>
          tpu.enqueue_indirect_dma source(%dma_start3A_482 : memref<10000x64xi32, #tpu.memory_space<hbm>>) target(%dma_start3A_476 : memref<128x64xi32, #tpu.memory_space<vmem>>) offsets(%dma_start3A_479 : memref<128xi32, #tpu.memory_space<vmem>>) semaphore(%arg11 : memref<!tpu.dma_semaphore, #tpu.memory_space<semaphore_mem>>)
        } else {
        }
        %dma_wait3A_140 = arith.constant 0 : i32
        %dma_wait3A_141 = arith.constant 0 : i32
        %dma_wait3A_142 = arith.constant 0 : i32
        %dma_wait3A_143 = tpu.memref_slice %arg6[%dma_wait3A_140, %dma_wait3A_141, %dma_wait3A_142] : memref<8x128x64xi32, #tpu.memory_space<vmem>> -> memref<1x128x64xi32, #tpu.memory_space<vmem>>
        %dma_wait3A_144 = tpu.memref_squeeze %dma_wait3A_143 : memref<1x128x64xi32, #tpu.memory_space<vmem>> -> memref<128x64xi32, #tpu.memory_space<vmem>>
        %dma_wait3A_145 = arith.constant 0 : i32
        %dma_wait3A_146 = arith.constant 0 : i32
        %dma_wait3A_147 = tpu.memref_slice %arg3[%dma_wait3A_145, %dma_wait3A_146] : memref<10000x64xi32, #tpu.memory_space<hbm>> -> memref<128x64xi32, #tpu.memory_space<hbm>>
        %dma_wait3A_148 = arith.constant 0 : i32
        %dma_wait3A_149 = arith.constant 0 : i32
        %dma_wait3A_150 = tpu.memref_slice %arg6[%dma_wait3A_140, %dma_wait3A_148, %dma_wait3A_149] : memref<8x128x64xi32, #tpu.memory_space<vmem>> -> memref<1x128x64xi32, #tpu.memory_space<vmem>>
        %dma_wait3A_151 = tpu.memref_squeeze %dma_wait3A_150 : memref<1x128x64xi32, #tpu.memory_space<vmem>> -> memref<128x64xi32, #tpu.memory_space<vmem>>
        %dma_wait3A_152 = arith.constant 0 : i32
        %dma_wait3A_153 = arith.constant 0 : i32
        %dma_wait3A_154 = tpu.memref_slice %arg3[%dma_wait3A_152, %dma_wait3A_153] : memref<10000x64xi32, #tpu.memory_space<hbm>> -> memref<128x64xi32, #tpu.memory_space<hbm>>
        tpu.wait_dma2 semaphore(%arg7 : memref<!tpu.dma_semaphore, #tpu.memory_space<semaphore_mem>>) src(%dma_wait3A_154 : memref<128x64xi32, #tpu.memory_space<hbm>>) dst(%dma_wait3A_151 : memref<128x64xi32, #tpu.memory_space<vmem>>)
        %add3A_155 = arith.addi %add3A_8, %add3A_133 : i32
        %mul3A_156 = arith.constant 128 : i32
        %mul3A_157 = arith.muli %add3A_155, %mul3A_156 : i32
        %dma_start3A_158 = arith.constant 0 : i32
        %dma_start3A_159 = arith.constant 0 : i32
        %dma_start3A_160 = arith.constant 0 : i32
        %dma_start3A_161 = tpu.memref_slice %arg6[%dma_start3A_158, %dma_start3A_159, %dma_start3A_160] : memref<8x128x64xi32, #tpu.memory_space<vmem>> -> memref<1x128x64xi32, #tpu.memory_space<vmem>>
        %dma_start3A_162 = tpu.memref_squeeze %dma_start3A_161 : memref<1x128x64xi32, #tpu.memory_space<vmem>> -> memref<128x64xi32, #tpu.memory_space<vmem>>
        %dma_start3A_163 = arith.constant 0 : i32
        %dma_start3A_164 = tpu.memref_slice %arg4[%mul3A_157, %dma_start3A_163] : memref<327680x64xi32, #tpu.memory_space<hbm>> -> memref<128x64xi32, #tpu.memory_space<hbm>>
        %dma_start3A_165 = arith.constant 0 : i32
        %dma_start3A_166 = tpu.memref_slice %arg4[%mul3A_157, %dma_start3A_165] : memref<327680x64xi32, #tpu.memory_space<hbm>> -> memref<128x64xi32, #tpu.memory_space<hbm>>
        %dma_start3A_167 = arith.constant 0 : i32
        %dma_start3A_168 = arith.constant 0 : i32
        %dma_start3A_169 = tpu.memref_slice %arg6[%dma_start3A_158, %dma_start3A_167, %dma_start3A_168] : memref<8x128x64xi32, #tpu.memory_space<vmem>> -> memref<1x128x64xi32, #tpu.memory_space<vmem>>
        %dma_start3A_170 = tpu.memref_squeeze %dma_start3A_169 : memref<1x128x64xi32, #tpu.memory_space<vmem>> -> memref<128x64xi32, #tpu.memory_space<vmem>>
        tpu.enqueue_dma source(%dma_start3A_170 : memref<128x64xi32, #tpu.memory_space<vmem>>) target(%dma_start3A_166 : memref<128x64xi32, #tpu.memory_space<hbm>>) target_semaphore(%arg15 : memref<!tpu.dma_semaphore, #tpu.memory_space<semaphore_mem>>)
        %mul3A_171 = arith.constant 8 : i32
        %mul3A_172 = arith.muli %scan3A_128, %mul3A_171 : i32
        %add3A_173 = arith.constant 1 : i32
        %add3A_174 = arith.addi %mul3A_172, %add3A_173 : i32
        %add3A_175 = arith.constant 4 : i32
        %add3A_176 = arith.addi %add3A_174, %add3A_175 : i32
        %lt3A_177 = arith.constant 80 : i32
        %lt3A_178 = arith.cmpi slt, %add3A_176, %lt3A_177 : i32
        %convert_element_type3A_179 = arith.extui %lt3A_178 : i1 to i32
        %cond3A_180 = arith.constant 0 : i32
        %cond3A_181 = arith.cmpi ne, %convert_element_type3A_179, %cond3A_180 : i32
        scf.if %cond3A_181 {
          %ge3A = arith.constant 4 : i32
          %ge3A_466 = arith.cmpi sge, %add3A_174, %ge3A : i32
          %convert_element_type3A_467 = arith.extui %ge3A_466 : i1 to i32
          %cond3A_468 = arith.constant 0 : i32
          %cond3A_469 = arith.cmpi ne, %convert_element_type3A_467, %cond3A_468 : i32
          scf.if %cond3A_469 {
            %dma_wait3A_483 = arith.constant 5 : i32
            %dma_wait3A_484 = arith.constant 0 : i32
            %dma_wait3A_485 = arith.constant 0 : i32
            %dma_wait3A_486 = tpu.memref_slice %arg6[%dma_wait3A_483, %dma_wait3A_484, %dma_wait3A_485] : memref<8x128x64xi32, #tpu.memory_space<vmem>> -> memref<1x128x64xi32, #tpu.memory_space<vmem>>
            %dma_wait3A_487 = tpu.memref_squeeze %dma_wait3A_486 : memref<1x128x64xi32, #tpu.memory_space<vmem>> -> memref<128x64xi32, #tpu.memory_space<vmem>>
            %dma_wait3A_488 = arith.constant 0 : i32
            %dma_wait3A_489 = arith.constant 0 : i32
            %dma_wait3A_490 = tpu.memref_slice %arg4[%dma_wait3A_488, %dma_wait3A_489] : memref<327680x64xi32, #tpu.memory_space<hbm>> -> memref<128x64xi32, #tpu.memory_space<hbm>>
            %dma_wait3A_491 = arith.constant 0 : i32
            %dma_wait3A_492 = arith.constant 0 : i32
            %dma_wait3A_493 = tpu.memref_slice %arg4[%dma_wait3A_491, %dma_wait3A_492] : memref<327680x64xi32, #tpu.memory_space<hbm>> -> memref<128x64xi32, #tpu.memory_space<hbm>>
            %dma_wait3A_494 = arith.constant 0 : i32
            %dma_wait3A_495 = arith.constant 0 : i32
            %dma_wait3A_496 = tpu.memref_slice %arg6[%dma_wait3A_483, %dma_wait3A_494, %dma_wait3A_495] : memref<8x128x64xi32, #tpu.memory_space<vmem>> -> memref<1x128x64xi32, #tpu.memory_space<vmem>>
            %dma_wait3A_497 = tpu.memref_squeeze %dma_wait3A_496 : memref<1x128x64xi32, #tpu.memory_space<vmem>> -> memref<128x64xi32, #tpu.memory_space<vmem>>
            tpu.wait_dma2 semaphore(%arg20 : memref<!tpu.dma_semaphore, #tpu.memory_space<semaphore_mem>>) src(%dma_wait3A_497 : memref<128x64xi32, #tpu.memory_space<vmem>>) dst(%dma_wait3A_493 : memref<128x64xi32, #tpu.memory_space<hbm>>)
          } else {
          }
          %add3A_470 = arith.constant 4 : i32
          %add3A_471 = arith.addi %add3A_174, %add3A_470 : i32
          %dma_start3A_472 = arith.constant 5 : i32
          %dma_start3A_473 = arith.constant 0 : i32
          %dma_start3A_474 = arith.constant 0 : i32
          %dma_start3A_475 = tpu.memref_slice %arg6[%dma_start3A_472, %dma_start3A_473, %dma_start3A_474] : memref<8x128x64xi32, #tpu.memory_space<vmem>> -> memref<1x128x64xi32, #tpu.memory_space<vmem>>
          %dma_start3A_476 = tpu.memref_squeeze %dma_start3A_475 : memref<1x128x64xi32, #tpu.memory_space<vmem>> -> memref<128x64xi32, #tpu.memory_space<vmem>>
          %dma_start3A_477 = arith.constant 0 : i32
          %dma_start3A_478 = tpu.memref_slice %arg5[%add3A_471, %dma_start3A_477] : memref<80x128xi32, #tpu.memory_space<vmem>> -> memref<1x128xi32, #tpu.memory_space<vmem>>
          %dma_start3A_479 = tpu.memref_squeeze %dma_start3A_478 : memref<1x128xi32, #tpu.memory_space<vmem>> -> memref<128xi32, #tpu.memory_space<vmem>>
          %dma_start3A_480 = arith.constant 0 : i32
          %dma_start3A_481 = arith.constant 0 : i32
          %dma_start3A_482 = tpu.memref_slice %arg3[%dma_start3A_480, %dma_start3A_481] : memref<10000x64xi32, #tpu.memory_space<hbm>> -> memref<10000x64xi32, #tpu.memory_space<hbm>>
          tpu.enqueue_indirect_dma source(%dma_start3A_482 : memref<10000x64xi32, #tpu.memory_space<hbm>>) target(%dma_start3A_476 : memref<128x64xi32, #tpu.memory_space<vmem>>) offsets(%dma_start3A_479 : memref<128xi32, #tpu.memory_space<vmem>>) semaphore(%arg12 : memref<!tpu.dma_semaphore, #tpu.memory_space<semaphore_mem>>)
        } else {
        }
        %dma_wait3A_182 = arith.constant 1 : i32
        %dma_wait3A_183 = arith.constant 0 : i32
        %dma_wait3A_184 = arith.constant 0 : i32
        %dma_wait3A_185 = tpu.memref_slice %arg6[%dma_wait3A_182, %dma_wait3A_183, %dma_wait3A_184] : memref<8x128x64xi32, #tpu.memory_space<vmem>> -> memref<1x128x64xi32, #tpu.memory_space<vmem>>
        %dma_wait3A_186 = tpu.memref_squeeze %dma_wait3A_185 : memref<1x128x64xi32, #tpu.memory_space<vmem>> -> memref<128x64xi32, #tpu.memory_space<vmem>>
        %dma_wait3A_187 = arith.constant 0 : i32
        %dma_wait3A_188 = arith.constant 0 : i32
        %dma_wait3A_189 = tpu.memref_slice %arg3[%dma_wait3A_187, %dma_wait3A_188] : memref<10000x64xi32, #tpu.memory_space<hbm>> -> memref<128x64xi32, #tpu.memory_space<hbm>>
        %dma_wait3A_190 = arith.constant 0 : i32
        %dma_wait3A_191 = arith.constant 0 : i32
        %dma_wait3A_192 = tpu.memref_slice %arg6[%dma_wait3A_182, %dma_wait3A_190, %dma_wait3A_191] : memref<8x128x64xi32, #tpu.memory_space<vmem>> -> memref<1x128x64xi32, #tpu.memory_space<vmem>>
        %dma_wait3A_193 = tpu.memref_squeeze %dma_wait3A_192 : memref<1x128x64xi32, #tpu.memory_space<vmem>> -> memref<128x64xi32, #tpu.memory_space<vmem>>
        %dma_wait3A_194 = arith.constant 0 : i32
        %dma_wait3A_195 = arith.constant 0 : i32
        %dma_wait3A_196 = tpu.memref_slice %arg3[%dma_wait3A_194, %dma_wait3A_195] : memref<10000x64xi32, #tpu.memory_space<hbm>> -> memref<128x64xi32, #tpu.memory_space<hbm>>
        tpu.wait_dma2 semaphore(%arg8 : memref<!tpu.dma_semaphore, #tpu.memory_space<semaphore_mem>>) src(%dma_wait3A_196 : memref<128x64xi32, #tpu.memory_space<hbm>>) dst(%dma_wait3A_193 : memref<128x64xi32, #tpu.memory_space<vmem>>)
        %add3A_197 = arith.addi %add3A_8, %add3A_174 : i32
        %mul3A_198 = arith.constant 128 : i32
        %mul3A_199 = arith.muli %add3A_197, %mul3A_198 : i32
        %dma_start3A_200 = arith.constant 1 : i32
        %dma_start3A_201 = arith.constant 0 : i32
        %dma_start3A_202 = arith.constant 0 : i32
        %dma_start3A_203 = tpu.memref_slice %arg6[%dma_start3A_200, %dma_start3A_201, %dma_start3A_202] : memref<8x128x64xi32, #tpu.memory_space<vmem>> -> memref<1x128x64xi32, #tpu.memory_space<vmem>>
        %dma_start3A_204 = tpu.memref_squeeze %dma_start3A_203 : memref<1x128x64xi32, #tpu.memory_space<vmem>> -> memref<128x64xi32, #tpu.memory_space<vmem>>
        %dma_start3A_205 = arith.constant 0 : i32
        %dma_start3A_206 = tpu.memref_slice %arg4[%mul3A_199, %dma_start3A_205] : memref<327680x64xi32, #tpu.memory_space<hbm>> -> memref<128x64xi32, #tpu.memory_space<hbm>>
        %dma_start3A_207 = arith.constant 0 : i32
        %dma_start3A_208 = tpu.memref_slice %arg4[%mul3A_199, %dma_start3A_207] : memref<327680x64xi32, #tpu.memory_space<hbm>> -> memref<128x64xi32, #tpu.memory_space<hbm>>
        %dma_start3A_209 = arith.constant 0 : i32
        %dma_start3A_210 = arith.constant 0 : i32
        %dma_start3A_211 = tpu.memref_slice %arg6[%dma_start3A_200, %dma_start3A_209, %dma_start3A_210] : memref<8x128x64xi32, #tpu.memory_space<vmem>> -> memref<1x128x64xi32, #tpu.memory_space<vmem>>
        %dma_start3A_212 = tpu.memref_squeeze %dma_start3A_211 : memref<1x128x64xi32, #tpu.memory_space<vmem>> -> memref<128x64xi32, #tpu.memory_space<vmem>>
        tpu.enqueue_dma source(%dma_start3A_212 : memref<128x64xi32, #tpu.memory_space<vmem>>) target(%dma_start3A_208 : memref<128x64xi32, #tpu.memory_space<hbm>>) target_semaphore(%arg16 : memref<!tpu.dma_semaphore, #tpu.memory_space<semaphore_mem>>)
        %mul3A_213 = arith.constant 8 : i32
        %mul3A_214 = arith.muli %scan3A_128, %mul3A_213 : i32
        %add3A_215 = arith.constant 2 : i32
        %add3A_216 = arith.addi %mul3A_214, %add3A_215 : i32
        %add3A_217 = arith.constant 4 : i32
        %add3A_218 = arith.addi %add3A_216, %add3A_217 : i32
        %lt3A_219 = arith.constant 80 : i32
        %lt3A_220 = arith.cmpi slt, %add3A_218, %lt3A_219 : i32
        %convert_element_type3A_221 = arith.extui %lt3A_220 : i1 to i32
        %cond3A_222 = arith.constant 0 : i32
        %cond3A_223 = arith.cmpi ne, %convert_element_type3A_221, %cond3A_222 : i32
        scf.if %cond3A_223 {
          %ge3A = arith.constant 4 : i32
          %ge3A_466 = arith.cmpi sge, %add3A_216, %ge3A : i32
          %convert_element_type3A_467 = arith.extui %ge3A_466 : i1 to i32
          %cond3A_468 = arith.constant 0 : i32
          %cond3A_469 = arith.cmpi ne, %convert_element_type3A_467, %cond3A_468 : i32
          scf.if %cond3A_469 {
            %dma_wait3A_483 = arith.constant 6 : i32
            %dma_wait3A_484 = arith.constant 0 : i32
            %dma_wait3A_485 = arith.constant 0 : i32
            %dma_wait3A_486 = tpu.memref_slice %arg6[%dma_wait3A_483, %dma_wait3A_484, %dma_wait3A_485] : memref<8x128x64xi32, #tpu.memory_space<vmem>> -> memref<1x128x64xi32, #tpu.memory_space<vmem>>
            %dma_wait3A_487 = tpu.memref_squeeze %dma_wait3A_486 : memref<1x128x64xi32, #tpu.memory_space<vmem>> -> memref<128x64xi32, #tpu.memory_space<vmem>>
            %dma_wait3A_488 = arith.constant 0 : i32
            %dma_wait3A_489 = arith.constant 0 : i32
            %dma_wait3A_490 = tpu.memref_slice %arg4[%dma_wait3A_488, %dma_wait3A_489] : memref<327680x64xi32, #tpu.memory_space<hbm>> -> memref<128x64xi32, #tpu.memory_space<hbm>>
            %dma_wait3A_491 = arith.constant 0 : i32
            %dma_wait3A_492 = arith.constant 0 : i32
            %dma_wait3A_493 = tpu.memref_slice %arg4[%dma_wait3A_491, %dma_wait3A_492] : memref<327680x64xi32, #tpu.memory_space<hbm>> -> memref<128x64xi32, #tpu.memory_space<hbm>>
            %dma_wait3A_494 = arith.constant 0 : i32
            %dma_wait3A_495 = arith.constant 0 : i32
            %dma_wait3A_496 = tpu.memref_slice %arg6[%dma_wait3A_483, %dma_wait3A_494, %dma_wait3A_495] : memref<8x128x64xi32, #tpu.memory_space<vmem>> -> memref<1x128x64xi32, #tpu.memory_space<vmem>>
            %dma_wait3A_497 = tpu.memref_squeeze %dma_wait3A_496 : memref<1x128x64xi32, #tpu.memory_space<vmem>> -> memref<128x64xi32, #tpu.memory_space<vmem>>
            tpu.wait_dma2 semaphore(%arg21 : memref<!tpu.dma_semaphore, #tpu.memory_space<semaphore_mem>>) src(%dma_wait3A_497 : memref<128x64xi32, #tpu.memory_space<vmem>>) dst(%dma_wait3A_493 : memref<128x64xi32, #tpu.memory_space<hbm>>)
          } else {
          }
          %add3A_470 = arith.constant 4 : i32
          %add3A_471 = arith.addi %add3A_216, %add3A_470 : i32
          %dma_start3A_472 = arith.constant 6 : i32
          %dma_start3A_473 = arith.constant 0 : i32
          %dma_start3A_474 = arith.constant 0 : i32
          %dma_start3A_475 = tpu.memref_slice %arg6[%dma_start3A_472, %dma_start3A_473, %dma_start3A_474] : memref<8x128x64xi32, #tpu.memory_space<vmem>> -> memref<1x128x64xi32, #tpu.memory_space<vmem>>
          %dma_start3A_476 = tpu.memref_squeeze %dma_start3A_475 : memref<1x128x64xi32, #tpu.memory_space<vmem>> -> memref<128x64xi32, #tpu.memory_space<vmem>>
          %dma_start3A_477 = arith.constant 0 : i32
          %dma_start3A_478 = tpu.memref_slice %arg5[%add3A_471, %dma_start3A_477] : memref<80x128xi32, #tpu.memory_space<vmem>> -> memref<1x128xi32, #tpu.memory_space<vmem>>
          %dma_start3A_479 = tpu.memref_squeeze %dma_start3A_478 : memref<1x128xi32, #tpu.memory_space<vmem>> -> memref<128xi32, #tpu.memory_space<vmem>>
          %dma_start3A_480 = arith.constant 0 : i32
          %dma_start3A_481 = arith.constant 0 : i32
          %dma_start3A_482 = tpu.memref_slice %arg3[%dma_start3A_480, %dma_start3A_481] : memref<10000x64xi32, #tpu.memory_space<hbm>> -> memref<10000x64xi32, #tpu.memory_space<hbm>>
          tpu.enqueue_indirect_dma source(%dma_start3A_482 : memref<10000x64xi32, #tpu.memory_space<hbm>>) target(%dma_start3A_476 : memref<128x64xi32, #tpu.memory_space<vmem>>) offsets(%dma_start3A_479 : memref<128xi32, #tpu.memory_space<vmem>>) semaphore(%arg13 : memref<!tpu.dma_semaphore, #tpu.memory_space<semaphore_mem>>)
        } else {
        }
        %dma_wait3A_224 = arith.constant 2 : i32
        %dma_wait3A_225 = arith.constant 0 : i32
        %dma_wait3A_226 = arith.constant 0 : i32
        %dma_wait3A_227 = tpu.memref_slice %arg6[%dma_wait3A_224, %dma_wait3A_225, %dma_wait3A_226] : memref<8x128x64xi32, #tpu.memory_space<vmem>> -> memref<1x128x64xi32, #tpu.memory_space<vmem>>
        %dma_wait3A_228 = tpu.memref_squeeze %dma_wait3A_227 : memref<1x128x64xi32, #tpu.memory_space<vmem>> -> memref<128x64xi32, #tpu.memory_space<vmem>>
        %dma_wait3A_229 = arith.constant 0 : i32
        %dma_wait3A_230 = arith.constant 0 : i32
        %dma_wait3A_231 = tpu.memref_slice %arg3[%dma_wait3A_229, %dma_wait3A_230] : memref<10000x64xi32, #tpu.memory_space<hbm>> -> memref<128x64xi32, #tpu.memory_space<hbm>>
        %dma_wait3A_232 = arith.constant 0 : i32
        %dma_wait3A_233 = arith.constant 0 : i32
        %dma_wait3A_234 = tpu.memref_slice %arg6[%dma_wait3A_224, %dma_wait3A_232, %dma_wait3A_233] : memref<8x128x64xi32, #tpu.memory_space<vmem>> -> memref<1x128x64xi32, #tpu.memory_space<vmem>>
        %dma_wait3A_235 = tpu.memref_squeeze %dma_wait3A_234 : memref<1x128x64xi32, #tpu.memory_space<vmem>> -> memref<128x64xi32, #tpu.memory_space<vmem>>
        %dma_wait3A_236 = arith.constant 0 : i32
        %dma_wait3A_237 = arith.constant 0 : i32
        %dma_wait3A_238 = tpu.memref_slice %arg3[%dma_wait3A_236, %dma_wait3A_237] : memref<10000x64xi32, #tpu.memory_space<hbm>> -> memref<128x64xi32, #tpu.memory_space<hbm>>
        tpu.wait_dma2 semaphore(%arg9 : memref<!tpu.dma_semaphore, #tpu.memory_space<semaphore_mem>>) src(%dma_wait3A_238 : memref<128x64xi32, #tpu.memory_space<hbm>>) dst(%dma_wait3A_235 : memref<128x64xi32, #tpu.memory_space<vmem>>)
        %add3A_239 = arith.addi %add3A_8, %add3A_216 : i32
        %mul3A_240 = arith.constant 128 : i32
        %mul3A_241 = arith.muli %add3A_239, %mul3A_240 : i32
        %dma_start3A_242 = arith.constant 2 : i32
        %dma_start3A_243 = arith.constant 0 : i32
        %dma_start3A_244 = arith.constant 0 : i32
        %dma_start3A_245 = tpu.memref_slice %arg6[%dma_start3A_242, %dma_start3A_243, %dma_start3A_244] : memref<8x128x64xi32, #tpu.memory_space<vmem>> -> memref<1x128x64xi32, #tpu.memory_space<vmem>>
        %dma_start3A_246 = tpu.memref_squeeze %dma_start3A_245 : memref<1x128x64xi32, #tpu.memory_space<vmem>> -> memref<128x64xi32, #tpu.memory_space<vmem>>
        %dma_start3A_247 = arith.constant 0 : i32
        %dma_start3A_248 = tpu.memref_slice %arg4[%mul3A_241, %dma_start3A_247] : memref<327680x64xi32, #tpu.memory_space<hbm>> -> memref<128x64xi32, #tpu.memory_space<hbm>>
        %dma_start3A_249 = arith.constant 0 : i32
        %dma_start3A_250 = tpu.memref_slice %arg4[%mul3A_241, %dma_start3A_249] : memref<327680x64xi32, #tpu.memory_space<hbm>> -> memref<128x64xi32, #tpu.memory_space<hbm>>
        %dma_start3A_251 = arith.constant 0 : i32
        %dma_start3A_252 = arith.constant 0 : i32
        %dma_start3A_253 = tpu.memref_slice %arg6[%dma_start3A_242, %dma_start3A_251, %dma_start3A_252] : memref<8x128x64xi32, #tpu.memory_space<vmem>> -> memref<1x128x64xi32, #tpu.memory_space<vmem>>
        %dma_start3A_254 = tpu.memref_squeeze %dma_start3A_253 : memref<1x128x64xi32, #tpu.memory_space<vmem>> -> memref<128x64xi32, #tpu.memory_space<vmem>>
        tpu.enqueue_dma source(%dma_start3A_254 : memref<128x64xi32, #tpu.memory_space<vmem>>) target(%dma_start3A_250 : memref<128x64xi32, #tpu.memory_space<hbm>>) target_semaphore(%arg17 : memref<!tpu.dma_semaphore, #tpu.memory_space<semaphore_mem>>)
        %mul3A_255 = arith.constant 8 : i32
        %mul3A_256 = arith.muli %scan3A_128, %mul3A_255 : i32
        %add3A_257 = arith.constant 3 : i32
        %add3A_258 = arith.addi %mul3A_256, %add3A_257 : i32
        %add3A_259 = arith.constant 4 : i32
        %add3A_260 = arith.addi %add3A_258, %add3A_259 : i32
        %lt3A_261 = arith.constant 80 : i32
        %lt3A_262 = arith.cmpi slt, %add3A_260, %lt3A_261 : i32
        %convert_element_type3A_263 = arith.extui %lt3A_262 : i1 to i32
        %cond3A_264 = arith.constant 0 : i32
        %cond3A_265 = arith.cmpi ne, %convert_element_type3A_263, %cond3A_264 : i32
        scf.if %cond3A_265 {
          %ge3A = arith.constant 4 : i32
          %ge3A_466 = arith.cmpi sge, %add3A_258, %ge3A : i32
          %convert_element_type3A_467 = arith.extui %ge3A_466 : i1 to i32
          %cond3A_468 = arith.constant 0 : i32
          %cond3A_469 = arith.cmpi ne, %convert_element_type3A_467, %cond3A_468 : i32
          scf.if %cond3A_469 {
            %dma_wait3A_483 = arith.constant 7 : i32
            %dma_wait3A_484 = arith.constant 0 : i32
            %dma_wait3A_485 = arith.constant 0 : i32
            %dma_wait3A_486 = tpu.memref_slice %arg6[%dma_wait3A_483, %dma_wait3A_484, %dma_wait3A_485] : memref<8x128x64xi32, #tpu.memory_space<vmem>> -> memref<1x128x64xi32, #tpu.memory_space<vmem>>
            %dma_wait3A_487 = tpu.memref_squeeze %dma_wait3A_486 : memref<1x128x64xi32, #tpu.memory_space<vmem>> -> memref<128x64xi32, #tpu.memory_space<vmem>>
            %dma_wait3A_488 = arith.constant 0 : i32
            %dma_wait3A_489 = arith.constant 0 : i32
            %dma_wait3A_490 = tpu.memref_slice %arg4[%dma_wait3A_488, %dma_wait3A_489] : memref<327680x64xi32, #tpu.memory_space<hbm>> -> memref<128x64xi32, #tpu.memory_space<hbm>>
            %dma_wait3A_491 = arith.constant 0 : i32
            %dma_wait3A_492 = arith.constant 0 : i32
            %dma_wait3A_493 = tpu.memref_slice %arg4[%dma_wait3A_491, %dma_wait3A_492] : memref<327680x64xi32, #tpu.memory_space<hbm>> -> memref<128x64xi32, #tpu.memory_space<hbm>>
            %dma_wait3A_494 = arith.constant 0 : i32
            %dma_wait3A_495 = arith.constant 0 : i32
            %dma_wait3A_496 = tpu.memref_slice %arg6[%dma_wait3A_483, %dma_wait3A_494, %dma_wait3A_495] : memref<8x128x64xi32, #tpu.memory_space<vmem>> -> memref<1x128x64xi32, #tpu.memory_space<vmem>>
            %dma_wait3A_497 = tpu.memref_squeeze %dma_wait3A_496 : memref<1x128x64xi32, #tpu.memory_space<vmem>> -> memref<128x64xi32, #tpu.memory_space<vmem>>
            tpu.wait_dma2 semaphore(%arg22 : memref<!tpu.dma_semaphore, #tpu.memory_space<semaphore_mem>>) src(%dma_wait3A_497 : memref<128x64xi32, #tpu.memory_space<vmem>>) dst(%dma_wait3A_493 : memref<128x64xi32, #tpu.memory_space<hbm>>)
          } else {
          }
          %add3A_470 = arith.constant 4 : i32
          %add3A_471 = arith.addi %add3A_258, %add3A_470 : i32
          %dma_start3A_472 = arith.constant 7 : i32
          %dma_start3A_473 = arith.constant 0 : i32
          %dma_start3A_474 = arith.constant 0 : i32
          %dma_start3A_475 = tpu.memref_slice %arg6[%dma_start3A_472, %dma_start3A_473, %dma_start3A_474] : memref<8x128x64xi32, #tpu.memory_space<vmem>> -> memref<1x128x64xi32, #tpu.memory_space<vmem>>
          %dma_start3A_476 = tpu.memref_squeeze %dma_start3A_475 : memref<1x128x64xi32, #tpu.memory_space<vmem>> -> memref<128x64xi32, #tpu.memory_space<vmem>>
          %dma_start3A_477 = arith.constant 0 : i32
          %dma_start3A_478 = tpu.memref_slice %arg5[%add3A_471, %dma_start3A_477] : memref<80x128xi32, #tpu.memory_space<vmem>> -> memref<1x128xi32, #tpu.memory_space<vmem>>
          %dma_start3A_479 = tpu.memref_squeeze %dma_start3A_478 : memref<1x128xi32, #tpu.memory_space<vmem>> -> memref<128xi32, #tpu.memory_space<vmem>>
          %dma_start3A_480 = arith.constant 0 : i32
          %dma_start3A_481 = arith.constant 0 : i32
          %dma_start3A_482 = tpu.memref_slice %arg3[%dma_start3A_480, %dma_start3A_481] : memref<10000x64xi32, #tpu.memory_space<hbm>> -> memref<10000x64xi32, #tpu.memory_space<hbm>>
          tpu.enqueue_indirect_dma source(%dma_start3A_482 : memref<10000x64xi32, #tpu.memory_space<hbm>>) target(%dma_start3A_476 : memref<128x64xi32, #tpu.memory_space<vmem>>) offsets(%dma_start3A_479 : memref<128xi32, #tpu.memory_space<vmem>>) semaphore(%arg14 : memref<!tpu.dma_semaphore, #tpu.memory_space<semaphore_mem>>)
        } else {
        }
        %dma_wait3A_266 = arith.constant 3 : i32
        %dma_wait3A_267 = arith.constant 0 : i32
        %dma_wait3A_268 = arith.constant 0 : i32
        %dma_wait3A_269 = tpu.memref_slice %arg6[%dma_wait3A_266, %dma_wait3A_267, %dma_wait3A_268] : memref<8x128x64xi32, #tpu.memory_space<vmem>> -> memref<1x128x64xi32, #tpu.memory_space<vmem>>
        %dma_wait3A_270 = tpu.memref_squeeze %dma_wait3A_269 : memref<1x128x64xi32, #tpu.memory_space<vmem>> -> memref<128x64xi32, #tpu.memory_space<vmem>>
        %dma_wait3A_271 = arith.constant 0 : i32
        %dma_wait3A_272 = arith.constant 0 : i32
        %dma_wait3A_273 = tpu.memref_slice %arg3[%dma_wait3A_271, %dma_wait3A_272] : memref<10000x64xi32, #tpu.memory_space<hbm>> -> memref<128x64xi32, #tpu.memory_space<hbm>>
        %dma_wait3A_274 = arith.constant 0 : i32
        %dma_wait3A_275 = arith.constant 0 : i32
        %dma_wait3A_276 = tpu.memref_slice %arg6[%dma_wait3A_266, %dma_wait3A_274, %dma_wait3A_275] : memref<8x128x64xi32, #tpu.memory_space<vmem>> -> memref<1x128x64xi32, #tpu.memory_space<vmem>>
        %dma_wait3A_277 = tpu.memref_squeeze %dma_wait3A_276 : memref<1x128x64xi32, #tpu.memory_space<vmem>> -> memref<128x64xi32, #tpu.memory_space<vmem>>
        %dma_wait3A_278 = arith.constant 0 : i32
        %dma_wait3A_279 = arith.constant 0 : i32
        %dma_wait3A_280 = tpu.memref_slice %arg3[%dma_wait3A_278, %dma_wait3A_279] : memref<10000x64xi32, #tpu.memory_space<hbm>> -> memref<128x64xi32, #tpu.memory_space<hbm>>
        tpu.wait_dma2 semaphore(%arg10 : memref<!tpu.dma_semaphore, #tpu.memory_space<semaphore_mem>>) src(%dma_wait3A_280 : memref<128x64xi32, #tpu.memory_space<hbm>>) dst(%dma_wait3A_277 : memref<128x64xi32, #tpu.memory_space<vmem>>)
        %add3A_281 = arith.addi %add3A_8, %add3A_258 : i32
        %mul3A_282 = arith.constant 128 : i32
        %mul3A_283 = arith.muli %add3A_281, %mul3A_282 : i32
        %dma_start3A_284 = arith.constant 3 : i32
        %dma_start3A_285 = arith.constant 0 : i32
        %dma_start3A_286 = arith.constant 0 : i32
        %dma_start3A_287 = tpu.memref_slice %arg6[%dma_start3A_284, %dma_start3A_285, %dma_start3A_286] : memref<8x128x64xi32, #tpu.memory_space<vmem>> -> memref<1x128x64xi32, #tpu.memory_space<vmem>>
        %dma_start3A_288 = tpu.memref_squeeze %dma_start3A_287 : memref<1x128x64xi32, #tpu.memory_space<vmem>> -> memref<128x64xi32, #tpu.memory_space<vmem>>
        %dma_start3A_289 = arith.constant 0 : i32
        %dma_start3A_290 = tpu.memref_slice %arg4[%mul3A_283, %dma_start3A_289] : memref<327680x64xi32, #tpu.memory_space<hbm>> -> memref<128x64xi32, #tpu.memory_space<hbm>>
        %dma_start3A_291 = arith.constant 0 : i32
        %dma_start3A_292 = tpu.memref_slice %arg4[%mul3A_283, %dma_start3A_291] : memref<327680x64xi32, #tpu.memory_space<hbm>> -> memref<128x64xi32, #tpu.memory_space<hbm>>
        %dma_start3A_293 = arith.constant 0 : i32
        %dma_start3A_294 = arith.constant 0 : i32
        %dma_start3A_295 = tpu.memref_slice %arg6[%dma_start3A_284, %dma_start3A_293, %dma_start3A_294] : memref<8x128x64xi32, #tpu.memory_space<vmem>> -> memref<1x128x64xi32, #tpu.memory_space<vmem>>
        %dma_start3A_296 = tpu.memref_squeeze %dma_start3A_295 : memref<1x128x64xi32, #tpu.memory_space<vmem>> -> memref<128x64xi32, #tpu.memory_space<vmem>>
        tpu.enqueue_dma source(%dma_start3A_296 : memref<128x64xi32, #tpu.memory_space<vmem>>) target(%dma_start3A_292 : memref<128x64xi32, #tpu.memory_space<hbm>>) target_semaphore(%arg18 : memref<!tpu.dma_semaphore, #tpu.memory_space<semaphore_mem>>)
        %mul3A_297 = arith.constant 8 : i32
        %mul3A_298 = arith.muli %scan3A_128, %mul3A_297 : i32
        %add3A_299 = arith.constant 4 : i32
        %add3A_300 = arith.addi %mul3A_298, %add3A_299 : i32
        %add3A_301 = arith.constant 4 : i32
        %add3A_302 = arith.addi %add3A_300, %add3A_301 : i32
        %lt3A_303 = arith.constant 80 : i32
        %lt3A_304 = arith.cmpi slt, %add3A_302, %lt3A_303 : i32
        %convert_element_type3A_305 = arith.extui %lt3A_304 : i1 to i32
        %cond3A_306 = arith.constant 0 : i32
        %cond3A_307 = arith.cmpi ne, %convert_element_type3A_305, %cond3A_306 : i32
        scf.if %cond3A_307 {
          %ge3A = arith.constant 4 : i32
          %ge3A_466 = arith.cmpi sge, %add3A_300, %ge3A : i32
          %convert_element_type3A_467 = arith.extui %ge3A_466 : i1 to i32
          %cond3A_468 = arith.constant 0 : i32
          %cond3A_469 = arith.cmpi ne, %convert_element_type3A_467, %cond3A_468 : i32
          scf.if %cond3A_469 {
            %dma_wait3A_483 = arith.constant 0 : i32
            %dma_wait3A_484 = arith.constant 0 : i32
            %dma_wait3A_485 = arith.constant 0 : i32
            %dma_wait3A_486 = tpu.memref_slice %arg6[%dma_wait3A_483, %dma_wait3A_484, %dma_wait3A_485] : memref<8x128x64xi32, #tpu.memory_space<vmem>> -> memref<1x128x64xi32, #tpu.memory_space<vmem>>
            %dma_wait3A_487 = tpu.memref_squeeze %dma_wait3A_486 : memref<1x128x64xi32, #tpu.memory_space<vmem>> -> memref<128x64xi32, #tpu.memory_space<vmem>>
            %dma_wait3A_488 = arith.constant 0 : i32
            %dma_wait3A_489 = arith.constant 0 : i32
            %dma_wait3A_490 = tpu.memref_slice %arg4[%dma_wait3A_488, %dma_wait3A_489] : memref<327680x64xi32, #tpu.memory_space<hbm>> -> memref<128x64xi32, #tpu.memory_space<hbm>>
            %dma_wait3A_491 = arith.constant 0 : i32
            %dma_wait3A_492 = arith.constant 0 : i32
            %dma_wait3A_493 = tpu.memref_slice %arg4[%dma_wait3A_491, %dma_wait3A_492] : memref<327680x64xi32, #tpu.memory_space<hbm>> -> memref<128x64xi32, #tpu.memory_space<hbm>>
            %dma_wait3A_494 = arith.constant 0 : i32
            %dma_wait3A_495 = arith.constant 0 : i32
            %dma_wait3A_496 = tpu.memref_slice %arg6[%dma_wait3A_483, %dma_wait3A_494, %dma_wait3A_495] : memref<8x128x64xi32, #tpu.memory_space<vmem>> -> memref<1x128x64xi32, #tpu.memory_space<vmem>>
            %dma_wait3A_497 = tpu.memref_squeeze %dma_wait3A_496 : memref<1x128x64xi32, #tpu.memory_space<vmem>> -> memref<128x64xi32, #tpu.memory_space<vmem>>
            tpu.wait_dma2 semaphore(%arg15 : memref<!tpu.dma_semaphore, #tpu.memory_space<semaphore_mem>>) src(%dma_wait3A_497 : memref<128x64xi32, #tpu.memory_space<vmem>>) dst(%dma_wait3A_493 : memref<128x64xi32, #tpu.memory_space<hbm>>)
          } else {
          }
          %add3A_470 = arith.constant 4 : i32
          %add3A_471 = arith.addi %add3A_300, %add3A_470 : i32
          %dma_start3A_472 = arith.constant 0 : i32
          %dma_start3A_473 = arith.constant 0 : i32
          %dma_start3A_474 = arith.constant 0 : i32
          %dma_start3A_475 = tpu.memref_slice %arg6[%dma_start3A_472, %dma_start3A_473, %dma_start3A_474] : memref<8x128x64xi32, #tpu.memory_space<vmem>> -> memref<1x128x64xi32, #tpu.memory_space<vmem>>
          %dma_start3A_476 = tpu.memref_squeeze %dma_start3A_475 : memref<1x128x64xi32, #tpu.memory_space<vmem>> -> memref<128x64xi32, #tpu.memory_space<vmem>>
          %dma_start3A_477 = arith.constant 0 : i32
          %dma_start3A_478 = tpu.memref_slice %arg5[%add3A_471, %dma_start3A_477] : memref<80x128xi32, #tpu.memory_space<vmem>> -> memref<1x128xi32, #tpu.memory_space<vmem>>
          %dma_start3A_479 = tpu.memref_squeeze %dma_start3A_478 : memref<1x128xi32, #tpu.memory_space<vmem>> -> memref<128xi32, #tpu.memory_space<vmem>>
          %dma_start3A_480 = arith.constant 0 : i32
          %dma_start3A_481 = arith.constant 0 : i32
          %dma_start3A_482 = tpu.memref_slice %arg3[%dma_start3A_480, %dma_start3A_481] : memref<10000x64xi32, #tpu.memory_space<hbm>> -> memref<10000x64xi32, #tpu.memory_space<hbm>>
          tpu.enqueue_indirect_dma source(%dma_start3A_482 : memref<10000x64xi32, #tpu.memory_space<hbm>>) target(%dma_start3A_476 : memref<128x64xi32, #tpu.memory_space<vmem>>) offsets(%dma_start3A_479 : memref<128xi32, #tpu.memory_space<vmem>>) semaphore(%arg7 : memref<!tpu.dma_semaphore, #tpu.memory_space<semaphore_mem>>)
        } else {
        }
        %dma_wait3A_308 = arith.constant 4 : i32
        %dma_wait3A_309 = arith.constant 0 : i32
        %dma_wait3A_310 = arith.constant 0 : i32
        %dma_wait3A_311 = tpu.memref_slice %arg6[%dma_wait3A_308, %dma_wait3A_309, %dma_wait3A_310] : memref<8x128x64xi32, #tpu.memory_space<vmem>> -> memref<1x128x64xi32, #tpu.memory_space<vmem>>
        %dma_wait3A_312 = tpu.memref_squeeze %dma_wait3A_311 : memref<1x128x64xi32, #tpu.memory_space<vmem>> -> memref<128x64xi32, #tpu.memory_space<vmem>>
        %dma_wait3A_313 = arith.constant 0 : i32
        %dma_wait3A_314 = arith.constant 0 : i32
        %dma_wait3A_315 = tpu.memref_slice %arg3[%dma_wait3A_313, %dma_wait3A_314] : memref<10000x64xi32, #tpu.memory_space<hbm>> -> memref<128x64xi32, #tpu.memory_space<hbm>>
        %dma_wait3A_316 = arith.constant 0 : i32
        %dma_wait3A_317 = arith.constant 0 : i32
        %dma_wait3A_318 = tpu.memref_slice %arg6[%dma_wait3A_308, %dma_wait3A_316, %dma_wait3A_317] : memref<8x128x64xi32, #tpu.memory_space<vmem>> -> memref<1x128x64xi32, #tpu.memory_space<vmem>>
        %dma_wait3A_319 = tpu.memref_squeeze %dma_wait3A_318 : memref<1x128x64xi32, #tpu.memory_space<vmem>> -> memref<128x64xi32, #tpu.memory_space<vmem>>
        %dma_wait3A_320 = arith.constant 0 : i32
        %dma_wait3A_321 = arith.constant 0 : i32
        %dma_wait3A_322 = tpu.memref_slice %arg3[%dma_wait3A_320, %dma_wait3A_321] : memref<10000x64xi32, #tpu.memory_space<hbm>> -> memref<128x64xi32, #tpu.memory_space<hbm>>
        tpu.wait_dma2 semaphore(%arg11 : memref<!tpu.dma_semaphore, #tpu.memory_space<semaphore_mem>>) src(%dma_wait3A_322 : memref<128x64xi32, #tpu.memory_space<hbm>>) dst(%dma_wait3A_319 : memref<128x64xi32, #tpu.memory_space<vmem>>)
        %add3A_323 = arith.addi %add3A_8, %add3A_300 : i32
        %mul3A_324 = arith.constant 128 : i32
        %mul3A_325 = arith.muli %add3A_323, %mul3A_324 : i32
        %dma_start3A_326 = arith.constant 4 : i32
        %dma_start3A_327 = arith.constant 0 : i32
        %dma_start3A_328 = arith.constant 0 : i32
        %dma_start3A_329 = tpu.memref_slice %arg6[%dma_start3A_326, %dma_start3A_327, %dma_start3A_328] : memref<8x128x64xi32, #tpu.memory_space<vmem>> -> memref<1x128x64xi32, #tpu.memory_space<vmem>>
        %dma_start3A_330 = tpu.memref_squeeze %dma_start3A_329 : memref<1x128x64xi32, #tpu.memory_space<vmem>> -> memref<128x64xi32, #tpu.memory_space<vmem>>
        %dma_start3A_331 = arith.constant 0 : i32
        %dma_start3A_332 = tpu.memref_slice %arg4[%mul3A_325, %dma_start3A_331] : memref<327680x64xi32, #tpu.memory_space<hbm>> -> memref<128x64xi32, #tpu.memory_space<hbm>>
        %dma_start3A_333 = arith.constant 0 : i32
        %dma_start3A_334 = tpu.memref_slice %arg4[%mul3A_325, %dma_start3A_333] : memref<327680x64xi32, #tpu.memory_space<hbm>> -> memref<128x64xi32, #tpu.memory_space<hbm>>
        %dma_start3A_335 = arith.constant 0 : i32
        %dma_start3A_336 = arith.constant 0 : i32
        %dma_start3A_337 = tpu.memref_slice %arg6[%dma_start3A_326, %dma_start3A_335, %dma_start3A_336] : memref<8x128x64xi32, #tpu.memory_space<vmem>> -> memref<1x128x64xi32, #tpu.memory_space<vmem>>
        %dma_start3A_338 = tpu.memref_squeeze %dma_start3A_337 : memref<1x128x64xi32, #tpu.memory_space<vmem>> -> memref<128x64xi32, #tpu.memory_space<vmem>>
        tpu.enqueue_dma source(%dma_start3A_338 : memref<128x64xi32, #tpu.memory_space<vmem>>) target(%dma_start3A_334 : memref<128x64xi32, #tpu.memory_space<hbm>>) target_semaphore(%arg19 : memref<!tpu.dma_semaphore, #tpu.memory_space<semaphore_mem>>)
        %mul3A_339 = arith.constant 8 : i32
        %mul3A_340 = arith.muli %scan3A_128, %mul3A_339 : i32
        %add3A_341 = arith.constant 5 : i32
        %add3A_342 = arith.addi %mul3A_340, %add3A_341 : i32
        %add3A_343 = arith.constant 4 : i32
        %add3A_344 = arith.addi %add3A_342, %add3A_343 : i32
        %lt3A_345 = arith.constant 80 : i32
        %lt3A_346 = arith.cmpi slt, %add3A_344, %lt3A_345 : i32
        %convert_element_type3A_347 = arith.extui %lt3A_346 : i1 to i32
        %cond3A_348 = arith.constant 0 : i32
        %cond3A_349 = arith.cmpi ne, %convert_element_type3A_347, %cond3A_348 : i32
        scf.if %cond3A_349 {
          %ge3A = arith.constant 4 : i32
          %ge3A_466 = arith.cmpi sge, %add3A_342, %ge3A : i32
          %convert_element_type3A_467 = arith.extui %ge3A_466 : i1 to i32
          %cond3A_468 = arith.constant 0 : i32
          %cond3A_469 = arith.cmpi ne, %convert_element_type3A_467, %cond3A_468 : i32
          scf.if %cond3A_469 {
            %dma_wait3A_483 = arith.constant 1 : i32
            %dma_wait3A_484 = arith.constant 0 : i32
            %dma_wait3A_485 = arith.constant 0 : i32
            %dma_wait3A_486 = tpu.memref_slice %arg6[%dma_wait3A_483, %dma_wait3A_484, %dma_wait3A_485] : memref<8x128x64xi32, #tpu.memory_space<vmem>> -> memref<1x128x64xi32, #tpu.memory_space<vmem>>
            %dma_wait3A_487 = tpu.memref_squeeze %dma_wait3A_486 : memref<1x128x64xi32, #tpu.memory_space<vmem>> -> memref<128x64xi32, #tpu.memory_space<vmem>>
            %dma_wait3A_488 = arith.constant 0 : i32
            %dma_wait3A_489 = arith.constant 0 : i32
            %dma_wait3A_490 = tpu.memref_slice %arg4[%dma_wait3A_488, %dma_wait3A_489] : memref<327680x64xi32, #tpu.memory_space<hbm>> -> memref<128x64xi32, #tpu.memory_space<hbm>>
            %dma_wait3A_491 = arith.constant 0 : i32
            %dma_wait3A_492 = arith.constant 0 : i32
            %dma_wait3A_493 = tpu.memref_slice %arg4[%dma_wait3A_491, %dma_wait3A_492] : memref<327680x64xi32, #tpu.memory_space<hbm>> -> memref<128x64xi32, #tpu.memory_space<hbm>>
            %dma_wait3A_494 = arith.constant 0 : i32
            %dma_wait3A_495 = arith.constant 0 : i32
            %dma_wait3A_496 = tpu.memref_slice %arg6[%dma_wait3A_483, %dma_wait3A_494, %dma_wait3A_495] : memref<8x128x64xi32, #tpu.memory_space<vmem>> -> memref<1x128x64xi32, #tpu.memory_space<vmem>>
            %dma_wait3A_497 = tpu.memref_squeeze %dma_wait3A_496 : memref<1x128x64xi32, #tpu.memory_space<vmem>> -> memref<128x64xi32, #tpu.memory_space<vmem>>
            tpu.wait_dma2 semaphore(%arg16 : memref<!tpu.dma_semaphore, #tpu.memory_space<semaphore_mem>>) src(%dma_wait3A_497 : memref<128x64xi32, #tpu.memory_space<vmem>>) dst(%dma_wait3A_493 : memref<128x64xi32, #tpu.memory_space<hbm>>)
          } else {
          }
          %add3A_470 = arith.constant 4 : i32
          %add3A_471 = arith.addi %add3A_342, %add3A_470 : i32
          %dma_start3A_472 = arith.constant 1 : i32
          %dma_start3A_473 = arith.constant 0 : i32
          %dma_start3A_474 = arith.constant 0 : i32
          %dma_start3A_475 = tpu.memref_slice %arg6[%dma_start3A_472, %dma_start3A_473, %dma_start3A_474] : memref<8x128x64xi32, #tpu.memory_space<vmem>> -> memref<1x128x64xi32, #tpu.memory_space<vmem>>
          %dma_start3A_476 = tpu.memref_squeeze %dma_start3A_475 : memref<1x128x64xi32, #tpu.memory_space<vmem>> -> memref<128x64xi32, #tpu.memory_space<vmem>>
          %dma_start3A_477 = arith.constant 0 : i32
          %dma_start3A_478 = tpu.memref_slice %arg5[%add3A_471, %dma_start3A_477] : memref<80x128xi32, #tpu.memory_space<vmem>> -> memref<1x128xi32, #tpu.memory_space<vmem>>
          %dma_start3A_479 = tpu.memref_squeeze %dma_start3A_478 : memref<1x128xi32, #tpu.memory_space<vmem>> -> memref<128xi32, #tpu.memory_space<vmem>>
          %dma_start3A_480 = arith.constant 0 : i32
          %dma_start3A_481 = arith.constant 0 : i32
          %dma_start3A_482 = tpu.memref_slice %arg3[%dma_start3A_480, %dma_start3A_481] : memref<10000x64xi32, #tpu.memory_space<hbm>> -> memref<10000x64xi32, #tpu.memory_space<hbm>>
          tpu.enqueue_indirect_dma source(%dma_start3A_482 : memref<10000x64xi32, #tpu.memory_space<hbm>>) target(%dma_start3A_476 : memref<128x64xi32, #tpu.memory_space<vmem>>) offsets(%dma_start3A_479 : memref<128xi32, #tpu.memory_space<vmem>>) semaphore(%arg8 : memref<!tpu.dma_semaphore, #tpu.memory_space<semaphore_mem>>)
        } else {
        }
        %dma_wait3A_350 = arith.constant 5 : i32
        %dma_wait3A_351 = arith.constant 0 : i32
        %dma_wait3A_352 = arith.constant 0 : i32
        %dma_wait3A_353 = tpu.memref_slice %arg6[%dma_wait3A_350, %dma_wait3A_351, %dma_wait3A_352] : memref<8x128x64xi32, #tpu.memory_space<vmem>> -> memref<1x128x64xi32, #tpu.memory_space<vmem>>
        %dma_wait3A_354 = tpu.memref_squeeze %dma_wait3A_353 : memref<1x128x64xi32, #tpu.memory_space<vmem>> -> memref<128x64xi32, #tpu.memory_space<vmem>>
        %dma_wait3A_355 = arith.constant 0 : i32
        %dma_wait3A_356 = arith.constant 0 : i32
        %dma_wait3A_357 = tpu.memref_slice %arg3[%dma_wait3A_355, %dma_wait3A_356] : memref<10000x64xi32, #tpu.memory_space<hbm>> -> memref<128x64xi32, #tpu.memory_space<hbm>>
        %dma_wait3A_358 = arith.constant 0 : i32
        %dma_wait3A_359 = arith.constant 0 : i32
        %dma_wait3A_360 = tpu.memref_slice %arg6[%dma_wait3A_350, %dma_wait3A_358, %dma_wait3A_359] : memref<8x128x64xi32, #tpu.memory_space<vmem>> -> memref<1x128x64xi32, #tpu.memory_space<vmem>>
        %dma_wait3A_361 = tpu.memref_squeeze %dma_wait3A_360 : memref<1x128x64xi32, #tpu.memory_space<vmem>> -> memref<128x64xi32, #tpu.memory_space<vmem>>
        %dma_wait3A_362 = arith.constant 0 : i32
        %dma_wait3A_363 = arith.constant 0 : i32
        %dma_wait3A_364 = tpu.memref_slice %arg3[%dma_wait3A_362, %dma_wait3A_363] : memref<10000x64xi32, #tpu.memory_space<hbm>> -> memref<128x64xi32, #tpu.memory_space<hbm>>
        tpu.wait_dma2 semaphore(%arg12 : memref<!tpu.dma_semaphore, #tpu.memory_space<semaphore_mem>>) src(%dma_wait3A_364 : memref<128x64xi32, #tpu.memory_space<hbm>>) dst(%dma_wait3A_361 : memref<128x64xi32, #tpu.memory_space<vmem>>)
        %add3A_365 = arith.addi %add3A_8, %add3A_342 : i32
        %mul3A_366 = arith.constant 128 : i32
        %mul3A_367 = arith.muli %add3A_365, %mul3A_366 : i32
        %dma_start3A_368 = arith.constant 5 : i32
        %dma_start3A_369 = arith.constant 0 : i32
        %dma_start3A_370 = arith.constant 0 : i32
        %dma_start3A_371 = tpu.memref_slice %arg6[%dma_start3A_368, %dma_start3A_369, %dma_start3A_370] : memref<8x128x64xi32, #tpu.memory_space<vmem>> -> memref<1x128x64xi32, #tpu.memory_space<vmem>>
        %dma_start3A_372 = tpu.memref_squeeze %dma_start3A_371 : memref<1x128x64xi32, #tpu.memory_space<vmem>> -> memref<128x64xi32, #tpu.memory_space<vmem>>
        %dma_start3A_373 = arith.constant 0 : i32
        %dma_start3A_374 = tpu.memref_slice %arg4[%mul3A_367, %dma_start3A_373] : memref<327680x64xi32, #tpu.memory_space<hbm>> -> memref<128x64xi32, #tpu.memory_space<hbm>>
        %dma_start3A_375 = arith.constant 0 : i32
        %dma_start3A_376 = tpu.memref_slice %arg4[%mul3A_367, %dma_start3A_375] : memref<327680x64xi32, #tpu.memory_space<hbm>> -> memref<128x64xi32, #tpu.memory_space<hbm>>
        %dma_start3A_377 = arith.constant 0 : i32
        %dma_start3A_378 = arith.constant 0 : i32
        %dma_start3A_379 = tpu.memref_slice %arg6[%dma_start3A_368, %dma_start3A_377, %dma_start3A_378] : memref<8x128x64xi32, #tpu.memory_space<vmem>> -> memref<1x128x64xi32, #tpu.memory_space<vmem>>
        %dma_start3A_380 = tpu.memref_squeeze %dma_start3A_379 : memref<1x128x64xi32, #tpu.memory_space<vmem>> -> memref<128x64xi32, #tpu.memory_space<vmem>>
        tpu.enqueue_dma source(%dma_start3A_380 : memref<128x64xi32, #tpu.memory_space<vmem>>) target(%dma_start3A_376 : memref<128x64xi32, #tpu.memory_space<hbm>>) target_semaphore(%arg20 : memref<!tpu.dma_semaphore, #tpu.memory_space<semaphore_mem>>)
        %mul3A_381 = arith.constant 8 : i32
        %mul3A_382 = arith.muli %scan3A_128, %mul3A_381 : i32
        %add3A_383 = arith.constant 6 : i32
        %add3A_384 = arith.addi %mul3A_382, %add3A_383 : i32
        %add3A_385 = arith.constant 4 : i32
        %add3A_386 = arith.addi %add3A_384, %add3A_385 : i32
        %lt3A_387 = arith.constant 80 : i32
        %lt3A_388 = arith.cmpi slt, %add3A_386, %lt3A_387 : i32
        %convert_element_type3A_389 = arith.extui %lt3A_388 : i1 to i32
        %cond3A_390 = arith.constant 0 : i32
        %cond3A_391 = arith.cmpi ne, %convert_element_type3A_389, %cond3A_390 : i32
        scf.if %cond3A_391 {
          %ge3A = arith.constant 4 : i32
          %ge3A_466 = arith.cmpi sge, %add3A_384, %ge3A : i32
          %convert_element_type3A_467 = arith.extui %ge3A_466 : i1 to i32
          %cond3A_468 = arith.constant 0 : i32
          %cond3A_469 = arith.cmpi ne, %convert_element_type3A_467, %cond3A_468 : i32
          scf.if %cond3A_469 {
            %dma_wait3A_483 = arith.constant 2 : i32
            %dma_wait3A_484 = arith.constant 0 : i32
            %dma_wait3A_485 = arith.constant 0 : i32
            %dma_wait3A_486 = tpu.memref_slice %arg6[%dma_wait3A_483, %dma_wait3A_484, %dma_wait3A_485] : memref<8x128x64xi32, #tpu.memory_space<vmem>> -> memref<1x128x64xi32, #tpu.memory_space<vmem>>
            %dma_wait3A_487 = tpu.memref_squeeze %dma_wait3A_486 : memref<1x128x64xi32, #tpu.memory_space<vmem>> -> memref<128x64xi32, #tpu.memory_space<vmem>>
            %dma_wait3A_488 = arith.constant 0 : i32
            %dma_wait3A_489 = arith.constant 0 : i32
            %dma_wait3A_490 = tpu.memref_slice %arg4[%dma_wait3A_488, %dma_wait3A_489] : memref<327680x64xi32, #tpu.memory_space<hbm>> -> memref<128x64xi32, #tpu.memory_space<hbm>>
            %dma_wait3A_491 = arith.constant 0 : i32
            %dma_wait3A_492 = arith.constant 0 : i32
            %dma_wait3A_493 = tpu.memref_slice %arg4[%dma_wait3A_491, %dma_wait3A_492] : memref<327680x64xi32, #tpu.memory_space<hbm>> -> memref<128x64xi32, #tpu.memory_space<hbm>>
            %dma_wait3A_494 = arith.constant 0 : i32
            %dma_wait3A_495 = arith.constant 0 : i32
            %dma_wait3A_496 = tpu.memref_slice %arg6[%dma_wait3A_483, %dma_wait3A_494, %dma_wait3A_495] : memref<8x128x64xi32, #tpu.memory_space<vmem>> -> memref<1x128x64xi32, #tpu.memory_space<vmem>>
            %dma_wait3A_497 = tpu.memref_squeeze %dma_wait3A_496 : memref<1x128x64xi32, #tpu.memory_space<vmem>> -> memref<128x64xi32, #tpu.memory_space<vmem>>
            tpu.wait_dma2 semaphore(%arg17 : memref<!tpu.dma_semaphore, #tpu.memory_space<semaphore_mem>>) src(%dma_wait3A_497 : memref<128x64xi32, #tpu.memory_space<vmem>>) dst(%dma_wait3A_493 : memref<128x64xi32, #tpu.memory_space<hbm>>)
          } else {
          }
          %add3A_470 = arith.constant 4 : i32
          %add3A_471 = arith.addi %add3A_384, %add3A_470 : i32
          %dma_start3A_472 = arith.constant 2 : i32
          %dma_start3A_473 = arith.constant 0 : i32
          %dma_start3A_474 = arith.constant 0 : i32
          %dma_start3A_475 = tpu.memref_slice %arg6[%dma_start3A_472, %dma_start3A_473, %dma_start3A_474] : memref<8x128x64xi32, #tpu.memory_space<vmem>> -> memref<1x128x64xi32, #tpu.memory_space<vmem>>
          %dma_start3A_476 = tpu.memref_squeeze %dma_start3A_475 : memref<1x128x64xi32, #tpu.memory_space<vmem>> -> memref<128x64xi32, #tpu.memory_space<vmem>>
          %dma_start3A_477 = arith.constant 0 : i32
          %dma_start3A_478 = tpu.memref_slice %arg5[%add3A_471, %dma_start3A_477] : memref<80x128xi32, #tpu.memory_space<vmem>> -> memref<1x128xi32, #tpu.memory_space<vmem>>
          %dma_start3A_479 = tpu.memref_squeeze %dma_start3A_478 : memref<1x128xi32, #tpu.memory_space<vmem>> -> memref<128xi32, #tpu.memory_space<vmem>>
          %dma_start3A_480 = arith.constant 0 : i32
          %dma_start3A_481 = arith.constant 0 : i32
          %dma_start3A_482 = tpu.memref_slice %arg3[%dma_start3A_480, %dma_start3A_481] : memref<10000x64xi32, #tpu.memory_space<hbm>> -> memref<10000x64xi32, #tpu.memory_space<hbm>>
          tpu.enqueue_indirect_dma source(%dma_start3A_482 : memref<10000x64xi32, #tpu.memory_space<hbm>>) target(%dma_start3A_476 : memref<128x64xi32, #tpu.memory_space<vmem>>) offsets(%dma_start3A_479 : memref<128xi32, #tpu.memory_space<vmem>>) semaphore(%arg9 : memref<!tpu.dma_semaphore, #tpu.memory_space<semaphore_mem>>)
        } else {
        }
        %dma_wait3A_392 = arith.constant 6 : i32
        %dma_wait3A_393 = arith.constant 0 : i32
        %dma_wait3A_394 = arith.constant 0 : i32
        %dma_wait3A_395 = tpu.memref_slice %arg6[%dma_wait3A_392, %dma_wait3A_393, %dma_wait3A_394] : memref<8x128x64xi32, #tpu.memory_space<vmem>> -> memref<1x128x64xi32, #tpu.memory_space<vmem>>
        %dma_wait3A_396 = tpu.memref_squeeze %dma_wait3A_395 : memref<1x128x64xi32, #tpu.memory_space<vmem>> -> memref<128x64xi32, #tpu.memory_space<vmem>>
        %dma_wait3A_397 = arith.constant 0 : i32
        %dma_wait3A_398 = arith.constant 0 : i32
        %dma_wait3A_399 = tpu.memref_slice %arg3[%dma_wait3A_397, %dma_wait3A_398] : memref<10000x64xi32, #tpu.memory_space<hbm>> -> memref<128x64xi32, #tpu.memory_space<hbm>>
        %dma_wait3A_400 = arith.constant 0 : i32
        %dma_wait3A_401 = arith.constant 0 : i32
        %dma_wait3A_402 = tpu.memref_slice %arg6[%dma_wait3A_392, %dma_wait3A_400, %dma_wait3A_401] : memref<8x128x64xi32, #tpu.memory_space<vmem>> -> memref<1x128x64xi32, #tpu.memory_space<vmem>>
        %dma_wait3A_403 = tpu.memref_squeeze %dma_wait3A_402 : memref<1x128x64xi32, #tpu.memory_space<vmem>> -> memref<128x64xi32, #tpu.memory_space<vmem>>
        %dma_wait3A_404 = arith.constant 0 : i32
        %dma_wait3A_405 = arith.constant 0 : i32
        %dma_wait3A_406 = tpu.memref_slice %arg3[%dma_wait3A_404, %dma_wait3A_405] : memref<10000x64xi32, #tpu.memory_space<hbm>> -> memref<128x64xi32, #tpu.memory_space<hbm>>
        tpu.wait_dma2 semaphore(%arg13 : memref<!tpu.dma_semaphore, #tpu.memory_space<semaphore_mem>>) src(%dma_wait3A_406 : memref<128x64xi32, #tpu.memory_space<hbm>>) dst(%dma_wait3A_403 : memref<128x64xi32, #tpu.memory_space<vmem>>)
        %add3A_407 = arith.addi %add3A_8, %add3A_384 : i32
        %mul3A_408 = arith.constant 128 : i32
        %mul3A_409 = arith.muli %add3A_407, %mul3A_408 : i32
        %dma_start3A_410 = arith.constant 6 : i32
        %dma_start3A_411 = arith.constant 0 : i32
        %dma_start3A_412 = arith.constant 0 : i32
        %dma_start3A_413 = tpu.memref_slice %arg6[%dma_start3A_410, %dma_start3A_411, %dma_start3A_412] : memref<8x128x64xi32, #tpu.memory_space<vmem>> -> memref<1x128x64xi32, #tpu.memory_space<vmem>>
        %dma_start3A_414 = tpu.memref_squeeze %dma_start3A_413 : memref<1x128x64xi32, #tpu.memory_space<vmem>> -> memref<128x64xi32, #tpu.memory_space<vmem>>
        %dma_start3A_415 = arith.constant 0 : i32
        %dma_start3A_416 = tpu.memref_slice %arg4[%mul3A_409, %dma_start3A_415] : memref<327680x64xi32, #tpu.memory_space<hbm>> -> memref<128x64xi32, #tpu.memory_space<hbm>>
        %dma_start3A_417 = arith.constant 0 : i32
        %dma_start3A_418 = tpu.memref_slice %arg4[%mul3A_409, %dma_start3A_417] : memref<327680x64xi32, #tpu.memory_space<hbm>> -> memref<128x64xi32, #tpu.memory_space<hbm>>
        %dma_start3A_419 = arith.constant 0 : i32
        %dma_start3A_420 = arith.constant 0 : i32
        %dma_start3A_421 = tpu.memref_slice %arg6[%dma_start3A_410, %dma_start3A_419, %dma_start3A_420] : memref<8x128x64xi32, #tpu.memory_space<vmem>> -> memref<1x128x64xi32, #tpu.memory_space<vmem>>
        %dma_start3A_422 = tpu.memref_squeeze %dma_start3A_421 : memref<1x128x64xi32, #tpu.memory_space<vmem>> -> memref<128x64xi32, #tpu.memory_space<vmem>>
        tpu.enqueue_dma source(%dma_start3A_422 : memref<128x64xi32, #tpu.memory_space<vmem>>) target(%dma_start3A_418 : memref<128x64xi32, #tpu.memory_space<hbm>>) target_semaphore(%arg21 : memref<!tpu.dma_semaphore, #tpu.memory_space<semaphore_mem>>)
        %mul3A_423 = arith.constant 8 : i32
        %mul3A_424 = arith.muli %scan3A_128, %mul3A_423 : i32
        %add3A_425 = arith.constant 7 : i32
        %add3A_426 = arith.addi %mul3A_424, %add3A_425 : i32
        %add3A_427 = arith.constant 4 : i32
        %add3A_428 = arith.addi %add3A_426, %add3A_427 : i32
        %lt3A_429 = arith.constant 80 : i32
        %lt3A_430 = arith.cmpi slt, %add3A_428, %lt3A_429 : i32
        %convert_element_type3A_431 = arith.extui %lt3A_430 : i1 to i32
        %cond3A_432 = arith.constant 0 : i32
        %cond3A_433 = arith.cmpi ne, %convert_element_type3A_431, %cond3A_432 : i32
        scf.if %cond3A_433 {
          %ge3A = arith.constant 4 : i32
          %ge3A_466 = arith.cmpi sge, %add3A_426, %ge3A : i32
          %convert_element_type3A_467 = arith.extui %ge3A_466 : i1 to i32
          %cond3A_468 = arith.constant 0 : i32
          %cond3A_469 = arith.cmpi ne, %convert_element_type3A_467, %cond3A_468 : i32
          scf.if %cond3A_469 {
            %dma_wait3A_483 = arith.constant 3 : i32
            %dma_wait3A_484 = arith.constant 0 : i32
            %dma_wait3A_485 = arith.constant 0 : i32
            %dma_wait3A_486 = tpu.memref_slice %arg6[%dma_wait3A_483, %dma_wait3A_484, %dma_wait3A_485] : memref<8x128x64xi32, #tpu.memory_space<vmem>> -> memref<1x128x64xi32, #tpu.memory_space<vmem>>
            %dma_wait3A_487 = tpu.memref_squeeze %dma_wait3A_486 : memref<1x128x64xi32, #tpu.memory_space<vmem>> -> memref<128x64xi32, #tpu.memory_space<vmem>>
            %dma_wait3A_488 = arith.constant 0 : i32
            %dma_wait3A_489 = arith.constant 0 : i32
            %dma_wait3A_490 = tpu.memref_slice %arg4[%dma_wait3A_488, %dma_wait3A_489] : memref<327680x64xi32, #tpu.memory_space<hbm>> -> memref<128x64xi32, #tpu.memory_space<hbm>>
            %dma_wait3A_491 = arith.constant 0 : i32
            %dma_wait3A_492 = arith.constant 0 : i32
            %dma_wait3A_493 = tpu.memref_slice %arg4[%dma_wait3A_491, %dma_wait3A_492] : memref<327680x64xi32, #tpu.memory_space<hbm>> -> memref<128x64xi32, #tpu.memory_space<hbm>>
            %dma_wait3A_494 = arith.constant 0 : i32
            %dma_wait3A_495 = arith.constant 0 : i32
            %dma_wait3A_496 = tpu.memref_slice %arg6[%dma_wait3A_483, %dma_wait3A_494, %dma_wait3A_495] : memref<8x128x64xi32, #tpu.memory_space<vmem>> -> memref<1x128x64xi32, #tpu.memory_space<vmem>>
            %dma_wait3A_497 = tpu.memref_squeeze %dma_wait3A_496 : memref<1x128x64xi32, #tpu.memory_space<vmem>> -> memref<128x64xi32, #tpu.memory_space<vmem>>
            tpu.wait_dma2 semaphore(%arg18 : memref<!tpu.dma_semaphore, #tpu.memory_space<semaphore_mem>>) src(%dma_wait3A_497 : memref<128x64xi32, #tpu.memory_space<vmem>>) dst(%dma_wait3A_493 : memref<128x64xi32, #tpu.memory_space<hbm>>)
          } else {
          }
          %add3A_470 = arith.constant 4 : i32
          %add3A_471 = arith.addi %add3A_426, %add3A_470 : i32
          %dma_start3A_472 = arith.constant 3 : i32
          %dma_start3A_473 = arith.constant 0 : i32
          %dma_start3A_474 = arith.constant 0 : i32
          %dma_start3A_475 = tpu.memref_slice %arg6[%dma_start3A_472, %dma_start3A_473, %dma_start3A_474] : memref<8x128x64xi32, #tpu.memory_space<vmem>> -> memref<1x128x64xi32, #tpu.memory_space<vmem>>
          %dma_start3A_476 = tpu.memref_squeeze %dma_start3A_475 : memref<1x128x64xi32, #tpu.memory_space<vmem>> -> memref<128x64xi32, #tpu.memory_space<vmem>>
          %dma_start3A_477 = arith.constant 0 : i32
          %dma_start3A_478 = tpu.memref_slice %arg5[%add3A_471, %dma_start3A_477] : memref<80x128xi32, #tpu.memory_space<vmem>> -> memref<1x128xi32, #tpu.memory_space<vmem>>
          %dma_start3A_479 = tpu.memref_squeeze %dma_start3A_478 : memref<1x128xi32, #tpu.memory_space<vmem>> -> memref<128xi32, #tpu.memory_space<vmem>>
          %dma_start3A_480 = arith.constant 0 : i32
          %dma_start3A_481 = arith.constant 0 : i32
          %dma_start3A_482 = tpu.memref_slice %arg3[%dma_start3A_480, %dma_start3A_481] : memref<10000x64xi32, #tpu.memory_space<hbm>> -> memref<10000x64xi32, #tpu.memory_space<hbm>>
          tpu.enqueue_indirect_dma source(%dma_start3A_482 : memref<10000x64xi32, #tpu.memory_space<hbm>>) target(%dma_start3A_476 : memref<128x64xi32, #tpu.memory_space<vmem>>) offsets(%dma_start3A_479 : memref<128xi32, #tpu.memory_space<vmem>>) semaphore(%arg10 : memref<!tpu.dma_semaphore, #tpu.memory_space<semaphore_mem>>)
        } else {
        }
        %dma_wait3A_434 = arith.constant 7 : i32
        %dma_wait3A_435 = arith.constant 0 : i32
        %dma_wait3A_436 = arith.constant 0 : i32
        %dma_wait3A_437 = tpu.memref_slice %arg6[%dma_wait3A_434, %dma_wait3A_435, %dma_wait3A_436] : memref<8x128x64xi32, #tpu.memory_space<vmem>> -> memref<1x128x64xi32, #tpu.memory_space<vmem>>
        %dma_wait3A_438 = tpu.memref_squeeze %dma_wait3A_437 : memref<1x128x64xi32, #tpu.memory_space<vmem>> -> memref<128x64xi32, #tpu.memory_space<vmem>>
        %dma_wait3A_439 = arith.constant 0 : i32
        %dma_wait3A_440 = arith.constant 0 : i32
        %dma_wait3A_441 = tpu.memref_slice %arg3[%dma_wait3A_439, %dma_wait3A_440] : memref<10000x64xi32, #tpu.memory_space<hbm>> -> memref<128x64xi32, #tpu.memory_space<hbm>>
        %dma_wait3A_442 = arith.constant 0 : i32
        %dma_wait3A_443 = arith.constant 0 : i32
        %dma_wait3A_444 = tpu.memref_slice %arg6[%dma_wait3A_434, %dma_wait3A_442, %dma_wait3A_443] : memref<8x128x64xi32, #tpu.memory_space<vmem>> -> memref<1x128x64xi32, #tpu.memory_space<vmem>>
        %dma_wait3A_445 = tpu.memref_squeeze %dma_wait3A_444 : memref<1x128x64xi32, #tpu.memory_space<vmem>> -> memref<128x64xi32, #tpu.memory_space<vmem>>
        %dma_wait3A_446 = arith.constant 0 : i32
        %dma_wait3A_447 = arith.constant 0 : i32
        %dma_wait3A_448 = tpu.memref_slice %arg3[%dma_wait3A_446, %dma_wait3A_447] : memref<10000x64xi32, #tpu.memory_space<hbm>> -> memref<128x64xi32, #tpu.memory_space<hbm>>
        tpu.wait_dma2 semaphore(%arg14 : memref<!tpu.dma_semaphore, #tpu.memory_space<semaphore_mem>>) src(%dma_wait3A_448 : memref<128x64xi32, #tpu.memory_space<hbm>>) dst(%dma_wait3A_445 : memref<128x64xi32, #tpu.memory_space<vmem>>)
        %add3A_449 = arith.addi %add3A_8, %add3A_426 : i32
        %mul3A_450 = arith.constant 128 : i32
        %mul3A_451 = arith.muli %add3A_449, %mul3A_450 : i32
        %dma_start3A_452 = arith.constant 7 : i32
        %dma_start3A_453 = arith.constant 0 : i32
        %dma_start3A_454 = arith.constant 0 : i32
        %dma_start3A_455 = tpu.memref_slice %arg6[%dma_start3A_452, %dma_start3A_453, %dma_start3A_454] : memref<8x128x64xi32, #tpu.memory_space<vmem>> -> memref<1x128x64xi32, #tpu.memory_space<vmem>>
        %dma_start3A_456 = tpu.memref_squeeze %dma_start3A_455 : memref<1x128x64xi32, #tpu.memory_space<vmem>> -> memref<128x64xi32, #tpu.memory_space<vmem>>
        %dma_start3A_457 = arith.constant 0 : i32
        %dma_start3A_458 = tpu.memref_slice %arg4[%mul3A_451, %dma_start3A_457] : memref<327680x64xi32, #tpu.memory_space<hbm>> -> memref<128x64xi32, #tpu.memory_space<hbm>>
        %dma_start3A_459 = arith.constant 0 : i32
        %dma_start3A_460 = tpu.memref_slice %arg4[%mul3A_451, %dma_start3A_459] : memref<327680x64xi32, #tpu.memory_space<hbm>> -> memref<128x64xi32, #tpu.memory_space<hbm>>
        %dma_start3A_461 = arith.constant 0 : i32
        %dma_start3A_462 = arith.constant 0 : i32
        %dma_start3A_463 = tpu.memref_slice %arg6[%dma_start3A_452, %dma_start3A_461, %dma_start3A_462] : memref<8x128x64xi32, #tpu.memory_space<vmem>> -> memref<1x128x64xi32, #tpu.memory_space<vmem>>
        %dma_start3A_464 = tpu.memref_squeeze %dma_start3A_463 : memref<1x128x64xi32, #tpu.memory_space<vmem>> -> memref<128x64xi32, #tpu.memory_space<vmem>>
        tpu.enqueue_dma source(%dma_start3A_464 : memref<128x64xi32, #tpu.memory_space<vmem>>) target(%dma_start3A_460 : memref<128x64xi32, #tpu.memory_space<hbm>>) target_semaphore(%arg22 : memref<!tpu.dma_semaphore, #tpu.memory_space<semaphore_mem>>)
        %scan3A_465 = arith.constant 0 : i32
        scf.yield %scan3A_465 : i32
      }
      %scan3A_68 = arith.constant 10 : i32
      %dma_wait3A = arith.constant 4 : i32
      %dma_wait3A_69 = arith.constant 0 : i32
      %dma_wait3A_70 = arith.constant 0 : i32
      %dma_wait3A_71 = tpu.memref_slice %arg6[%dma_wait3A, %dma_wait3A_69, %dma_wait3A_70] : memref<8x128x64xi32, #tpu.memory_space<vmem>> -> memref<1x128x64xi32, #tpu.memory_space<vmem>>
      %dma_wait3A_72 = tpu.memref_squeeze %dma_wait3A_71 : memref<1x128x64xi32, #tpu.memory_space<vmem>> -> memref<128x64xi32, #tpu.memory_space<vmem>>
      %dma_wait3A_73 = arith.constant 0 : i32
      %dma_wait3A_74 = arith.constant 0 : i32
      %dma_wait3A_75 = tpu.memref_slice %arg4[%dma_wait3A_73, %dma_wait3A_74] : memref<327680x64xi32, #tpu.memory_space<hbm>> -> memref<128x64xi32, #tpu.memory_space<hbm>>
      %dma_wait3A_76 = arith.constant 0 : i32
      %dma_wait3A_77 = arith.constant 0 : i32
      %dma_wait3A_78 = tpu.memref_slice %arg4[%dma_wait3A_76, %dma_wait3A_77] : memref<327680x64xi32, #tpu.memory_space<hbm>> -> memref<128x64xi32, #tpu.memory_space<hbm>>
      %dma_wait3A_79 = arith.constant 0 : i32
      %dma_wait3A_80 = arith.constant 0 : i32
      %dma_wait3A_81 = tpu.memref_slice %arg6[%dma_wait3A, %dma_wait3A_79, %dma_wait3A_80] : memref<8x128x64xi32, #tpu.memory_space<vmem>> -> memref<1x128x64xi32, #tpu.memory_space<vmem>>
      %dma_wait3A_82 = tpu.memref_squeeze %dma_wait3A_81 : memref<1x128x64xi32, #tpu.memory_space<vmem>> -> memref<128x64xi32, #tpu.memory_space<vmem>>
      tpu.wait_dma2 semaphore(%arg19 : memref<!tpu.dma_semaphore, #tpu.memory_space<semaphore_mem>>) src(%dma_wait3A_82 : memref<128x64xi32, #tpu.memory_space<vmem>>) dst(%dma_wait3A_78 : memref<128x64xi32, #tpu.memory_space<hbm>>)
      %dma_wait3A_83 = arith.constant 5 : i32
      %dma_wait3A_84 = arith.constant 0 : i32
      %dma_wait3A_85 = arith.constant 0 : i32
      %dma_wait3A_86 = tpu.memref_slice %arg6[%dma_wait3A_83, %dma_wait3A_84, %dma_wait3A_85] : memref<8x128x64xi32, #tpu.memory_space<vmem>> -> memref<1x128x64xi32, #tpu.memory_space<vmem>>
      %dma_wait3A_87 = tpu.memref_squeeze %dma_wait3A_86 : memref<1x128x64xi32, #tpu.memory_space<vmem>> -> memref<128x64xi32, #tpu.memory_space<vmem>>
      %dma_wait3A_88 = arith.constant 0 : i32
      %dma_wait3A_89 = arith.constant 0 : i32
      %dma_wait3A_90 = tpu.memref_slice %arg4[%dma_wait3A_88, %dma_wait3A_89] : memref<327680x64xi32, #tpu.memory_space<hbm>> -> memref<128x64xi32, #tpu.memory_space<hbm>>
      %dma_wait3A_91 = arith.constant 0 : i32
      %dma_wait3A_92 = arith.constant 0 : i32
      %dma_wait3A_93 = tpu.memref_slice %arg4[%dma_wait3A_91, %dma_wait3A_92] : memref<327680x64xi32, #tpu.memory_space<hbm>> -> memref<128x64xi32, #tpu.memory_space<hbm>>
      %dma_wait3A_94 = arith.constant 0 : i32
      %dma_wait3A_95 = arith.constant 0 : i32
      %dma_wait3A_96 = tpu.memref_slice %arg6[%dma_wait3A_83, %dma_wait3A_94, %dma_wait3A_95] : memref<8x128x64xi32, #tpu.memory_space<vmem>> -> memref<1x128x64xi32, #tpu.memory_space<vmem>>
      %dma_wait3A_97 = tpu.memref_squeeze %dma_wait3A_96 : memref<1x128x64xi32, #tpu.memory_space<vmem>> -> memref<128x64xi32, #tpu.memory_space<vmem>>
      tpu.wait_dma2 semaphore(%arg20 : memref<!tpu.dma_semaphore, #tpu.memory_space<semaphore_mem>>) src(%dma_wait3A_97 : memref<128x64xi32, #tpu.memory_space<vmem>>) dst(%dma_wait3A_93 : memref<128x64xi32, #tpu.memory_space<hbm>>)
      %dma_wait3A_98 = arith.constant 6 : i32
      %dma_wait3A_99 = arith.constant 0 : i32
      %dma_wait3A_100 = arith.constant 0 : i32
      %dma_wait3A_101 = tpu.memref_slice %arg6[%dma_wait3A_98, %dma_wait3A_99, %dma_wait3A_100] : memref<8x128x64xi32, #tpu.memory_space<vmem>> -> memref<1x128x64xi32, #tpu.memory_space<vmem>>
      %dma_wait3A_102 = tpu.memref_squeeze %dma_wait3A_101 : memref<1x128x64xi32, #tpu.memory_space<vmem>> -> memref<128x64xi32, #tpu.memory_space<vmem>>
      %dma_wait3A_103 = arith.constant 0 : i32
      %dma_wait3A_104 = arith.constant 0 : i32
      %dma_wait3A_105 = tpu.memref_slice %arg4[%dma_wait3A_103, %dma_wait3A_104] : memref<327680x64xi32, #tpu.memory_space<hbm>> -> memref<128x64xi32, #tpu.memory_space<hbm>>
      %dma_wait3A_106 = arith.constant 0 : i32
      %dma_wait3A_107 = arith.constant 0 : i32
      %dma_wait3A_108 = tpu.memref_slice %arg4[%dma_wait3A_106, %dma_wait3A_107] : memref<327680x64xi32, #tpu.memory_space<hbm>> -> memref<128x64xi32, #tpu.memory_space<hbm>>
      %dma_wait3A_109 = arith.constant 0 : i32
      %dma_wait3A_110 = arith.constant 0 : i32
      %dma_wait3A_111 = tpu.memref_slice %arg6[%dma_wait3A_98, %dma_wait3A_109, %dma_wait3A_110] : memref<8x128x64xi32, #tpu.memory_space<vmem>> -> memref<1x128x64xi32, #tpu.memory_space<vmem>>
      %dma_wait3A_112 = tpu.memref_squeeze %dma_wait3A_111 : memref<1x128x64xi32, #tpu.memory_space<vmem>> -> memref<128x64xi32, #tpu.memory_space<vmem>>
      tpu.wait_dma2 semaphore(%arg21 : memref<!tpu.dma_semaphore, #tpu.memory_space<semaphore_mem>>) src(%dma_wait3A_112 : memref<128x64xi32, #tpu.memory_space<vmem>>) dst(%dma_wait3A_108 : memref<128x64xi32, #tpu.memory_space<hbm>>)
      %dma_wait3A_113 = arith.constant 7 : i32
      %dma_wait3A_114 = arith.constant 0 : i32
      %dma_wait3A_115 = arith.constant 0 : i32
      %dma_wait3A_116 = tpu.memref_slice %arg6[%dma_wait3A_113, %dma_wait3A_114, %dma_wait3A_115] : memref<8x128x64xi32, #tpu.memory_space<vmem>> -> memref<1x128x64xi32, #tpu.memory_space<vmem>>
      %dma_wait3A_117 = tpu.memref_squeeze %dma_wait3A_116 : memref<1x128x64xi32, #tpu.memory_space<vmem>> -> memref<128x64xi32, #tpu.memory_space<vmem>>
      %dma_wait3A_118 = arith.constant 0 : i32
      %dma_wait3A_119 = arith.constant 0 : i32
      %dma_wait3A_120 = tpu.memref_slice %arg4[%dma_wait3A_118, %dma_wait3A_119] : memref<327680x64xi32, #tpu.memory_space<hbm>> -> memref<128x64xi32, #tpu.memory_space<hbm>>
      %dma_wait3A_121 = arith.constant 0 : i32
      %dma_wait3A_122 = arith.constant 0 : i32
      %dma_wait3A_123 = tpu.memref_slice %arg4[%dma_wait3A_121, %dma_wait3A_122] : memref<327680x64xi32, #tpu.memory_space<hbm>> -> memref<128x64xi32, #tpu.memory_space<hbm>>
      %dma_wait3A_124 = arith.constant 0 : i32
      %dma_wait3A_125 = arith.constant 0 : i32
      %dma_wait3A_126 = tpu.memref_slice %arg6[%dma_wait3A_113, %dma_wait3A_124, %dma_wait3A_125] : memref<8x128x64xi32, #tpu.memory_space<vmem>> -> memref<1x128x64xi32, #tpu.memory_space<vmem>>
      %dma_wait3A_127 = tpu.memref_squeeze %dma_wait3A_126 : memref<1x128x64xi32, #tpu.memory_space<vmem>> -> memref<128x64xi32, #tpu.memory_space<vmem>>
      tpu.wait_dma2 semaphore(%arg22 : memref<!tpu.dma_semaphore, #tpu.memory_space<semaphore_mem>>) src(%dma_wait3A_127 : memref<128x64xi32, #tpu.memory_space<vmem>>) dst(%dma_wait3A_123 : memref<128x64xi32, #tpu.memory_space<hbm>>)
    } else {
    }
    return
  }
}

module attributes {stable_mosaic.version = 14 : i64} {
  func.func @_tc_body(%arg0: i32, %arg1: i32, %arg2: memref<1x200x32xi32, #tpu.memory_space<vmem>>, %arg3: memref<1x200x32x64xbf16, #tpu.memory_space<vmem>>, %arg4: memref<1x200x32xf32, #tpu.memory_space<vmem>>, %arg5: memref<6400x64xi32, #tpu.memory_space<vmem>>, %arg6: memref<64x128xbf16, #tpu.memory_space<vmem>>, %arg7: memref<1x128xf32, #tpu.memory_space<vmem>>, %arg8: memref<128x128xbf16, #tpu.memory_space<vmem>>, %arg9: memref<1x128xf32, #tpu.memory_space<vmem>>, %arg10: memref<1x200x128xf32, #tpu.memory_space<vmem>>) attributes {dimension_semantics = [#tpu.dimension_semantics<arbitrary>, #tpu.dimension_semantics<arbitrary>], iteration_bounds = array<i64: 10, 5>, scalar_prefetch = 0 : i64, scratch_operands = 0 : i64, tpu.core_type = #tpu.core_type<tc>, window_params = [{transform_indices = @transform_0, window_bounds = array<i64: 1, 200, 32>}, {transform_indices = @transform_1, window_bounds = array<i64: 1, 200, 32, 64>}, {transform_indices = @transform_2, window_bounds = array<i64: 1, 200, 32>}, {transform_indices = @transform_3, window_bounds = array<i64: 6400, 64>}, {pipeline_mode = #tpu.pipeline_mode<synchronous>, transform_indices = @transform_4, window_bounds = array<i64: 64, 128>}, {pipeline_mode = #tpu.pipeline_mode<synchronous>, transform_indices = @transform_5, window_bounds = array<i64: 1, 128>}, {pipeline_mode = #tpu.pipeline_mode<synchronous>, transform_indices = @transform_6, window_bounds = array<i64: 128, 128>}, {pipeline_mode = #tpu.pipeline_mode<synchronous>, transform_indices = @transform_7, window_bounds = array<i64: 1, 128>}, {transform_indices = @transform_8, window_bounds = array<i64: 1, 200, 128>}]} {
    %get3A = arith.constant 0 : index
    %get3A_0 = arith.constant 0 : index
    %get3A_1 = arith.constant 0 : index
    %get3A_2 = arith.constant 0 : index
    %get3A_3 = vector.load %arg3[%get3A, %get3A_0, %get3A_1, %get3A_2] : memref<1x200x32x64xbf16, #tpu.memory_space<vmem>>, vector<1x200x32x64xbf16>
    %get3A_4 = vector.shape_cast %get3A_3 : vector<1x200x32x64xbf16> to vector<200x32x64xbf16>
    %reshape3A = vector.shape_cast %get3A_4 : vector<200x32x64xbf16> to vector<6400x64xbf16>
    %get3A_5 = arith.constant 0 : index
    %get3A_6 = arith.constant 0 : index
    %get3A_7 = vector.load %arg6[%get3A_5, %get3A_6] : memref<64x128xbf16, #tpu.memory_space<vmem>>, vector<64x128xbf16>
    %dot_general3A = arith.constant dense<0.000000e+00> : vector<6400x128xf32>
    %dot_general3A_8 = tpu.matmul %reshape3A, %get3A_7, %dot_general3A {dimension_numbers = #tpu.dot_dimension_numbers<[1], [0], [0], [1], [0, 0, 1, 1], [], []>, transpose_lhs_hint = false} : vector<6400x64xbf16>, vector<64x128xbf16>, vector<6400x128xf32> -> vector<6400x128xf32>
    %get3A_9 = arith.constant 0 : index
    %get3A_10 = arith.constant 0 : index
    %get3A_11 = vector.load %arg7[%get3A_9, %get3A_10] : memref<1x128xf32, #tpu.memory_space<vmem>>, vector<1x128xf32>
    %add3A = vector.broadcast %get3A_11 : vector<1x128xf32> to vector<6400x128xf32>
    %add3A_12 = arith.addf %dot_general3A_8, %add3A : vector<6400x128xf32>
    %custom_jvp_call3A = arith.constant 0.000000e+00 : f32
    %max3A = vector.broadcast %custom_jvp_call3A : f32 to vector<6400x128xf32>
    %max3A_13 = arith.maximumf %add3A_12, %max3A : vector<6400x128xf32>
    %sub3A = vector.broadcast %custom_jvp_call3A : f32 to vector<6400x128xf32>
    %sub3A_14 = arith.subf %add3A_12, %sub3A : vector<6400x128xf32>
    %ne3A = arith.cmpf one, %sub3A_14, %sub3A_14 : vector<6400x128xf32>
    %add3A_15 = vector.broadcast %custom_jvp_call3A : f32 to vector<6400x128xf32>
    %add3A_16 = arith.addf %add3A_12, %add3A_15 : vector<6400x128xf32>
    %abs3A = math.absf %sub3A_14 : vector<6400x128xf32>
    %neg3A = arith.constant 0.000000e+00 : f32
    %neg3A_17 = vector.broadcast %neg3A : f32 to vector<6400x128xf32>
    %neg3A_18 = arith.subf %neg3A_17, %abs3A : vector<6400x128xf32>
    %exp3A = math.exp %neg3A_18 : vector<6400x128xf32>
    %log1p3A = math.log1p %exp3A : vector<6400x128xf32>
    %add3A_19 = arith.addf %max3A_13, %log1p3A : vector<6400x128xf32>
    %select_n3A = arith.select %ne3A, %add3A_16, %add3A_19 : vector<6400x128xi1>, vector<6400x128xf32>
    %log3A = arith.constant 2.000000e+00 : f32
    %log3A_20 = math.log %log3A : f32
    %sub3A_21 = vector.broadcast %log3A_20 : f32 to vector<6400x128xf32>
    %sub3A_22 = arith.subf %select_n3A, %sub3A_21 : vector<6400x128xf32>
    %convert_element_type3A = arith.truncf %sub3A_22 : vector<6400x128xf32> to vector<6400x128xbf16>
    %get3A_23 = arith.constant 0 : index
    %get3A_24 = arith.constant 0 : index
    %get3A_25 = vector.load %arg8[%get3A_23, %get3A_24] : memref<128x128xbf16, #tpu.memory_space<vmem>>, vector<128x128xbf16>
    %dot_general3A_26 = arith.constant dense<0.000000e+00> : vector<6400x128xf32>
    %dot_general3A_27 = tpu.matmul %convert_element_type3A, %get3A_25, %dot_general3A_26 {dimension_numbers = #tpu.dot_dimension_numbers<[1], [0], [0], [1], [0, 0, 1, 1], [], []>, transpose_lhs_hint = false} : vector<6400x128xbf16>, vector<128x128xbf16>, vector<6400x128xf32> -> vector<6400x128xf32>
    %get3A_28 = arith.constant 0 : index
    %get3A_29 = arith.constant 0 : index
    %get3A_30 = vector.load %arg9[%get3A_28, %get3A_29] : memref<1x128xf32, #tpu.memory_space<vmem>>, vector<1x128xf32>
    %add3A_31 = vector.broadcast %get3A_30 : vector<1x128xf32> to vector<6400x128xf32>
    %add3A_32 = arith.addf %dot_general3A_27, %add3A_31 : vector<6400x128xf32>
    %get3A_33 = arith.constant 0 : index
    %get3A_34 = arith.constant 0 : index
    %get3A_35 = vector.load %arg5[%get3A_33, %get3A_34] : memref<6400x64xi32, #tpu.memory_space<vmem>>, vector<6400x64xi32>
    %shift_left3A = arith.constant 16 : i32
    %shift_left3A_36 = vector.broadcast %shift_left3A : i32 to vector<6400x64xi32>
    %shift_left3A_37 = arith.shli %get3A_35, %shift_left3A_36 : vector<6400x64xi32>
    %bitcast_convert_type3A = tpu.bitcast %shift_left3A_37 : vector<6400x64xi32> -> vector<6400x64xf32>
    %and3A = arith.constant -65536 : i32
    %and3A_38 = vector.broadcast %and3A : i32 to vector<6400x64xi32>
    %and3A_39 = arith.andi %get3A_35, %and3A_38 : vector<6400x64xi32>
    %bitcast_convert_type3A_40 = tpu.bitcast %and3A_39 : vector<6400x64xi32> -> vector<6400x64xf32>
    %get3A_41 = arith.constant 0 : index
    %get3A_42 = arith.constant 0 : index
    %get3A_43 = arith.constant 0 : index
    %get3A_44 = vector.load %arg4[%get3A_41, %get3A_42, %get3A_43] : memref<1x200x32xf32, #tpu.memory_space<vmem>>, vector<1x200x32xf32>
    %get3A_45 = vector.shape_cast %get3A_44 : vector<1x200x32xf32> to vector<200x32xf32>
    %broadcast_in_dim3A = vector.shape_cast %get3A_45 : vector<200x32xf32> to vector<200x32x1xf32>
    %broadcast_in_dim3A_46 = vector.broadcast %broadcast_in_dim3A : vector<200x32x1xf32> to vector<200x32x64xf32>
    %slice3A = vector.extract_strided_slice %add3A_32 {offsets = [0, 0], sizes = [6400, 64], strides = [1, 1]} : vector<6400x128xf32> to vector<6400x64xf32>
    %mul3A = arith.mulf %slice3A, %bitcast_convert_type3A : vector<6400x64xf32>
    %reshape3A_47 = vector.shape_cast %mul3A : vector<6400x64xf32> to vector<200x32x64xf32>
    %mul3A_48 = arith.mulf %reshape3A_47, %broadcast_in_dim3A_46 : vector<200x32x64xf32>
    %reduce_sum3A = arith.constant dense<0.000000e+00> : vector<200x64xf32>
    %reduce_sum3A_49 = vector.multi_reduction <add>, %mul3A_48, %reduce_sum3A [1] : vector<200x32x64xf32> to vector<200x64xf32>
    %slice3A_50 = vector.extract_strided_slice %add3A_32 {offsets = [0, 64], sizes = [6400, 64], strides = [1, 1]} : vector<6400x128xf32> to vector<6400x64xf32>
    %mul3A_51 = arith.mulf %slice3A_50, %bitcast_convert_type3A_40 : vector<6400x64xf32>
    %reshape3A_52 = vector.shape_cast %mul3A_51 : vector<6400x64xf32> to vector<200x32x64xf32>
    %mul3A_53 = arith.mulf %reshape3A_52, %broadcast_in_dim3A_46 : vector<200x32x64xf32>
    %reduce_sum3A_54 = arith.constant dense<0.000000e+00> : vector<200x64xf32>
    %reduce_sum3A_55 = vector.multi_reduction <add>, %mul3A_53, %reduce_sum3A_54 [1] : vector<200x32x64xf32> to vector<200x64xf32>
    %concatenate3A = tpu.concatenate %reduce_sum3A_49, %reduce_sum3A_55 in 1 : vector<200x64xf32>, vector<200x64xf32> -> vector<200x128xf32>
    %swap3A = arith.constant 0 : index
    %swap3A_56 = arith.constant 0 : index
    %swap3A_57 = arith.constant 0 : index
    %swap3A_58 = vector.load %arg10[%swap3A, %swap3A_56, %swap3A_57] : memref<1x200x128xf32, #tpu.memory_space<vmem>>, vector<1x200x128xf32>
    %swap3A_59 = vector.shape_cast %swap3A_58 : vector<1x200x128xf32> to vector<200x128xf32>
    %swap3A_60 = vector.shape_cast %concatenate3A : vector<200x128xf32> to vector<1x200x128xf32>
    tpu.vector_store %arg10[%swap3A, %swap3A_56, %swap3A_57], %swap3A_60 {strides = array<i32>} : memref<1x200x128xf32, #tpu.memory_space<vmem>>, vector<1x200x128xf32>,
    return
  }
  func.func @transform_0(%arg0: i32, %arg1: i32) -> (i32, i32, i32) {
    %c0_i32 = arith.constant 0 : i32
    %c0_i32_0 = arith.constant 0 : i32
    return %arg0, %arg1, %c0_i32 : i32, i32, i32
  }
  func.func @transform_1(%arg0: i32, %arg1: i32) -> (i32, i32, i32, i32) {
    %c0_i32 = arith.constant 0 : i32
    %c0_i32_0 = arith.constant 0 : i32
    %c0_i32_1 = arith.constant 0 : i32
    return %arg0, %arg1, %c0_i32, %c0_i32_0 : i32, i32, i32, i32
  }
  func.func @transform_2(%arg0: i32, %arg1: i32) -> (i32, i32, i32) {
    %c0_i32 = arith.constant 0 : i32
    %c0_i32_0 = arith.constant 0 : i32
    return %arg0, %arg1, %c0_i32 : i32, i32, i32
  }
  func.func @transform_3(%arg0: i32, %arg1: i32) -> (i32, i32) {
    %mul3A = arith.constant 5 : i32
    %mul3A_0 = arith.muli %arg0, %mul3A : i32
    %add3A = arith.addi %mul3A_0, %arg1 : i32
    %c0_i32 = arith.constant 0 : i32
    %c0_i32_1 = arith.constant 0 : i32
    return %add3A, %c0_i32 : i32, i32
  }
  func.func @transform_4(%arg0: i32, %arg1: i32) -> (i32, i32) {
    %c0_i32 = arith.constant 0 : i32
    %c0_i32_0 = arith.constant 0 : i32
    %c0_i32_1 = arith.constant 0 : i32
    return %c0_i32, %c0_i32_0 : i32, i32
  }
  func.func @transform_5(%arg0: i32, %arg1: i32) -> (i32, i32) {
    %c0_i32 = arith.constant 0 : i32
    %c0_i32_0 = arith.constant 0 : i32
    %c0_i32_1 = arith.constant 0 : i32
    return %c0_i32, %c0_i32_0 : i32, i32
  }
  func.func @transform_6(%arg0: i32, %arg1: i32) -> (i32, i32) {
    %c0_i32 = arith.constant 0 : i32
    %c0_i32_0 = arith.constant 0 : i32
    %c0_i32_1 = arith.constant 0 : i32
    return %c0_i32, %c0_i32_0 : i32, i32
  }
  func.func @transform_7(%arg0: i32, %arg1: i32) -> (i32, i32) {
    %c0_i32 = arith.constant 0 : i32
    %c0_i32_0 = arith.constant 0 : i32
    %c0_i32_1 = arith.constant 0 : i32
    return %c0_i32, %c0_i32_0 : i32, i32
  }
  func.func @transform_8(%arg0: i32, %arg1: i32) -> (i32, i32, i32) {
    %c0_i32 = arith.constant 0 : i32
    %c0_i32_0 = arith.constant 0 : i32
    return %arg0, %arg1, %c0_i32 : i32, i32, i32
  }
}

</mosaic_0001>

<sc_bundles>
// kernel: kernel.4.cloned.1.call-start
scs
__scs_entry_jumppad:
0x0: {  	(pc) =	sbr.rel $0x88, $3  }
0x1: {  	(tag) =	ssettag $0x0;
	lr =	simm.s32 $0x1  }
0x2: {  	[smem:$0x3F99] =	sst lr;
	_ =	strace $0xD0000000  }
0x3: {  	_ = 	snop  }
0x4: {  	_ = 	snop  }
0x5: {  	_ = 	snop  }
0x6: {  	_ = 	snop  }
0x7: {  	_ = 	snop  }
__scs_overlays_trampoline_lowered:
0x8: {  	[smem:$0x3FA8] =	sst s0  }
0x9: {  	[smem:$0x3FA9] =	sst s1  }
0xa: {  	[smem:$0x3FAA] =	sst s2  }
0xb: {  	[smem:$0x3FAB] =	sst s3  }
0xc: {  	[smem:$0x3FAC] =	sst s4  }
0xd: {  	[smem:$0x3FAD] =	sst s5  }
0xe: {  	[smem:$0x3FAE] =	sst s6  }
0xf: {  	[smem:$0x3FAF] =	sst s7  }
0x10: {  	[smem:$0x3FB0] =	sst s8  }
0x11: {  	[smem:$0x3FB1] =	sst s9;
	s0 =	simm.s32 @!p0 $0x0  }
0x12: {  	s1 =	sld [smem:$0x3F97];
	s0 =	simm.s32 @p0 $0x1  }
0x13: {  	[smem:$0x3FB2] =	sst s0;
	s0 =	simm.s32 @!p1 $0x0  }
0x14: {  	s2 =	sld [smem:$0x3F96];
	s0 =	simm.s32 @p1 $0x1  }
0x15: {  	[smem:$0x3FB3] =	sst s0;
	s0 =	simm.s32 @!p2 $0x0  }
0x16: {  	s3 =	sld [smem:$0x3FDB];
	s0 =	simm.s32 @p2 $0x1  }
0x17: {  	s4 =	simm.s32 $0x1BF5;
	[smem:$0x3FB5] =	sst s0  }
0x18: {  	s0 =	sld [smem:$0x3F98];
	_ =	swait.ge [sflag:s4], $0x0  }
0x19: {  	s7 =	sld [smem:$0x3F99]  }
0x1a: {  	s8 =	sadd.s32 $0xFFFFE003, lr  }
0x1b: {  	s9 =	sadd.s32 $0xFFFFFEF7, lr;
	s5 =	simm.s32 $0xFFFFFFFF;
	p2 =	slt.u32 s8, $0xFFFFF086  }
0x1c: {  	p1 =	slt.u32 s9, $0xF7A;
	s5 =	simm.s32 @!p2 $0x0  }
0x1d: {  	s5 =	simm.s32 @p1 $0x1;
	p0 =	seq.s32 s7, s2  }
0x1e: {  	s7 =	smul.u32 @!p0 $0xF7A, s2;
	p2 =	seq.s32 @!p0 s5, $0x0  }
0x1f: {  	s9 =	smul.u32 $0xF7A, s1;
	s8 =	simm.s32 @!p0 $0x1BF5;
	p2 =	por !p2, p0  }
0x20: {  	[sflag:s8] =	ssyncset.s32 @!p0 $0xFFFFF086;
	s6 =	sadd.s32 @!p0 s3, s7;
	s7 =	simm.s32 @!p0 $0x108  }
0x21: {  	s3 =	sadd.s32 s3, s9;
	s6 =	sadd.s32 @!p0 $0x88, s6;
	s7 =	simm.s32 @p2 $0x1082  }
0x22: {  	[simem:s7], [sflag:s8] =	dma.local @!p0 [hbm:s6], $0xF7A  }
0x23: {  	s9 =	sor.u32 $0xD0000000, s2;
	s6 =	simm.s32 $0x108;
	_ =	swait.ge @!p0 [sflag:s8], $0x0  }
0x24: {  	s3 =	sadd.s32 $0x88, s3;
	s6 =	simm.s32 @!p1 $0x1082;
	[sflag:s4] =	ssyncset.s32 $0xFFFFF086  }
0x25: {  	[simem:s6], [sflag:s4] =	dma.local [hbm:s3], $0xF7A  }
0x26: {  	[smem:$0x3F99] =	sst s1;
	(tag) =	ssettag s2;
	_ =	strace s9  }
0x27: {  	s1 =	sld [smem:$0x3FA9]  }
0x28: {  	s2 =	sld [smem:$0x3FAA]  }
0x29: {  	s4 =	sld [smem:$0x3FAC]  }
0x2a: {  	p0 =	seq.s32 s5, $0x0;
	s5 =	sld [smem:$0x3FAD]  }
0x2b: {  	s6 =	sld [smem:$0x3FAE]  }
0x2c: {  	s7 =	sld [smem:$0x3FAF]  }
0x2d: {  	s3 =	simm.s32 $0x108;
	s8 =	sld [smem:$0x3FB0]  }
0x2e: {  	s3 =	simm.s32 @!p0 $0x1082;
	s9 =	sld [smem:$0x3FB1]  }
0x2f: {  	lr =	sadd.s32 s0, s3;
	s0 =	sld [smem:$0x3FA8]  }
0x30: {  	s3 =	sld [smem:$0x3FAB]  }
0x31: {  	[smem:$0x3FB4] =	sst s10  }
0x32: {  	s10 =	sld [smem:$0x3FB2];
	_ =	sdelay $0x3  }
0x33: {  	p0 =	seq.s32 s10, $0x1;
	s10 =	sld [smem:$0x3FB4];
	_ =	sdelay $0x3  }
0x34: {  	[smem:$0x3FB4] =	sst s10  }
0x35: {  	s10 =	sld [smem:$0x3FB3];
	_ =	sdelay $0x3  }
0x36: {  	p1 =	seq.s32 s10, $0x1;
	s10 =	sld [smem:$0x3FB4];
	_ =	sdelay $0x3  }
0x37: {  	[smem:$0x3FB4] =	sst s10  }
0x38: {  	s10 =	sld [smem:$0x3FB5]  }
0x39: {  	_ = 	snop;
	(pc) =	sbr.ind lr, $3  }
0x3a: {  	_ = 	snop  }
0x3b: {  	_ = 	snop  }
0x3c: {  	p2 =	seq.s32 s10, $0x1;
	s10 =	sld [smem:$0x3FB4]  }
0x3d: {  	_ =	shalt  }
0x3e: {  	_ =	shalt  }
0x3f: {  	_ =	shalt  }
0x40: {  	_ =	shalt  }
0x41: {  	_ =	shalt  }
0x42: {  	_ =	shalt  }
0x43: {  	_ =	shalt  }
0x44: {  	_ =	shalt  }
0x45: {  	_ =	shalt  }
0x46: {  	_ =	shalt  }
0x47: {  	_ =	shalt  }
0x48: {  	_ =	shalt  }
0x49: {  	_ =	shalt  }
0x4a: {  	_ =	shalt  }
0x4b: {  	_ =	shalt  }
0x4c: {  	_ =	shalt  }
0x4d: {  	_ =	shalt  }
0x4e: {  	_ =	shalt  }
0x4f: {  	_ =	shalt  }
0x50: {  	_ =	shalt  }
0x51: {  	_ =	shalt  }
0x52: {  	_ =	shalt  }
0x53: {  	_ =	shalt  }
0x54: {  	_ =	shalt  }
0x55: {  	_ =	shalt  }
0x56: {  	_ =	shalt  }
0x57: {  	_ =	shalt  }
0x58: {  	_ =	shalt  }
0x59: {  	_ =	shalt  }
0x5a: {  	_ =	shalt  }
0x5b: {  	_ =	shalt  }
0x5c: {  	_ =	shalt  }
0x5d: {  	_ =	shalt  }
0x5e: {  	_ =	shalt  }
0x5f: {  	_ =	shalt  }
0x60: {  	_ =	shalt  }
0x61: {  	_ =	shalt  }
0x62: {  	_ =	shalt  }
0x63: {  	_ =	shalt  }
0x64: {  	_ =	shalt  }
0x65: {  	_ =	shalt  }
0x66: {  	_ =	shalt  }
0x67: {  	_ =	shalt  }
0x68: {  	_ =	shalt  }
0x69: {  	_ =	shalt  }
0x6a: {  	_ =	shalt  }
0x6b: {  	_ =	shalt  }
0x6c: {  	_ =	shalt  }
0x6d: {  	_ =	shalt  }
0x6e: {  	_ =	shalt  }
0x6f: {  	_ =	shalt  }
0x70: {  	_ =	shalt  }
0x71: {  	_ =	shalt  }
0x72: {  	_ =	shalt  }
0x73: {  	_ =	shalt  }
0x74: {  	_ =	shalt  }
0x75: {  	_ =	shalt  }
0x76: {  	_ =	shalt  }
0x77: {  	_ =	shalt  }
0x78: {  	_ =	shalt  }
0x79: {  	_ =	shalt  }
0x7a: {  	_ =	shalt  }
0x7b: {  	_ =	shalt  }
0x7c: {  	_ =	shalt  }
0x7d: {  	_ =	shalt  }
0x7e: {  	_ =	shalt  }
0x7f: {  	_ =	shalt  }
0x80: {  	_ =	shalt  }
0x81: {  	_ =	shalt  }
0x82: {  	_ =	shalt  }
0x83: {  	_ =	shalt  }
0x84: {  	_ =	shalt  }
0x85: {  	_ =	shalt  }
0x86: {  	_ =	shalt  }
0x87: {  	_ =	shalt  }
.Lfunc_end0:
.L_simem_size_0:
called_computation_lowered:
.L_overlay_start_0:
0x88: {  	s2 =	sld [smem:$0x3FD9]  }
0x89: {  	s3 =	sld [smem:$0x3FFE];
	_ =	sdelay $0x1  }
0x8a: {  	s1 =	srdreg.scid  }
0x8b: {  	s0 =	sand.u32 $0x1, s1  }
0x8c: {  	s16 =	sshll.u32 s0, $0xA;
	s2 =	sadd.s32 s3, s2  }
0x8d: {  	s2 =	sadd.s32 s2, s16  }
0x8e: {  	[smem:$0x3FC0] =	sst s2  }
0x8f: {  	_ = 	snop  }
0x90: {  	(tm) =	ssettm $0x1  }
0x91: {  	s17 =	sld [smem:$0x3FFB];
	_ =	sdelay $0x3  }
0x92: {  	_ =	strace s17  }
0x93: {  	s2 =	sld [smem:$0x3FFC];
	_ =	sdelay $0x3  }
0x94: {  	_ =	strace s2  }
0x95: {  	s2 =	sld [smem:$0x3FFD];
	_ =	sdelay $0x3  }
0x96: {  	_ =	strace s2  }
0x97: {  	_ =	strace $0x8FFFFFFF  }
0x98: {  	s18 =	sld [smem:$0x3FDB];
	_ =	sdelay $0x1  }
0x99: {  	s19 =	simm.s32 $_scs_section_size  }
0x9a: {  	s4 =	simm.s32 $_size__tile_overlayer_lowered;
	s5 =	simm.s32 $_tile_overlayer_lowered  }
0x9b: {  	s22 =	simm.s32 $0x1BFF;
	s21 =	sshll.u32 s5, $0x1;
	s2 =	sadd.s32 s19, s18  }
0x9c: {  	s6 =	simm.s32 $0x0;
	s20 =	sshll.u32 s4, $0x1;
	s4 =	sadd.s32 s21, s2  }
0x9d: {  	[timem:s6], [sflag:s22] =	dma.local [hbm:s4], s20  }
0x9e: {  	_ =	swait.ge [sflag:s22], s20  }
0x9f: {  	s3 =	ssub.s32 $0x0, s20;
	[sflag:s22] =	ssyncset.done $0x0  }
0xa0: {  	[sflag:s22] =	ssyncadd.s32 s3;
	_ =	sdelay $0x1  }
0xa1: {  	s23 =	simm.s32 $0x1B8B  }
0xa2: {  	_ =	swait.ge [sflag:s23], $0x1  }
0xa3: {  	[sflag:s23] =	ssyncset.done $0x0  }
0xa4: {  	s25 =	simm.s32 $0x1B8E;
	s24 =	sld [smem:$0x3FFE];
	[sflag:s23] =	ssyncadd.s32 $0xFFFFFFFF  }
0xa5: {  	s26 =	simm.s32 $execute0_lowered;
	[smem:$0x3FD2] =	sst s25  }
0xa6: {  	s4 =	sshll.u32 s26, $0x1;
	_ =	strace $0x80000046;
	[dreg:$0x1] =	wrdreg $0xFFFFFFFF  }
0xa7: {  	s28 =	simm.s32 $_size_execute0_lowered;
	s2 =	sadd.s32 s2, s4;
	[dreg:$0x0] =	wrdreg $0x0  }
0xa8: {  	s4 =	sshll.u32 s28, $0x1;
	[dreg:$0x2] =	wrdreg s2  }
0xa9: {  	[dreg:$0x3] =	wrdreg s4  }
0xaa: {  	[dreg:$0x4] =	wrdreg $0xC0  }
0xab: {  	_ =	task [dreg:s6], $0x5FFFF  }
0xac: {  	[dreg:$0x1] =	wrdreg $0xFFFFFFFF  }
0xad: {  	[dreg:$0x0] =	wrdreg $0x60  }
0xae: {  	[dreg:$0x2] =	wrdreg s24  }
0xaf: {  	[dreg:$0x3] =	wrdreg $0x9  }
0xb0: {  	_ =	task.clear_ibuf [dreg:s6], $0x4FFFF;
	_ =	strace $0x90000046  }
0xb1: {  	s29 =	simm.s32 $0x9;
	_ =	strace $0x80000048  }
0xb2: {  	_ =	swait.ge [sflag:s29], $0x1  }
0xb3: {  	[sflag:s29] =	ssyncadd.s32 $0xFFFFFFFF  }
0xb4: {  	_ =	strace $0x90000048  }
0xb5: {  	_ =	sfence  }
0xb6: {  	s30 =	sld [smem:$0x0];
	_ =	sdelay $0x2  }
0xb7: {  	s31 =	sshll.u32 s1, $0xD;
	s1 =	sshrl.u32 s1, $0x2  }
0xb8: {  	s3 =	sand.u32 $0x4000, s31;
	s1 =	sadd.s32 s1, s30  }
0xb9: {  	s0 =	sor.u32 s3, s0;
	s1 =	sshll.u32 s1, $0x11  }
0xba: {  	s0 =	sor.u32 s1, s0  }
0xbb: {  	s0 =	sadd.s32 $0x8F2B, s0  }
0xbc: {  	[sflag:s0] =	ssyncadd.remote.s32 $0x1  }
0xbd: {  	_ =	sfence.sel $0xFFFF  }
0xbe: {  	[dreg:$0x0] =	wrdreg $0xFFFFFFFF;
	(pc) =	sbr.abs _section_cstart, $3  }
0xbf: {  	[dreg:$0x1] =	wrdreg $0xFFFFFFFF  }
0xc0: {  	_ =	task.clear_ibuf [dreg:s6], $0x2FFFF;
	_ =	strace $0x9FFFFFFF  }
0xc1: {  	(tm) =	ssettm $0x7FFFFFFF  }
tec
execute0_lowered:
.L_overlay_start_1:
0x0: {  	(tag) =	ssettag $0x1  }
0x1: {  	s0 =	rddreg [dreg:$0x0];
	s2 =	simm.s32 $0x0  }
0x2: {  	s1 =	srdreg.scid;
	s9 =	stileid.u32;
	s12 =	simm.s32 $0x80  }
0x3: {  	s13 =	simm.s32 $0x2800;
	s14 =	simm.s32 $0x4800;
	s16 =	simm.s32 $0x6800  }
0x4: {  	s18 =	simm.s32 $0x8800;
	s19 =	simm.s32 $0xA800;
	s4 =	smul.u32 $0x14000, s9  }
0x5: {  	s28 =	simm.s32 $0x6;
	s29 =	simm.s32 $0x8;
	s8 =	smul.u32 $0x500, s9  }
0x6: {  	[smem:$0x7FF] =	sst s2;
	s1 =	sand.u32 $0x1, s1;
	s5 =	sadd.s32 $0x15200, s0  }
0x7: {  	s3 =	sadd.s32 $0x1800, s0;
	s0 =	sadd.s32 s4, s0;
	s20 =	sadd.s32 s5, s8  }
0x8: {  	_ =	strace $0x80000047;
	[dreg:$0x7] =	wrdreg s20;
	s21 =	sadd.s32 $0x32200, s0  }
0x9: {  	s6 =	ssub.s32 $0x2, s1;
	s22 =	sadd.s32 $0x32A00, s0;
	[dreg:$0x2] =	wrdreg s21  }
0xa: {  	p0 =	seq.s32 s1, $0x1;
	s25 =	sadd.s32 $0x172200, s0;
	[dreg:$0x3] =	wrdreg s22  }
0xb: {  	s7 =	sshrl.u32 s6, $0x1;
	s26 =	sadd.s32 $0x172A00, s0;
	[dreg:$0x4] =	wrdreg s25  }
0xc: {  	s7 =	ssub.s32 s6, s7;
	s31 =	sadd.s32 $0x20E00, s0;
	[dreg:$0x5] =	wrdreg s26  }
0xd: {  	s6 =	smul.u32 $0x50, s9;
	s0 =	sadd.s32 $0x160E00, s0;
	[dreg:$0xb] =	wrdreg s31  }
0xe: {  	s20 =	simm.s32 $0x1;
	s30 =	smax.u32 s7, $0x1;
	[dreg:$0xc] =	wrdreg s0  }
.Ltmp0:
0xf: {  	s21 =	simm.s32 $0xC800;
	s22 =	simm.s32 $0x2;
	(pc) =	sbr.rel .LBB2_1-.Ltmp0, $4  }
0x10: {  	s25 =	simm.s32 $0x10800;
	s23 =	sadd.s32 $0x500, s6;
	[dreg:$0xa] =	wrdreg s30  }
0x11: {  	s26 =	simm.s32 $0x4;
	[dreg:$0x6] =	wrdreg s6;
	s24 =	sshll.u32 s23, $0x4  }
0x12: {  	[dreg:$0x8] =	wrdreg s23;
	s23 =	simm.s32 $0xE800;
	s1 =	sadd.s32 s5, s24  }
0x13: {  	s24 =	simm.s32 $0x3;
	[dreg:$0x9] =	wrdreg s1;
	s1 =	simm.s32 $0x0  }
.LBB2_11:
0x14: {  	[sflag:s29] =	ssyncset.done $0x0  }
0x15: {  	s0 =	simm.s32 @!p2 $0xD;
	[sflag:s29] =	ssyncadd.s32 $0xFFFFE000  }
0x16: {  	[hbm4b:s9+s2] =	stream.linear.scatter [tilespmem:s25], [sflag:$0x10], $0x2000, $0x38;
	[tilespmem:$0x12800] =	vst v63  }
0x17: {  	_ =	swait.ge @!p2 [sflag:s0], $0x2000  }
0x18: {  	s1 =	sshra.s32 s5, $0x2;
	[sflag:s0] =	ssyncset.done @!p2 $0x0  }
0x19: {  	s4 =	sadd.s32 $0x200, s1;
	[sflag:s0] =	ssyncadd.s32 @!p2 $0xFFFFE000  }
0x1a: {  	[tilespmem:s19], [sflag:$0x5] =	stream.indirect.gather [hbm4b:s3+s12], $0x40, s4, s12, $0xb8;
	[tilespmem:$0x12800] =	vst v63  }
0x1b: {  	_ =	swait.ge [sflag:s20], $0x2000  }
0x1c: {  	[sflag:s20] =	ssyncset.done $0x0  }
0x1d: {  	s7 =	sadd.s32 $0xFFFFE400, s17;
	s4 =	simm.s32 @!p2 $0xE;
	[sflag:s20] =	ssyncadd.s32 $0xFFFFE000  }
0x1e: {  	[hbm4b:s7+s2] =	stream.linear.scatter [tilespmem:s13], [sflag:$0x9], $0x2000, $0x38;
	[tilespmem:$0x12800] =	vst v63  }
0x1f: {  	_ =	swait.ge @!p2 [sflag:s4], $0x2000  }
0x20: {  	[sflag:s4] =	ssyncset.done @!p2 $0x0  }
0x21: {  	s8 =	sadd.s32 $0x280, s1;
	[sflag:s4] =	ssyncadd.s32 @!p2 $0xFFFFE000  }
0x22: {  	[tilespmem:s21], [sflag:$0x6] =	stream.indirect.gather [hbm4b:s3+s12], $0x40, s8, s12, $0xb8;
	[tilespmem:$0x12800] =	vst v63  }
0x23: {  	_ =	swait.ge [sflag:s22], $0x2000  }
0x24: {  	[sflag:s22] =	ssyncset.done $0x0  }
0x25: {  	s9 =	sadd.s32 $0xFFFFE800, s17;
	s4 =	simm.s32 @!p2 $0xF;
	[sflag:s22] =	ssyncadd.s32 $0xFFFFE000  }
0x26: {  	[hbm4b:s9+s2] =	stream.linear.scatter [tilespmem:s14], [sflag:$0xA], $0x2000, $0x38;
	[tilespmem:$0x12800] =	vst v63  }
0x27: {  	_ =	swait.ge @!p2 [sflag:s4], $0x2000  }
0x28: {  	[sflag:s4] =	ssyncset.done @!p2 $0x0  }
0x29: {  	s10 =	sadd.s32 $0x300, s1;
	[sflag:s4] =	ssyncadd.s32 @!p2 $0xFFFFE000  }
0x2a: {  	[tilespmem:s23], [sflag:$0x7] =	stream.indirect.gather [hbm4b:s3+s12], $0x40, s10, s12, $0xb8;
	[tilespmem:$0x12800] =	vst v63  }
0x2b: {  	_ =	swait.ge [sflag:s24], $0x2000  }
0x2c: {  	[sflag:s24] =	ssyncset.done $0x0  }
0x2d: {  	s11 =	sadd.s32 $0xFFFFEC00, s17;
	s4 =	simm.s32 @!p2 $0x10;
	[sflag:s24] =	ssyncadd.s32 $0xFFFFE000  }
0x2e: {  	[hbm4b:s11+s2] =	stream.linear.scatter [tilespmem:s16], [sflag:$0xB], $0x2000, $0x38;
	[tilespmem:$0x12800] =	vst v63  }
0x2f: {  	_ =	swait.ge @!p2 [sflag:s4], $0x2000  }
0x30: {  	[sflag:s4] =	ssyncset.done @!p2 $0x0  }
0x31: {  	s15 =	sadd.s32 $0x380, s1;
	[sflag:s4] =	ssyncadd.s32 @!p2 $0xFFFFE000  }
0x32: {  	[tilespmem:s25], [sflag:$0x8] =	stream.indirect.gather [hbm4b:s3+s12], $0x40, s15, s12, $0xb8;
	[tilespmem:$0x12800] =	vst v63  }
0x33: {  	_ =	swait.ge [sflag:s26], $0x2000  }
0x34: {  	p1 =	seq.s32 s5, $0x9000;
	[sflag:s26] =	ssyncset.done $0x0  }
0x35: {  	s30 =	sadd.s32 $0xFFFFF000, s17;
	s1 =	simm.s32 @p1 $0x5;
	[sflag:s26] =	ssyncadd.s32 $0xFFFFE000  }
0x36: {  	[hbm4b:s30+s2] =	stream.linear.scatter [tilespmem:s18], [sflag:$0xC], $0x2000, $0x38;
	[tilespmem:$0x12800] =	vst v63  }
0x37: {  	_ =	swait.ge @p1 [sflag:s1], $0x2000  }
0x38: {  	s6 =	simm.s32 @!p1 $0x9;
	s4 =	simm.s32 @p1 $0xA800;
	[sflag:s1] =	ssyncset.done @p1 $0x0  }
0x39: {  	s0 =	rddreg [dreg:$0x4];
	[sflag:s1] =	ssyncadd.s32 @p1 $0xFFFFE000;
	s1 =	simm.s32 @p1 $0x0  }
0x3a: {  	[hbm4b:s0+s1] =	stream.linear.scatter @p1 [tilespmem:s4], [sflag:$0xD], $0x2000, $0x38;
	[tilespmem:$0x12800] =	vst v63  }
0x3b: {  	s7 =	simm.s32 @!p1 $0x2800;
	_ =	swait.ge @!p1 [sflag:s6], $0x2000  }
0x3c: {  	s0 =	sshra.s32 @!p1 s5, $0x2;
	s5 =	simm.s32 @!p1 $0x80;
	[sflag:s6] =	ssyncset.done @!p1 $0x0  }
0x3d: {  	s4 =	sadd.s32 @!p1 $0x400, s0;
	[sflag:s6] =	ssyncadd.s32 @!p1 $0xFFFFE000;
	s6 =	simm.s32 @!p1 $0x5  }
0x3e: {  	[tilespmem:s7], [sflag:$0x1] =	stream.indirect.gather @!p1 [hbm4b:s3+s5], $0x40, s4, s5, $0xb8;
	[tilespmem:$0x12800] =	vst v63  }
0x3f: {  	_ =	swait.ge @!p1 [sflag:s6], $0x2000  }
0x40: {  	s4 =	simm.s32 @!p1 $0xA800;
	[sflag:s6] =	ssyncset.done @!p1 $0x0  }
0x41: {  	s7 =	sadd.s32 @!p1 $0xFFFFF400, s17;
	[sflag:s6] =	ssyncadd.s32 @!p1 $0xFFFFE000;
	s6 =	simm.s32 @!p1 $0x0  }
0x42: {  	[hbm4b:s7+s6] =	stream.linear.scatter @!p1 [tilespmem:s4], [sflag:$0xD], $0x2000, $0x38;
	[tilespmem:$0x12800] =	vst v63  }
0x43: {  	s4 =	simm.s32 @!p1 $0xA  }
0x44: {  	_ =	swait.ge @!p1 [sflag:s4], $0x2000  }
0x45: {  	[sflag:s4] =	ssyncset.done @!p1 $0x0  }
0x46: {  	s7 =	sadd.s32 @!p1 $0x480, s0;
	[sflag:s4] =	ssyncadd.s32 @!p1 $0xFFFFE000;
	s4 =	simm.s32 @!p1 $0x4800  }
0x47: {  	[tilespmem:s4], [sflag:$0x2] =	stream.indirect.gather @!p1 [hbm4b:s3+s5], $0x40, s7, s5, $0xb8;
	[tilespmem:$0x12800] =	vst v63  }
0x48: {  	_ =	swait.ge [sflag:s28], $0x2000  }
0x49: {  	[sflag:s28] =	ssyncset.done $0x0  }
0x4a: {  	s31 =	sadd.s32 $0xFFFFF800, s17;
	s7 =	simm.s32 @p1 $0x7;
	[sflag:s28] =	ssyncadd.s32 $0xFFFFE000  }
0x4b: {  	[hbm4b:s31+s2] =	stream.linear.scatter [tilespmem:s21], [sflag:$0xE], $0x2000, $0x38;
	[tilespmem:$0x12800] =	vst v63  }
0x4c: {  	_ =	swait.ge @p1 [sflag:s7], $0x2000  }
0x4d: {  	[sflag:s7] =	ssyncset.done @p1 $0x0  }
0x4e: {  	s4 =	rddreg [dreg:$0x5];
	[sflag:s7] =	ssyncadd.s32 @p1 $0xFFFFE000;
	s7 =	simm.s32 @p1 $0xE800  }
0x4f: {  	[hbm4b:s4+s1] =	stream.linear.scatter @p1 [tilespmem:s7], [sflag:$0xF], $0x2000, $0x38;
	[tilespmem:$0x12800] =	vst v63  }
0x50: {  	s1 =	simm.s32 @!p1 $0xB  }
0x51: {  	_ =	swait.ge @!p1 [sflag:s1], $0x2000  }
0x52: {  	[sflag:s1] =	ssyncset.done @!p1 $0x0  }
0x53: {  	s4 =	sadd.s32 @!p1 $0x500, s0;
	[sflag:s1] =	ssyncadd.s32 @!p1 $0xFFFFE000;
	s1 =	simm.s32 @!p1 $0x6800  }
0x54: {  	[tilespmem:s1], [sflag:$0x3] =	stream.indirect.gather @!p1 [hbm4b:s3+s5], $0x40, s4, s5, $0xb8;
	[tilespmem:$0x12800] =	vst v63  }
0x55: {  	s1 =	simm.s32 @!p1 $0x7  }
0x56: {  	_ =	swait.ge @!p1 [sflag:s1], $0x2000  }
0x57: {  	[sflag:s1] =	ssyncset.done @!p1 $0x0  }
0x58: {  	s4 =	sadd.s32 @!p1 $0xFFFFFC00, s17;
	[sflag:s1] =	ssyncadd.s32 @!p1 $0xFFFFE000;
	s1 =	simm.s32 @!p1 $0xE800  }
0x59: {  	[hbm4b:s4+s6] =	stream.linear.scatter @!p1 [tilespmem:s1], [sflag:$0xF], $0x2000, $0x38;
	[tilespmem:$0x12800] =	vst v63  }
0x5a: {  	s1 =	simm.s32 @!p1 $0xC  }
0x5b: {  	_ =	swait.ge @!p1 [sflag:s1], $0x2000  }
0x5c: {  	[sflag:s1] =	ssyncset.done @!p1 $0x0  }
0x5d: {  	s0 =	sadd.s32 @!p1 $0x580, s0;
	[sflag:s1] =	ssyncadd.s32 @!p1 $0xFFFFE000;
	s1 =	simm.s32 @!p1 $0x8800  }
0x5e: {  	[tilespmem:s1], [sflag:$0x4] =	stream.indirect.gather @!p1 [hbm4b:s3+s5], $0x40, s0, s5, $0xb8;
	[tilespmem:$0x12800] =	vst v63  }
0x5f: {  	_ =	swait.ge [sflag:s29], $0x2000  }
0x60: {  	[sflag:s29] =	ssyncset.done $0x0;
	s6 =	rddreg [dreg:$0x6]  }
0x61: {  	s4 =	rddreg [dreg:$0xd];
	[sflag:s29] =	ssyncadd.s32 $0xFFFFE000  }
0x62: {  	[hbm4b:s17+s2] =	stream.linear.scatter [tilespmem:s25], [sflag:$0x10], $0x2000, $0x38;
	[tilespmem:$0x12800] =	vst v63  }
.LBB2_12:
0x63: {  	s0 =	simm.s32 $0xD  }
0x64: {  	_ =	swait.ge [sflag:s0], $0x2000  }
0x65: {  	[sflag:s0] =	ssyncset.done $0x0  }
0x66: {  	s17 =	simm.s32 $0xE;
	[sflag:s0] =	ssyncadd.s32 $0xFFFFE000  }
0x67: {  	_ =	swait.ge [sflag:s17], $0x2000  }
0x68: {  	[sflag:s17] =	ssyncset.done $0x0  }
0x69: {  	s30 =	simm.s32 $0xF;
	[sflag:s17] =	ssyncadd.s32 $0xFFFFE000  }
0x6a: {  	_ =	swait.ge [sflag:s30], $0x2000  }
0x6b: {  	[sflag:s30] =	ssyncset.done $0x0  }
0x6c: {  	s1 =	simm.s32 $0x10;
	[sflag:s30] =	ssyncadd.s32 $0xFFFFE000  }
0x6d: {  	_ =	swait.ge [sflag:s1], $0x2000  }
0x6e: {  	s4 =	sadd.s32 $0x1, s4;
	s31 =	rddreg [dreg:$0xa]  }
0x6f: {  	p1 =	sne.s32 s4, s31  }
.Ltmp1:
0x70: {  	_ = 	snop;
	(pc) =	sbr.rel @!p1 .LBB2_13-.Ltmp1, $3  }
0x71: {  	_ =	sdelay $0x1  }
0x72: {  	[sflag:s1] =	ssyncset.done $0x0  }
0x73: {  	[sflag:s1] =	ssyncadd.s32 $0xFFFFE000;
	s1 =	smov.u32 s4  }
.LBB2_1:
.Ltmp2:
0x74: {  	(pc) =	sbr.rel @!p0 .LBB2_2-.Ltmp2, $2  }
0x75: {  	_ =	sdelay $0x2  }
0x76: {  	[dreg:$0xd] =	wrdreg s1  }
0x77: {  	s0 =	simm.s32 $0x0;
	s1 =	rddreg [dreg:$0x9];
	s17 =	simm.s32 $0x11  }
0x78: {  	[tilespmem:s0], [sflag:$0x11] =	stream.linear.gather [hbm4b:s1+s0], $0x2800, $0x38;
	[tilespmem:$0x12800] =	vst v63  }
0x79: {  	_ =	swait.ge [sflag:s17], $0x2800  }
0x7a: {  	s4 =	rddreg [dreg:$0x8]  }
0x7b: {  	[sflag:s17] =	ssyncset.done $0x0;
	s30 =	sadd.s32 $0x0, s4  }
0x7c: {  	s7 =	simm.s32 $0x40;
	[sflag:s17] =	ssyncadd.s32 $0xFFFFD800;
	s0 =	smulhi.u32 $0x10624DD3, s30  }
0x7d: {  	v0 =	vld [tilespmem:s7+$0xFFFFFFC0]  }
0x7e: {  	v1 =	vld [tilespmem:s7+$0xFFFFFFD0];
	s0 =	sshrl.u32 s0, $0x4  }
0x7f: {  	v2 =	vld [tilespmem:s7+$0xFFFFFFE0];
	s0 =	smin.u32 s0, $0x9  }
0x80: {  	v4 =	vld [tilespmem:s7+$0x0];
	s0 =	smul.u32 $0x3E8, s0  }
0x81: {  	v5 =	vld [tilespmem:s7+$0x10]  }
0x82: {  	v6 =	vld [tilespmem:s7+$0x20];
	v0 =	vadd.s32 s0, v0  }
0x83: {  	s31 =	sadd.s32 $0x1, s4;
	v8 =	vld [tilespmem:s7+$0x30];
	[tilespmem:s7+$0xFFFFFFC0] =	vst v0;
	v0 =	vadd.s32 s0, v1  }
0x84: {  	s5 =	simm.s32 $0xC0;
	v7 =	vld [tilespmem:s7+$0xFFFFFFF0];
	s1 =	smulhi.u32 $0x10624DD3, s31;
	[tilespmem:s7+$0xFFFFFFD0] =	vst v0;
	v0 =	vadd.s32 s0, v2  }
0x85: {  	v1 =	vadd.s32 s0, v4;
	v3 =	vld [tilespmem:s5+$0xFFFFFFC0];
	[tilespmem:s7+$0xFFFFFFE0] =	vst v0  }
0x86: {  	s1 =	sshrl.u32 s1, $0x4;
	v2 =	vadd.s32 s0, v5;
	v0 =	vld [tilespmem:s5+$0xFFFFFFD0];
	[tilespmem:s7+$0x0] =	vst v1  }
0x87: {  	s1 =	smin.u32 s1, $0x9;
	v4 =	vadd.s32 s0, v6;
	v1 =	vld [tilespmem:s5+$0xFFFFFFE0];
	[tilespmem:s7+$0x10] =	vst v2  }
0x88: {  	s11 =	smul.u32 $0x3E8, s1;
	v6 =	vadd.s32 s0, v8;
	v2 =	vld [tilespmem:s5+$0x0];
	[tilespmem:s7+$0x20] =	vst v4  }
0x89: {  	s9 =	simm.s32 $0x2;
	v5 =	vadd.s32 s0, v7;
	v4 =	vld [tilespmem:s5+$0x10];
	[tilespmem:s7+$0x30] =	vst v6  }
.LBB2_8:
0x8a: {  	p1 =	sne.s32 s9, $0x4F;
	v3 =	vadd.s32 s11, v3;
	v6 =	vld [tilespmem:s5+$0x20];
	[tilespmem:s7+$0xFFFFFFF0] =	vst v5;
	s7 =	smov.u32 s5;
	s0 =	smov.u32 s11  }
0x8b: {  	s1 =	sadd.s32 s9, s4;
	[tilespmem:s5+$0xFFFFFFC0] =	vst v3;
	v0 =	vadd.s32 s0, v0;
	v5 =	vld [tilespmem:s5+$0x30]  }
0x8c: {  	s1 =	smulhi.u32 $0x10624DD3, s1;
	s5 =	sadd.s32 $0x80, s5;
	[tilespmem:s7+$0xFFFFFFD0] =	vst v0;
	v0 =	vadd.s32 s0, v1;
	v7 =	vld [tilespmem:s7+$0xFFFFFFF0]  }
.Ltmp3:
0x8d: {  	v3 =	vld [tilespmem:s5+$0xFFFFFFC0];
	[tilespmem:s7+$0xFFFFFFE0] =	vst v0;
	v1 =	vadd.s32 s0, v2;
	(pc) =	sbr.rel @p1 .LBB2_8-.Ltmp3, $4  }
0x8e: {  	s1 =	sshrl.u32 s1, $0x4;
	v0 =	vld [tilespmem:s5+$0xFFFFFFD0];
	[tilespmem:s7+$0x0] =	vst v1;
	v2 =	vadd.s32 s0, v4  }
0x8f: {  	s1 =	smin.u32 s1, $0x9;
	v1 =	vld [tilespmem:s5+$0xFFFFFFE0];
	[tilespmem:s7+$0x10] =	vst v2;
	v4 =	vadd.s32 s0, v6  }
0x90: {  	s11 =	smul.u32 $0x3E8, s1;
	v2 =	vld [tilespmem:s5+$0x0];
	[tilespmem:s7+$0x20] =	vst v4;
	v6 =	vadd.s32 s0, v5  }
0x91: {  	s9 =	sadd.s32 $0x1, s9;
	v4 =	vld [tilespmem:s5+$0x10];
	v5 =	vadd.s32 s0, v7;
	[tilespmem:s7+$0x30] =	vst v6  }
0x92: {  	v6 =	vld [tilespmem:s5+$0x20];
	v3 =	vadd.s32 s11, v3;
	[tilespmem:s7+$0xFFFFFFF0] =	vst v5  }
0x93: {  	v57 =	vld [tilespmem:s5+$0x30];
	[tilespmem:s5+$0xFFFFFFC0] =	vst v3;
	v0 =	vadd.s32 s11, v0  }
0x94: {  	v59 =	vld [tilespmem:s5+$0xFFFFFFF0];
	[tilespmem:s5+$0xFFFFFFD0] =	vst v0;
	v58 =	vadd.s32 s11, v1  }
0x95: {  	[tilespmem:s5+$0xFFFFFFE0] =	vst v58;
	v60 =	vadd.s32 s11, v2  }
0x96: {  	[tilespmem:s5+$0x0] =	vst v60;
	v61 =	vadd.s32 s11, v4  }
0x97: {  	[tilespmem:s5+$0x10] =	vst v61;
	v62 =	vadd.s32 s11, v6  }
0x98: {  	v63 =	vadd.s32 s11, v57;
	[tilespmem:s5+$0x20] =	vst v62  }
0x99: {  	v1 =	vadd.s32 s11, v59;
	[tilespmem:s5+$0x30] =	vst v63  }
0x9a: {  	s0 =	simm.s32 $0x0;
	[tilespmem:s5+$0xFFFFFFF0] =	vst v1  }
0x9b: {  	[tilespmem:s13], [sflag:$0x1] =	stream.indirect.gather [hbm4b:s3+s12], $0x40, s0, s12, $0xb8;
	[tilespmem:$0x12800] =	vst v63  }
0x9c: {  	_ = 	snop  }
0x9d: {  	[tilespmem:s14], [sflag:$0x2] =	stream.indirect.gather [hbm4b:s3+s12], $0x40, s12, s12, $0xb8;
	[tilespmem:$0x12800] =	vst v63  }
0x9e: {  	p1 =	por $0x1, $0x1;
	s5 =	simm.s32 $0x100  }
0x9f: {  	[tilespmem:s16], [sflag:$0x3] =	stream.indirect.gather [hbm4b:s3+s12], $0x40, s5, s12, $0xb8;
	[tilespmem:$0x12800] =	vst v63  }
0xa0: {  	s6 =	simm.s32 $0x180;
	s0 =	simm.s32 @!p1 $0xD  }
0xa1: {  	[tilespmem:s18], [sflag:$0x4] =	stream.indirect.gather [hbm4b:s3+s12], $0x40, s6, s12, $0xb8;
	[tilespmem:$0x12800] =	vst v63  }
0xa2: {  	_ =	swait.ge @!p1 [sflag:s0], $0x2000  }
0xa3: {  	[sflag:s0] =	ssyncset.done @!p1 $0x0  }
0xa4: {  	s1 =	simm.s32 $0x200;
	[sflag:s0] =	ssyncadd.s32 @!p1 $0xFFFFE000  }
0xa5: {  	[tilespmem:s19], [sflag:$0x5] =	stream.indirect.gather [hbm4b:s3+s12], $0x40, s1, s12, $0xb8;
	[tilespmem:$0x12800] =	vst v63  }
0xa6: {  	_ =	swait.ge [sflag:s20], $0x2000  }
0xa7: {  	[sflag:s20] =	ssyncset.done $0x0;
	s9 =	rddreg [dreg:$0xc]  }
0xa8: {  	s1 =	simm.s32 @!p1 $0xE;
	s7 =	sadd.s32 $0xFFFFE400, s9;
	[sflag:s20] =	ssyncadd.s32 $0xFFFFE000  }
0xa9: {  	[hbm4b:s7+s2] =	stream.linear.scatter [tilespmem:s13], [sflag:$0x9], $0x2000, $0x38;
	[tilespmem:$0x12800] =	vst v63  }
0xaa: {  	_ =	swait.ge @!p1 [sflag:s1], $0x2000  }
0xab: {  	[sflag:s1] =	ssyncset.done @!p1 $0x0  }
0xac: {  	s8 =	simm.s32 $0x280;
	[sflag:s1] =	ssyncadd.s32 @!p1 $0xFFFFE000  }
0xad: {  	[tilespmem:s21], [sflag:$0x6] =	stream.indirect.gather [hbm4b:s3+s12], $0x40, s8, s12, $0xb8;
	[tilespmem:$0x12800] =	vst v63  }
0xae: {  	_ =	swait.ge [sflag:s22], $0x2000  }
0xaf: {  	[sflag:s22] =	ssyncset.done $0x0  }
0xb0: {  	s10 =	sadd.s32 $0xFFFFE800, s9;
	s1 =	simm.s32 @!p1 $0xF;
	[sflag:s22] =	ssyncadd.s32 $0xFFFFE000  }
0xb1: {  	[hbm4b:s10+s2] =	stream.linear.scatter [tilespmem:s14], [sflag:$0xA], $0x2000, $0x38;
	[tilespmem:$0x12800] =	vst v63  }
0xb2: {  	_ =	swait.ge @!p1 [sflag:s1], $0x2000  }
0xb3: {  	[sflag:s1] =	ssyncset.done @!p1 $0x0  }
0xb4: {  	s11 =	simm.s32 $0x300;
	[sflag:s1] =	ssyncadd.s32 @!p1 $0xFFFFE000  }
0xb5: {  	[tilespmem:s23], [sflag:$0x7] =	stream.indirect.gather [hbm4b:s3+s12], $0x40, s11, s12, $0xb8;
	[tilespmem:$0x12800] =	vst v63  }
0xb6: {  	_ =	swait.ge [sflag:s24], $0x2000  }
0xb7: {  	[sflag:s24] =	ssyncset.done $0x0  }
0xb8: {  	s15 =	sadd.s32 $0xFFFFEC00, s9;
	s1 =	simm.s32 @!p1 $0x10;
	[sflag:s24] =	ssyncadd.s32 $0xFFFFE000  }
0xb9: {  	[hbm4b:s15+s2] =	stream.linear.scatter [tilespmem:s16], [sflag:$0xB], $0x2000, $0x38;
	[tilespmem:$0x12800] =	vst v63  }
0xba: {  	_ =	swait.ge @!p1 [sflag:s1], $0x2000  }
0xbb: {  	[sflag:s1] =	ssyncset.done @!p1 $0x0  }
0xbc: {  	s17 =	simm.s32 $0x380;
	[sflag:s1] =	ssyncadd.s32 @!p1 $0xFFFFE000  }
0xbd: {  	[tilespmem:s25], [sflag:$0x8] =	stream.indirect.gather [hbm4b:s3+s12], $0x40, s17, s12, $0xb8;
	[tilespmem:$0x12800] =	vst v63  }
0xbe: {  	_ =	swait.ge [sflag:s26], $0x2000  }
0xbf: {  	p1 =	por $0x0, $0x0;
	[sflag:s26] =	ssyncset.done $0x0  }
0xc0: {  	s30 =	sadd.s32 $0xFFFFF000, s9;
	s1 =	simm.s32 @p1 $0x5;
	[sflag:s26] =	ssyncadd.s32 $0xFFFFE000  }
0xc1: {  	[hbm4b:s30+s2] =	stream.linear.scatter [tilespmem:s18], [sflag:$0xC], $0x2000, $0x38;
	[tilespmem:$0x12800] =	vst v63  }
0xc2: {  	_ =	swait.ge @p1 [sflag:s1], $0x2000  }
0xc3: {  	s4 =	simm.s32 @p1 $0xA800;
	s5 =	simm.s32 @!p1 $0x9;
	[sflag:s1] =	ssyncset.done @p1 $0x0  }
0xc4: {  	s0 =	rddreg [dreg:$0x4];
	[sflag:s1] =	ssyncadd.s32 @p1 $0xFFFFE000;
	s1 =	simm.s32 @p1 $0x0  }
0xc5: {  	[hbm4b:s0+s1] =	stream.linear.scatter @p1 [tilespmem:s4], [sflag:$0xD], $0x2000, $0x38;
	[tilespmem:$0x12800] =	vst v63  }
0xc6: {  	_ =	swait.ge @!p1 [sflag:s5], $0x2000  }
0xc7: {  	s7 =	simm.s32 @!p1 $0x2800;
	s0 =	simm.s32 @!p1 $0x400;
	[sflag:s5] =	ssyncset.done @!p1 $0x0  }
0xc8: {  	s4 =	simm.s32 @!p1 $0x80;
	[sflag:s5] =	ssyncadd.s32 @!p1 $0xFFFFE000;
	s5 =	simm.s32 @!p1 $0x5  }
0xc9: {  	[tilespmem:s7], [sflag:$0x1] =	stream.indirect.gather @!p1 [hbm4b:s3+s4], $0x40, s0, s4, $0xb8;
	[tilespmem:$0x12800] =	vst v63  }
0xca: {  	_ =	swait.ge @!p1 [sflag:s5], $0x2000  }
0xcb: {  	s0 =	simm.s32 @!p1 $0xA800;
	[sflag:s5] =	ssyncset.done @!p1 $0x0  }
0xcc: {  	s7 =	sadd.s32 @!p1 $0xFFFFF400, s9;
	[sflag:s5] =	ssyncadd.s32 @!p1 $0xFFFFE000;
	s5 =	simm.s32 @!p1 $0x0  }
0xcd: {  	[hbm4b:s7+s5] =	stream.linear.scatter @!p1 [tilespmem:s0], [sflag:$0xD], $0x2000, $0x38;
	[tilespmem:$0x12800] =	vst v63  }
0xce: {  	s0 =	simm.s32 @!p1 $0xA  }
0xcf: {  	_ =	swait.ge @!p1 [sflag:s0], $0x2000  }
0xd0: {  	[sflag:s0] =	ssyncset.done @!p1 $0x0  }
0xd1: {  	s7 =	simm.s32 @!p1 $0x480;
	[sflag:s0] =	ssyncadd.s32 @!p1 $0xFFFFE000;
	s0 =	simm.s32 @!p1 $0x4800  }
0xd2: {  	[tilespmem:s0], [sflag:$0x2] =	stream.indirect.gather @!p1 [hbm4b:s3+s4], $0x40, s7, s4, $0xb8;
	[tilespmem:$0x12800] =	vst v63  }
0xd3: {  	_ =	swait.ge [sflag:s28], $0x2000  }
0xd4: {  	[sflag:s28] =	ssyncset.done $0x0  }
0xd5: {  	s31 =	sadd.s32 $0xFFFFF800, s9;
	s7 =	simm.s32 @p1 $0x7;
	[sflag:s28] =	ssyncadd.s32 $0xFFFFE000  }
0xd6: {  	[hbm4b:s31+s2] =	stream.linear.scatter [tilespmem:s21], [sflag:$0xE], $0x2000, $0x38;
	[tilespmem:$0x12800] =	vst v63  }
0xd7: {  	_ =	swait.ge @p1 [sflag:s7], $0x2000  }
0xd8: {  	[sflag:s7] =	ssyncset.done @p1 $0x0  }
0xd9: {  	s0 =	rddreg [dreg:$0x5];
	[sflag:s7] =	ssyncadd.s32 @p1 $0xFFFFE000;
	s7 =	simm.s32 @p1 $0xE800  }
0xda: {  	[hbm4b:s0+s1] =	stream.linear.scatter @p1 [tilespmem:s7], [sflag:$0xF], $0x2000, $0x38;
	[tilespmem:$0x12800] =	vst v63  }
0xdb: {  	s0 =	simm.s32 @!p1 $0xB  }
0xdc: {  	_ =	swait.ge @!p1 [sflag:s0], $0x2000  }
0xdd: {  	[sflag:s0] =	ssyncset.done @!p1 $0x0  }
0xde: {  	s1 =	simm.s32 @!p1 $0x500;
	[sflag:s0] =	ssyncadd.s32 @!p1 $0xFFFFE000;
	s0 =	simm.s32 @!p1 $0x6800  }
0xdf: {  	[tilespmem:s0], [sflag:$0x3] =	stream.indirect.gather @!p1 [hbm4b:s3+s4], $0x40, s1, s4, $0xb8;
	[tilespmem:$0x12800] =	vst v63  }
0xe0: {  	s0 =	simm.s32 @!p1 $0x7  }
0xe1: {  	_ =	swait.ge @!p1 [sflag:s0], $0x2000  }
0xe2: {  	[sflag:s0] =	ssyncset.done @!p1 $0x0  }
0xe3: {  	s1 =	sadd.s32 @!p1 $0xFFFFFC00, s9;
	[sflag:s0] =	ssyncadd.s32 @!p1 $0xFFFFE000;
	s0 =	simm.s32 @!p1 $0xE800  }
0xe4: {  	[hbm4b:s1+s5] =	stream.linear.scatter @!p1 [tilespmem:s0], [sflag:$0xF], $0x2000, $0x38;
	[tilespmem:$0x12800] =	vst v63  }
0xe5: {  	s0 =	simm.s32 @!p1 $0xC  }
0xe6: {  	_ =	swait.ge @!p1 [sflag:s0], $0x2000  }
0xe7: {  	p2 =	por $0x0, $0x0;
	s17 =	sadd.s32 $0x2000, s9;
	[sflag:s0] =	ssyncset.done @!p1 $0x0  }
0xe8: {  	s1 =	simm.s32 @!p1 $0x580;
	s5 =	simm.s32 @!p1 $0x8800;
	[sflag:s0] =	ssyncadd.s32 @!p1 $0xFFFFE000  }
0xe9: {  	[tilespmem:s5], [sflag:$0x4] =	stream.indirect.gather @!p1 [hbm4b:s3+s4], $0x40, s1, s4, $0xb8;
	[tilespmem:$0x12800] =	vst v63  }
0xea: {  	s7 =	simm.s32 $0x2000;
	s5 =	simm.s32 $0x1000;
	_ =	swait.ge [sflag:s29], $0x2000  }
.LBB2_10:
0xeb: {  	[sflag:s29] =	ssyncset.done $0x0  }
0xec: {  	s0 =	simm.s32 @!p2 $0xD;
	[sflag:s29] =	ssyncadd.s32 $0xFFFFE000  }
0xed: {  	[hbm4b:s9+s2] =	stream.linear.scatter [tilespmem:s25], [sflag:$0x10], $0x2000, $0x38;
	[tilespmem:$0x12800] =	vst v63  }
0xee: {  	_ =	swait.ge @!p2 [sflag:s0], $0x2000  }
0xef: {  	s1 =	sshra.s32 s5, $0x2;
	[sflag:s0] =	ssyncset.done @!p2 $0x0  }
0xf0: {  	s4 =	sadd.s32 $0x200, s1;
	[sflag:s0] =	ssyncadd.s32 @!p2 $0xFFFFE000  }
0xf1: {  	[tilespmem:s19], [sflag:$0x5] =	stream.indirect.gather [hbm4b:s3+s12], $0x40, s4, s12, $0xb8;
	[tilespmem:$0x12800] =	vst v63  }
0xf2: {  	_ =	swait.ge [sflag:s20], $0x2000  }
0xf3: {  	[sflag:s20] =	ssyncset.done $0x0  }
0xf4: {  	s10 =	sadd.s32 $0xFFFFE400, s17;
	s4 =	simm.s32 @!p2 $0xE;
	[sflag:s20] =	ssyncadd.s32 $0xFFFFE000  }
0xf5: {  	[hbm4b:s10+s2] =	stream.linear.scatter [tilespmem:s13], [sflag:$0x9], $0x2000, $0x38;
	[tilespmem:$0x12800] =	vst v63  }
0xf6: {  	_ =	swait.ge @!p2 [sflag:s4], $0x2000  }
0xf7: {  	[sflag:s4] =	ssyncset.done @!p2 $0x0  }
0xf8: {  	s15 =	sadd.s32 $0x280, s1;
	[sflag:s4] =	ssyncadd.s32 @!p2 $0xFFFFE000  }
0xf9: {  	[tilespmem:s21], [sflag:$0x6] =	stream.indirect.gather [hbm4b:s3+s12], $0x40, s15, s12, $0xb8;
	[tilespmem:$0x12800] =	vst v63  }
0xfa: {  	_ =	swait.ge [sflag:s22], $0x2000  }
0xfb: {  	[sflag:s22] =	ssyncset.done $0x0  }
0xfc: {  	s30 =	sadd.s32 $0xFFFFE800, s17;
	s4 =	simm.s32 @!p2 $0xF;
	[sflag:s22] =	ssyncadd.s32 $0xFFFFE000  }
0xfd: {  	[hbm4b:s30+s2] =	stream.linear.scatter [tilespmem:s14], [sflag:$0xA], $0x2000, $0x38;
	[tilespmem:$0x12800] =	vst v63  }
0xfe: {  	_ =	swait.ge @!p2 [sflag:s4], $0x2000  }
0xff: {  	[sflag:s4] =	ssyncset.done @!p2 $0x0  }
0x100: {  	s31 =	sadd.s32 $0x300, s1;
	[sflag:s4] =	ssyncadd.s32 @!p2 $0xFFFFE000  }
0x101: {  	[tilespmem:s23], [sflag:$0x7] =	stream.indirect.gather [hbm4b:s3+s12], $0x40, s31, s12, $0xb8;
	[tilespmem:$0x12800] =	vst v63  }
0x102: {  	_ =	swait.ge [sflag:s24], $0x2000  }
0x103: {  	[sflag:s24] =	ssyncset.done $0x0  }
0x104: {  	s6 =	sadd.s32 $0xFFFFEC00, s17;
	s4 =	simm.s32 @!p2 $0x10;
	[sflag:s24] =	ssyncadd.s32 $0xFFFFE000  }
0x105: {  	[hbm4b:s6+s2] =	stream.linear.scatter [tilespmem:s16], [sflag:$0xB], $0x2000, $0x38;
	[tilespmem:$0x12800] =	vst v63  }
0x106: {  	_ =	swait.ge @!p2 [sflag:s4], $0x2000  }
0x107: {  	[sflag:s4] =	ssyncset.done @!p2 $0x0  }
0x108: {  	s8 =	sadd.s32 $0x380, s1;
	[sflag:s4] =	ssyncadd.s32 @!p2 $0xFFFFE000  }
0x109: {  	[tilespmem:s25], [sflag:$0x8] =	stream.indirect.gather [hbm4b:s3+s12], $0x40, s8, s12, $0xb8;
	[tilespmem:$0x12800] =	vst v63  }
0x10a: {  	s11 =	smov.u32 s7;
	_ =	swait.ge [sflag:s26], $0x2000  }
0x10b: {  	s10 =	sadd.s32 $0xFFFFF000, s17;
	p2 =	seq.s32 s5, $0x9000;
	[sflag:s26] =	ssyncset.done $0x0  }
0x10c: {  	s1 =	simm.s32 @p2 $0x5;
	s4 =	sshra.s32 @!p2 s5, $0x2;
	[sflag:s26] =	ssyncadd.s32 $0xFFFFE000  }
0x10d: {  	[hbm4b:s10+s2] =	stream.linear.scatter [tilespmem:s18], [sflag:$0xC], $0x2000, $0x38;
	[tilespmem:$0x12800] =	vst v63  }
0x10e: {  	s15 =	simm.s32 @p2 $0xA800;
	s6 =	simm.s32 @!p2 $0x9;
	_ =	swait.ge @p2 [sflag:s1], $0x2000  }
0x10f: {  	s5 =	smov.u32 s11;
	s11 =	simm.s32 @!p2 $0x80;
	[sflag:s1] =	ssyncset.done @p2 $0x0  }
0x110: {  	s10 =	rddreg [dreg:$0x4];
	[sflag:s1] =	ssyncadd.s32 @p2 $0xFFFFE000;
	s1 =	simm.s32 @p2 $0x0  }
0x111: {  	[hbm4b:s10+s1] =	stream.linear.scatter @p2 [tilespmem:s15], [sflag:$0xD], $0x2000, $0x38;
	[tilespmem:$0x12800] =	vst v63  }
0x112: {  	s0 =	sadd.s32 @!p2 $0x400, s4;
	s8 =	sadd.s32 @!p2 $0x480, s4;
	_ =	swait.ge @!p2 [sflag:s6], $0x2000  }
0x113: {  	s31 =	sadd.s32 @!p2 $0x500, s4;
	s30 =	sadd.s32 @!p2 $0x580, s4;
	[sflag:s6] =	ssyncset.done @!p2 $0x0  }
0x114: {  	s4 =	simm.s32 @!p2 $0x2800;
	[sflag:s6] =	ssyncadd.s32 @!p2 $0xFFFFE000;
	s6 =	simm.s32 @!p2 $0x5  }
0x115: {  	[tilespmem:s4], [sflag:$0x1] =	stream.indirect.gather @!p2 [hbm4b:s3+s11], $0x40, s0, s11, $0xb8;
	[tilespmem:$0x12800] =	vst v63  }
0x116: {  	_ =	swait.ge @!p2 [sflag:s6], $0x2000  }
0x117: {  	s10 =	simm.s32 @!p2 $0x0;
	s0 =	simm.s32 @!p2 $0xA800;
	[sflag:s6] =	ssyncset.done @!p2 $0x0  }
0x118: {  	s4 =	sadd.s32 @!p2 $0xFFFFF400, s17;
	[sflag:s6] =	ssyncadd.s32 @!p2 $0xFFFFE000;
	s6 =	simm.s32 @!p2 $0xA  }
0x119: {  	[hbm4b:s4+s10] =	stream.linear.scatter @!p2 [tilespmem:s0], [sflag:$0xD], $0x2000, $0x38;
	[tilespmem:$0x12800] =	vst v63  }
0x11a: {  	_ =	swait.ge @!p2 [sflag:s6], $0x2000  }
0x11b: {  	[sflag:s6] =	ssyncset.done @!p2 $0x0  }
0x11c: {  	s0 =	simm.s32 @!p2 $0x4800;
	[sflag:s6] =	ssyncadd.s32 @!p2 $0xFFFFE000  }
0x11d: {  	[tilespmem:s0], [sflag:$0x2] =	stream.indirect.gather @!p2 [hbm4b:s3+s11], $0x40, s8, s11, $0xb8;
	[tilespmem:$0x12800] =	vst v63  }
0x11e: {  	_ =	swait.ge [sflag:s28], $0x2000  }
0x11f: {  	[sflag:s28] =	ssyncset.done $0x0  }
0x120: {  	s15 =	sadd.s32 $0xFFFFF800, s17;
	s4 =	simm.s32 @p2 $0x7;
	[sflag:s28] =	ssyncadd.s32 $0xFFFFE000  }
0x121: {  	[hbm4b:s15+s2] =	stream.linear.scatter [tilespmem:s21], [sflag:$0xE], $0x2000, $0x38;
	[tilespmem:$0x12800] =	vst v63  }
0x122: {  	_ =	swait.ge @p2 [sflag:s4], $0x2000  }
0x123: {  	s6 =	simm.s32 @!p2 $0xB;
	[sflag:s4] =	ssyncset.done @p2 $0x0  }
0x124: {  	s0 =	rddreg [dreg:$0x5];
	[sflag:s4] =	ssyncadd.s32 @p2 $0xFFFFE000;
	s4 =	simm.s32 @p2 $0xE800  }
0x125: {  	[hbm4b:s0+s1] =	stream.linear.scatter @p2 [tilespmem:s4], [sflag:$0xF], $0x2000, $0x38;
	[tilespmem:$0x12800] =	vst v63  }
0x126: {  	_ =	swait.ge @!p2 [sflag:s6], $0x2000  }
0x127: {  	[sflag:s6] =	ssyncset.done @!p2 $0x0  }
0x128: {  	s0 =	simm.s32 @!p2 $0x6800;
	s1 =	simm.s32 @!p2 $0x7;
	[sflag:s6] =	ssyncadd.s32 @!p2 $0xFFFFE000  }
0x129: {  	[tilespmem:s0], [sflag:$0x3] =	stream.indirect.gather @!p2 [hbm4b:s3+s11], $0x40, s31, s11, $0xb8;
	[tilespmem:$0x12800] =	vst v63  }
0x12a: {  	s7 =	sadd.s32 $0x1000, s7;
	_ =	swait.ge @!p2 [sflag:s1], $0x2000  }
0x12b: {  	p1 =	sne.s32 s7, $0xA000;
	s4 =	simm.s32 @!p2 $0xE800;
	[sflag:s1] =	ssyncset.done @!p2 $0x0  }
0x12c: {  	s0 =	sadd.s32 @!p2 $0xFFFFFC00, s17;
	[sflag:s1] =	ssyncadd.s32 @!p2 $0xFFFFE000;
	s1 =	simm.s32 @!p2 $0xC  }
0x12d: {  	[hbm4b:s0+s10] =	stream.linear.scatter @!p2 [tilespmem:s4], [sflag:$0xF], $0x2000, $0x38;
	[tilespmem:$0x12800] =	vst v63  }
.Ltmp4:
0x12e: {  	_ =	swait.ge @!p2 [sflag:s1], $0x2000;
	(pc) =	sbr.rel @p1 .LBB2_10-.Ltmp4, $4  }
0x12f: {  	[sflag:s1] =	ssyncset.done @!p2 $0x0  }
0x130: {  	s9 =	smov.u32 s17;
	s0 =	simm.s32 @!p2 $0x8800;
	[sflag:s1] =	ssyncadd.s32 @!p2 $0xFFFFE000  }
0x131: {  	[tilespmem:s0], [sflag:$0x4] =	stream.indirect.gather @!p2 [hbm4b:s3+s11], $0x40, s30, s11, $0xb8;
	[tilespmem:$0x12800] =	vst v63  }
0x132: {  	s17 =	sadd.s32 $0x2000, s17;
	p2 =	seq.s32 s5, $0x0;
	_ =	swait.ge [sflag:s29], $0x2000  }
.Ltmp5:
0x133: {  	_ = 	snop;
	(pc) =	sbr.rel .LBB2_11-.Ltmp5, $1  }
0x134: {  	_ =	sdelay $0x3  }
.LBB2_2:
0x135: {  	s5 =	simm.s32 $0x0;
	s0 =	rddreg [dreg:$0x7];
	s30 =	simm.s32 $0x11  }
0x136: {  	[tilespmem:s5], [sflag:$0x11] =	stream.linear.gather [hbm4b:s0+s5], $0x2800, $0x38;
	[tilespmem:$0x12800] =	vst v63  }
0x137: {  	_ =	swait.ge [sflag:s30], $0x2800  }
0x138: {  	s31 =	sadd.s32 $0x0, s6;
	[sflag:s30] =	ssyncset.done $0x0  }
0x139: {  	s7 =	simm.s32 $0x40;
	s5 =	smulhi.u32 $0x10624DD3, s31;
	[sflag:s30] =	ssyncadd.s32 $0xFFFFD800  }
0x13a: {  	v0 =	vld [tilespmem:s7+$0xFFFFFFC0]  }
0x13b: {  	s5 =	sshrl.u32 s5, $0x4;
	v1 =	vld [tilespmem:s7+$0xFFFFFFD0]  }
0x13c: {  	s5 =	smin.u32 s5, $0x9;
	v2 =	vld [tilespmem:s7+$0xFFFFFFE0]  }
0x13d: {  	s17 =	smul.u32 $0x3E8, s5;
	v4 =	vld [tilespmem:s7+$0x0]  }
0x13e: {  	v5 =	vld [tilespmem:s7+$0x10]  }
0x13f: {  	v6 =	vld [tilespmem:s7+$0x20];
	v0 =	vadd.s32 s17, v0  }
0x140: {  	s9 =	sadd.s32 $0x1, s6;
	v8 =	vld [tilespmem:s7+$0x30];
	[tilespmem:s7+$0xFFFFFFC0] =	vst v0;
	v0 =	vadd.s32 s17, v1  }
0x141: {  	s9 =	smulhi.u32 $0x10624DD3, s9;
	v7 =	vld [tilespmem:s7+$0xFFFFFFF0];
	s5 =	simm.s32 $0xC0;
	[tilespmem:s7+$0xFFFFFFD0] =	vst v0;
	v0 =	vadd.s32 s17, v2  }
0x142: {  	v1 =	vadd.s32 s17, v4;
	v3 =	vld [tilespmem:s5+$0xFFFFFFC0];
	[tilespmem:s7+$0xFFFFFFE0] =	vst v0  }
0x143: {  	s9 =	sshrl.u32 s9, $0x4;
	v2 =	vadd.s32 s17, v5;
	v0 =	vld [tilespmem:s5+$0xFFFFFFD0];
	[tilespmem:s7+$0x0] =	vst v1  }
0x144: {  	s9 =	smin.u32 s9, $0x9;
	v4 =	vadd.s32 s17, v6;
	v1 =	vld [tilespmem:s5+$0xFFFFFFE0];
	[tilespmem:s7+$0x10] =	vst v2  }
0x145: {  	s11 =	smul.u32 $0x3E8, s9;
	v6 =	vadd.s32 s17, v8;
	v2 =	vld [tilespmem:s5+$0x0];
	[tilespmem:s7+$0x20] =	vst v4  }
0x146: {  	s9 =	simm.s32 $0x2;
	v5 =	vadd.s32 s17, v7;
	v4 =	vld [tilespmem:s5+$0x10];
	[tilespmem:s7+$0x30] =	vst v6  }
.LBB2_3:
0x147: {  	p1 =	sne.s32 s9, $0x4F;
	v3 =	vadd.s32 s11, v3;
	v6 =	vld [tilespmem:s5+$0x20];
	[tilespmem:s7+$0xFFFFFFF0] =	vst v5;
	s7 =	smov.u32 s5;
	s17 =	smov.u32 s11  }
0x148: {  	s11 =	sadd.s32 s9, s6;
	[tilespmem:s5+$0xFFFFFFC0] =	vst v3;
	v0 =	vadd.s32 s17, v0;
	v5 =	vld [tilespmem:s5+$0x30]  }
0x149: {  	s11 =	smulhi.u32 $0x10624DD3, s11;
	s5 =	sadd.s32 $0x80, s5;
	[tilespmem:s7+$0xFFFFFFD0] =	vst v0;
	v0 =	vadd.s32 s17, v1;
	v7 =	vld [tilespmem:s7+$0xFFFFFFF0]  }
.Ltmp6:
0x14a: {  	v3 =	vld [tilespmem:s5+$0xFFFFFFC0];
	[tilespmem:s7+$0xFFFFFFE0] =	vst v0;
	v1 =	vadd.s32 s17, v2;
	(pc) =	sbr.rel @p1 .LBB2_3-.Ltmp6, $4  }
0x14b: {  	s11 =	sshrl.u32 s11, $0x4;
	v0 =	vld [tilespmem:s5+$0xFFFFFFD0];
	[tilespmem:s7+$0x0] =	vst v1;
	v2 =	vadd.s32 s17, v4  }
0x14c: {  	s11 =	smin.u32 s11, $0x9;
	v1 =	vld [tilespmem:s5+$0xFFFFFFE0];
	[tilespmem:s7+$0x10] =	vst v2;
	v4 =	vadd.s32 s17, v6  }
0x14d: {  	s11 =	smul.u32 $0x3E8, s11;
	v2 =	vld [tilespmem:s5+$0x0];
	[tilespmem:s7+$0x20] =	vst v4;
	v6 =	vadd.s32 s17, v5  }
0x14e: {  	s9 =	sadd.s32 $0x1, s9;
	v4 =	vld [tilespmem:s5+$0x10];
	v5 =	vadd.s32 s17, v7;
	[tilespmem:s7+$0x30] =	vst v6  }
0x14f: {  	v6 =	vld [tilespmem:s5+$0x20];
	v3 =	vadd.s32 s11, v3;
	[tilespmem:s7+$0xFFFFFFF0] =	vst v5  }
0x150: {  	v57 =	vld [tilespmem:s5+$0x30];
	[tilespmem:s5+$0xFFFFFFC0] =	vst v3;
	v0 =	vadd.s32 s11, v0  }
0x151: {  	v59 =	vld [tilespmem:s5+$0xFFFFFFF0];
	[tilespmem:s5+$0xFFFFFFD0] =	vst v0;
	v58 =	vadd.s32 s11, v1  }
0x152: {  	[tilespmem:s5+$0xFFFFFFE0] =	vst v58;
	v60 =	vadd.s32 s11, v2  }
0x153: {  	[tilespmem:s5+$0x0] =	vst v60;
	v61 =	vadd.s32 s11, v4  }
0x154: {  	[tilespmem:s5+$0x10] =	vst v61;
	v62 =	vadd.s32 s11, v6  }
0x155: {  	v63 =	vadd.s32 s11, v57;
	[tilespmem:s5+$0x20] =	vst v62  }
0x156: {  	v1 =	vadd.s32 s11, v59;
	[tilespmem:s5+$0x30] =	vst v63  }
0x157: {  	s0 =	simm.s32 $0x0;
	[tilespmem:s5+$0xFFFFFFF0] =	vst v1  }
0x158: {  	[tilespmem:s13], [sflag:$0x1] =	stream.indirect.gather [hbm4b:s3+s12], $0x40, s0, s12, $0xb8;
	[tilespmem:$0x12800] =	vst v63  }
0x159: {  	_ = 	snop  }
0x15a: {  	[tilespmem:s14], [sflag:$0x2] =	stream.indirect.gather [hbm4b:s3+s12], $0x40, s12, s12, $0xb8;
	[tilespmem:$0x12800] =	vst v63  }
0x15b: {  	p1 =	por $0x1, $0x1;
	s0 =	simm.s32 $0x100  }
0x15c: {  	[tilespmem:s16], [sflag:$0x3] =	stream.indirect.gather [hbm4b:s3+s12], $0x40, s0, s12, $0xb8;
	[tilespmem:$0x12800] =	vst v63  }
0x15d: {  	s1 =	simm.s32 $0x180;
	s5 =	simm.s32 @!p1 $0xD  }
0x15e: {  	[tilespmem:s18], [sflag:$0x4] =	stream.indirect.gather [hbm4b:s3+s12], $0x40, s1, s12, $0xb8;
	[tilespmem:$0x12800] =	vst v63  }
0x15f: {  	_ =	swait.ge @!p1 [sflag:s5], $0x2000  }
0x160: {  	[sflag:s5] =	ssyncset.done @!p1 $0x0  }
0x161: {  	s4 =	simm.s32 $0x200;
	[sflag:s5] =	ssyncadd.s32 @!p1 $0xFFFFE000  }
0x162: {  	[tilespmem:s19], [sflag:$0x5] =	stream.indirect.gather [hbm4b:s3+s12], $0x40, s4, s12, $0xb8;
	[tilespmem:$0x12800] =	vst v63  }
0x163: {  	_ =	swait.ge [sflag:s20], $0x2000  }
0x164: {  	[sflag:s20] =	ssyncset.done $0x0;
	s0 =	rddreg [dreg:$0xb]  }
0x165: {  	s7 =	simm.s32 @!p1 $0xE;
	s8 =	sadd.s32 $0xFFFFE400, s0;
	[sflag:s20] =	ssyncadd.s32 $0xFFFFE000  }
0x166: {  	[hbm4b:s8+s2] =	stream.linear.scatter [tilespmem:s13], [sflag:$0x9], $0x2000, $0x38;
	[tilespmem:$0x12800] =	vst v63  }
0x167: {  	_ =	swait.ge @!p1 [sflag:s7], $0x2000  }
0x168: {  	[sflag:s7] =	ssyncset.done @!p1 $0x0  }
0x169: {  	s9 =	simm.s32 $0x280;
	[sflag:s7] =	ssyncadd.s32 @!p1 $0xFFFFE000  }
0x16a: {  	[tilespmem:s21], [sflag:$0x6] =	stream.indirect.gather [hbm4b:s3+s12], $0x40, s9, s12, $0xb8;
	[tilespmem:$0x12800] =	vst v63  }
0x16b: {  	_ =	swait.ge [sflag:s22], $0x2000  }
0x16c: {  	[sflag:s22] =	ssyncset.done $0x0  }
0x16d: {  	s10 =	sadd.s32 $0xFFFFE800, s0;
	s7 =	simm.s32 @!p1 $0xF;
	[sflag:s22] =	ssyncadd.s32 $0xFFFFE000  }
0x16e: {  	[hbm4b:s10+s2] =	stream.linear.scatter [tilespmem:s14], [sflag:$0xA], $0x2000, $0x38;
	[tilespmem:$0x12800] =	vst v63  }
0x16f: {  	_ =	swait.ge @!p1 [sflag:s7], $0x2000  }
0x170: {  	[sflag:s7] =	ssyncset.done @!p1 $0x0  }
0x171: {  	s11 =	simm.s32 $0x300;
	[sflag:s7] =	ssyncadd.s32 @!p1 $0xFFFFE000  }
0x172: {  	[tilespmem:s23], [sflag:$0x7] =	stream.indirect.gather [hbm4b:s3+s12], $0x40, s11, s12, $0xb8;
	[tilespmem:$0x12800] =	vst v63  }
0x173: {  	_ =	swait.ge [sflag:s24], $0x2000  }
0x174: {  	[sflag:s24] =	ssyncset.done $0x0  }
0x175: {  	s15 =	sadd.s32 $0xFFFFEC00, s0;
	s7 =	simm.s32 @!p1 $0x10;
	[sflag:s24] =	ssyncadd.s32 $0xFFFFE000  }
0x176: {  	[hbm4b:s15+s2] =	stream.linear.scatter [tilespmem:s16], [sflag:$0xB], $0x2000, $0x38;
	[tilespmem:$0x12800] =	vst v63  }
0x177: {  	_ =	swait.ge @!p1 [sflag:s7], $0x2000  }
0x178: {  	[sflag:s7] =	ssyncset.done @!p1 $0x0  }
0x179: {  	s17 =	simm.s32 $0x380;
	[sflag:s7] =	ssyncadd.s32 @!p1 $0xFFFFE000  }
0x17a: {  	[tilespmem:s25], [sflag:$0x8] =	stream.indirect.gather [hbm4b:s3+s12], $0x40, s17, s12, $0xb8;
	[tilespmem:$0x12800] =	vst v63  }
0x17b: {  	_ =	swait.ge [sflag:s26], $0x2000  }
0x17c: {  	p1 =	por $0x0, $0x0;
	[sflag:s26] =	ssyncset.done $0x0  }
0x17d: {  	s30 =	sadd.s32 $0xFFFFF000, s0;
	s7 =	simm.s32 @p1 $0x5;
	[sflag:s26] =	ssyncadd.s32 $0xFFFFE000  }
0x17e: {  	[hbm4b:s30+s2] =	stream.linear.scatter [tilespmem:s18], [sflag:$0xC], $0x2000, $0x38;
	[tilespmem:$0x12800] =	vst v63  }
0x17f: {  	_ =	swait.ge @p1 [sflag:s7], $0x2000  }
0x180: {  	s9 =	simm.s32 @p1 $0xA800;
	s11 =	simm.s32 @!p1 $0x9;
	[sflag:s7] =	ssyncset.done @p1 $0x0  }
0x181: {  	s5 =	rddreg [dreg:$0x2];
	[sflag:s7] =	ssyncadd.s32 @p1 $0xFFFFE000;
	s7 =	simm.s32 @p1 $0x0  }
0x182: {  	[hbm4b:s5+s7] =	stream.linear.scatter @p1 [tilespmem:s9], [sflag:$0xD], $0x2000, $0x38;
	[tilespmem:$0x12800] =	vst v63  }
0x183: {  	_ =	swait.ge @!p1 [sflag:s11], $0x2000  }
0x184: {  	s17 =	simm.s32 @!p1 $0x2800;
	s5 =	simm.s32 @!p1 $0x400;
	[sflag:s11] =	ssyncset.done @!p1 $0x0  }
0x185: {  	s9 =	simm.s32 @!p1 $0x80;
	[sflag:s11] =	ssyncadd.s32 @!p1 $0xFFFFE000;
	s11 =	simm.s32 @!p1 $0x5  }
0x186: {  	[tilespmem:s17], [sflag:$0x1] =	stream.indirect.gather @!p1 [hbm4b:s3+s9], $0x40, s5, s9, $0xb8;
	[tilespmem:$0x12800] =	vst v63  }
0x187: {  	_ =	swait.ge @!p1 [sflag:s11], $0x2000  }
0x188: {  	s5 =	simm.s32 @!p1 $0xA800;
	[sflag:s11] =	ssyncset.done @!p1 $0x0  }
0x189: {  	s17 =	sadd.s32 @!p1 $0xFFFFF400, s0;
	[sflag:s11] =	ssyncadd.s32 @!p1 $0xFFFFE000;
	s11 =	simm.s32 @!p1 $0x0  }
0x18a: {  	[hbm4b:s17+s11] =	stream.linear.scatter @!p1 [tilespmem:s5], [sflag:$0xD], $0x2000, $0x38;
	[tilespmem:$0x12800] =	vst v63  }
0x18b: {  	s5 =	simm.s32 @!p1 $0xA  }
0x18c: {  	_ =	swait.ge @!p1 [sflag:s5], $0x2000  }
0x18d: {  	[sflag:s5] =	ssyncset.done @!p1 $0x0  }
0x18e: {  	s17 =	simm.s32 @!p1 $0x480;
	[sflag:s5] =	ssyncadd.s32 @!p1 $0xFFFFE000;
	s5 =	simm.s32 @!p1 $0x4800  }
0x18f: {  	[tilespmem:s5], [sflag:$0x2] =	stream.indirect.gather @!p1 [hbm4b:s3+s9], $0x40, s17, s9, $0xb8;
	[tilespmem:$0x12800] =	vst v63  }
0x190: {  	_ =	swait.ge [sflag:s28], $0x2000  }
0x191: {  	[sflag:s28] =	ssyncset.done $0x0  }
0x192: {  	s31 =	sadd.s32 $0xFFFFF800, s0;
	s17 =	simm.s32 @p1 $0x7;
	[sflag:s28] =	ssyncadd.s32 $0xFFFFE000  }
0x193: {  	[hbm4b:s31+s2] =	stream.linear.scatter [tilespmem:s21], [sflag:$0xE], $0x2000, $0x38;
	[tilespmem:$0x12800] =	vst v63  }
0x194: {  	_ =	swait.ge @p1 [sflag:s17], $0x2000  }
0x195: {  	[sflag:s17] =	ssyncset.done @p1 $0x0  }
0x196: {  	s5 =	rddreg [dreg:$0x3];
	[sflag:s17] =	ssyncadd.s32 @p1 $0xFFFFE000;
	s17 =	simm.s32 @p1 $0xE800  }
0x197: {  	[hbm4b:s5+s7] =	stream.linear.scatter @p1 [tilespmem:s17], [sflag:$0xF], $0x2000, $0x38;
	[tilespmem:$0x12800] =	vst v63  }
0x198: {  	s5 =	simm.s32 @!p1 $0xB  }
0x199: {  	_ =	swait.ge @!p1 [sflag:s5], $0x2000  }
0x19a: {  	[sflag:s5] =	ssyncset.done @!p1 $0x0  }
0x19b: {  	s7 =	simm.s32 @!p1 $0x500;
	[sflag:s5] =	ssyncadd.s32 @!p1 $0xFFFFE000;
	s5 =	simm.s32 @!p1 $0x6800  }
0x19c: {  	[tilespmem:s5], [sflag:$0x3] =	stream.indirect.gather @!p1 [hbm4b:s3+s9], $0x40, s7, s9, $0xb8;
	[tilespmem:$0x12800] =	vst v63  }
0x19d: {  	s5 =	simm.s32 @!p1 $0x7  }
0x19e: {  	_ =	swait.ge @!p1 [sflag:s5], $0x2000  }
0x19f: {  	[sflag:s5] =	ssyncset.done @!p1 $0x0  }
0x1a0: {  	s7 =	sadd.s32 @!p1 $0xFFFFFC00, s0;
	[sflag:s5] =	ssyncadd.s32 @!p1 $0xFFFFE000;
	s5 =	simm.s32 @!p1 $0xE800  }
0x1a1: {  	[hbm4b:s7+s11] =	stream.linear.scatter @!p1 [tilespmem:s5], [sflag:$0xF], $0x2000, $0x38;
	[tilespmem:$0x12800] =	vst v63  }
0x1a2: {  	s5 =	simm.s32 @!p1 $0xC  }
0x1a3: {  	p2 =	por $0x0, $0x0;
	_ =	swait.ge @!p1 [sflag:s5], $0x2000  }
0x1a4: {  	s17 =	sadd.s32 $0x2000, s0;
	s7 =	simm.s32 @!p1 $0x580;
	[sflag:s5] =	ssyncset.done @!p1 $0x0  }
0x1a5: {  	s11 =	simm.s32 @!p1 $0x8800;
	[sflag:s5] =	ssyncadd.s32 @!p1 $0xFFFFE000;
	s5 =	simm.s32 $0x1000  }
0x1a6: {  	[tilespmem:s11], [sflag:$0x4] =	stream.indirect.gather @!p1 [hbm4b:s3+s9], $0x40, s7, s9, $0xb8;
	[tilespmem:$0x12800] =	vst v63  }
0x1a7: {  	s7 =	simm.s32 $0x2000;
	s9 =	smov.u32 s0;
	_ =	swait.ge [sflag:s29], $0x2000  }
.LBB2_5:
0x1a8: {  	[sflag:s29] =	ssyncset.done $0x0  }
0x1a9: {  	s30 =	simm.s32 @!p2 $0xD;
	[sflag:s29] =	ssyncadd.s32 $0xFFFFE000  }
0x1aa: {  	[hbm4b:s9+s2] =	stream.linear.scatter [tilespmem:s25], [sflag:$0x10], $0x2000, $0x38;
	[tilespmem:$0x12800] =	vst v63  }
0x1ab: {  	_ =	swait.ge @!p2 [sflag:s30], $0x2000  }
0x1ac: {  	s31 =	sshra.s32 s5, $0x2;
	[sflag:s30] =	ssyncset.done @!p2 $0x0  }
0x1ad: {  	s0 =	sadd.s32 $0x200, s31;
	[sflag:s30] =	ssyncadd.s32 @!p2 $0xFFFFE000  }
0x1ae: {  	[tilespmem:s19], [sflag:$0x5] =	stream.indirect.gather [hbm4b:s3+s12], $0x40, s0, s12, $0xb8;
	[tilespmem:$0x12800] =	vst v63  }
0x1af: {  	_ =	swait.ge [sflag:s20], $0x2000  }
0x1b0: {  	[sflag:s20] =	ssyncset.done $0x0  }
0x1b1: {  	s1 =	sadd.s32 $0xFFFFE400, s17;
	s30 =	simm.s32 @!p2 $0xE;
	[sflag:s20] =	ssyncadd.s32 $0xFFFFE000  }
0x1b2: {  	[hbm4b:s1+s2] =	stream.linear.scatter [tilespmem:s13], [sflag:$0x9], $0x2000, $0x38;
	[tilespmem:$0x12800] =	vst v63  }
0x1b3: {  	_ =	swait.ge @!p2 [sflag:s30], $0x2000  }
0x1b4: {  	[sflag:s30] =	ssyncset.done @!p2 $0x0  }
0x1b5: {  	s4 =	sadd.s32 $0x280, s31;
	[sflag:s30] =	ssyncadd.s32 @!p2 $0xFFFFE000  }
0x1b6: {  	[tilespmem:s21], [sflag:$0x6] =	stream.indirect.gather [hbm4b:s3+s12], $0x40, s4, s12, $0xb8;
	[tilespmem:$0x12800] =	vst v63  }
0x1b7: {  	_ =	swait.ge [sflag:s22], $0x2000  }
0x1b8: {  	[sflag:s22] =	ssyncset.done $0x0  }
0x1b9: {  	s8 =	sadd.s32 $0xFFFFE800, s17;
	s30 =	simm.s32 @!p2 $0xF;
	[sflag:s22] =	ssyncadd.s32 $0xFFFFE000  }
0x1ba: {  	[hbm4b:s8+s2] =	stream.linear.scatter [tilespmem:s14], [sflag:$0xA], $0x2000, $0x38;
	[tilespmem:$0x12800] =	vst v63  }
0x1bb: {  	_ =	swait.ge @!p2 [sflag:s30], $0x2000  }
0x1bc: {  	[sflag:s30] =	ssyncset.done @!p2 $0x0  }
0x1bd: {  	s10 =	sadd.s32 $0x300, s31;
	[sflag:s30] =	ssyncadd.s32 @!p2 $0xFFFFE000  }
0x1be: {  	[tilespmem:s23], [sflag:$0x7] =	stream.indirect.gather [hbm4b:s3+s12], $0x40, s10, s12, $0xb8;
	[tilespmem:$0x12800] =	vst v63  }
0x1bf: {  	_ =	swait.ge [sflag:s24], $0x2000  }
0x1c0: {  	[sflag:s24] =	ssyncset.done $0x0  }
0x1c1: {  	s15 =	sadd.s32 $0xFFFFEC00, s17;
	s30 =	simm.s32 @!p2 $0x10;
	[sflag:s24] =	ssyncadd.s32 $0xFFFFE000  }
0x1c2: {  	[hbm4b:s15+s2] =	stream.linear.scatter [tilespmem:s16], [sflag:$0xB], $0x2000, $0x38;
	[tilespmem:$0x12800] =	vst v63  }
0x1c3: {  	_ =	swait.ge @!p2 [sflag:s30], $0x2000  }
0x1c4: {  	[sflag:s30] =	ssyncset.done @!p2 $0x0  }
0x1c5: {  	s1 =	sadd.s32 $0x380, s31;
	[sflag:s30] =	ssyncadd.s32 @!p2 $0xFFFFE000  }
0x1c6: {  	[tilespmem:s25], [sflag:$0x8] =	stream.indirect.gather [hbm4b:s3+s12], $0x40, s1, s12, $0xb8;
	[tilespmem:$0x12800] =	vst v63  }
0x1c7: {  	s11 =	smov.u32 s7;
	_ =	swait.ge [sflag:s26], $0x2000  }
0x1c8: {  	s4 =	sadd.s32 $0xFFFFF000, s17;
	p2 =	seq.s32 s5, $0x9000;
	[sflag:s26] =	ssyncset.done $0x0  }
0x1c9: {  	s30 =	simm.s32 @p2 $0x5;
	s5 =	sshra.s32 @!p2 s5, $0x2;
	[sflag:s26] =	ssyncadd.s32 $0xFFFFE000  }
0x1ca: {  	[hbm4b:s4+s2] =	stream.linear.scatter [tilespmem:s18], [sflag:$0xC], $0x2000, $0x38;
	[tilespmem:$0x12800] =	vst v63  }
0x1cb: {  	s10 =	simm.s32 @p2 $0x0;
	s15 =	simm.s32 @p2 $0xA800;
	_ =	swait.ge @p2 [sflag:s30], $0x2000  }
0x1cc: {  	s0 =	sadd.s32 @!p2 $0x400, s5;
	s1 =	sadd.s32 @!p2 $0x480, s5;
	[sflag:s30] =	ssyncset.done @p2 $0x0  }
0x1cd: {  	s4 =	simm.s32 @!p2 $0x9;
	s8 =	rddreg [dreg:$0x2];
	[sflag:s30] =	ssyncadd.s32 @p2 $0xFFFFE000  }
0x1ce: {  	[hbm4b:s8+s10] =	stream.linear.scatter @p2 [tilespmem:s15], [sflag:$0xD], $0x2000, $0x38;
	[tilespmem:$0x12800] =	vst v63  }
0x1cf: {  	s31 =	sadd.s32 @!p2 $0x500, s5;
	s30 =	sadd.s32 @!p2 $0x580, s5;
	_ =	swait.ge @!p2 [sflag:s4], $0x2000  }
0x1d0: {  	s5 =	smov.u32 s11;
	s11 =	simm.s32 @!p2 $0x80;
	[sflag:s4] =	ssyncset.done @!p2 $0x0  }
0x1d1: {  	s8 =	simm.s32 @!p2 $0x2800;
	[sflag:s4] =	ssyncadd.s32 @!p2 $0xFFFFE000;
	s4 =	simm.s32 @!p2 $0x5  }
0x1d2: {  	[tilespmem:s8], [sflag:$0x1] =	stream.indirect.gather @!p2 [hbm4b:s3+s11], $0x40, s0, s11, $0xb8;
	[tilespmem:$0x12800] =	vst v63  }
0x1d3: {  	_ =	swait.ge @!p2 [sflag:s4], $0x2000  }
0x1d4: {  	s15 =	simm.s32 @!p2 $0x0;
	s0 =	simm.s32 @!p2 $0xA800;
	[sflag:s4] =	ssyncset.done @!p2 $0x0  }
0x1d5: {  	s8 =	sadd.s32 @!p2 $0xFFFFF400, s17;
	[sflag:s4] =	ssyncadd.s32 @!p2 $0xFFFFE000;
	s4 =	simm.s32 @!p2 $0xA  }
0x1d6: {  	[hbm4b:s8+s15] =	stream.linear.scatter @!p2 [tilespmem:s0], [sflag:$0xD], $0x2000, $0x38;
	[tilespmem:$0x12800] =	vst v63  }
0x1d7: {  	_ =	swait.ge @!p2 [sflag:s4], $0x2000  }
0x1d8: {  	[sflag:s4] =	ssyncset.done @!p2 $0x0  }
0x1d9: {  	s0 =	simm.s32 @!p2 $0x4800;
	[sflag:s4] =	ssyncadd.s32 @!p2 $0xFFFFE000  }
0x1da: {  	[tilespmem:s0], [sflag:$0x2] =	stream.indirect.gather @!p2 [hbm4b:s3+s11], $0x40, s1, s11, $0xb8;
	[tilespmem:$0x12800] =	vst v63  }
0x1db: {  	_ =	swait.ge [sflag:s28], $0x2000  }
0x1dc: {  	[sflag:s28] =	ssyncset.done $0x0  }
0x1dd: {  	s8 =	sadd.s32 $0xFFFFF800, s17;
	s1 =	simm.s32 @p2 $0x7;
	[sflag:s28] =	ssyncadd.s32 $0xFFFFE000  }
0x1de: {  	[hbm4b:s8+s2] =	stream.linear.scatter [tilespmem:s21], [sflag:$0xE], $0x2000, $0x38;
	[tilespmem:$0x12800] =	vst v63  }
0x1df: {  	_ =	swait.ge @p2 [sflag:s1], $0x2000  }
0x1e0: {  	s4 =	simm.s32 @!p2 $0xB;
	[sflag:s1] =	ssyncset.done @p2 $0x0  }
0x1e1: {  	s0 =	rddreg [dreg:$0x3];
	[sflag:s1] =	ssyncadd.s32 @p2 $0xFFFFE000;
	s1 =	simm.s32 @p2 $0xE800  }
0x1e2: {  	[hbm4b:s0+s10] =	stream.linear.scatter @p2 [tilespmem:s1], [sflag:$0xF], $0x2000, $0x38;
	[tilespmem:$0x12800] =	vst v63  }
0x1e3: {  	_ =	swait.ge @!p2 [sflag:s4], $0x2000  }
0x1e4: {  	[sflag:s4] =	ssyncset.done @!p2 $0x0  }
0x1e5: {  	s0 =	simm.s32 @!p2 $0x6800;
	s1 =	simm.s32 @!p2 $0x7;
	[sflag:s4] =	ssyncadd.s32 @!p2 $0xFFFFE000  }
0x1e6: {  	[tilespmem:s0], [sflag:$0x3] =	stream.indirect.gather @!p2 [hbm4b:s3+s11], $0x40, s31, s11, $0xb8;
	[tilespmem:$0x12800] =	vst v63  }
0x1e7: {  	s7 =	sadd.s32 $0x1000, s7;
	_ =	swait.ge @!p2 [sflag:s1], $0x2000  }
0x1e8: {  	p1 =	seq.s32 s7, $0xA000;
	s4 =	simm.s32 @!p2 $0xE800;
	[sflag:s1] =	ssyncset.done @!p2 $0x0  }
0x1e9: {  	s0 =	sadd.s32 @!p2 $0xFFFFFC00, s17;
	[sflag:s1] =	ssyncadd.s32 @!p2 $0xFFFFE000;
	s1 =	simm.s32 @!p2 $0xC  }
0x1ea: {  	[hbm4b:s0+s15] =	stream.linear.scatter @!p2 [tilespmem:s4], [sflag:$0xF], $0x2000, $0x38;
	[tilespmem:$0x12800] =	vst v63  }
.Ltmp7:
0x1eb: {  	_ =	swait.ge @!p2 [sflag:s1], $0x2000;
	(pc) =	sbr.rel @!p1 .LBB2_5-.Ltmp7, $4  }
0x1ec: {  	[sflag:s1] =	ssyncset.done @!p2 $0x0  }
0x1ed: {  	s9 =	smov.u32 s17;
	s0 =	simm.s32 @!p2 $0x8800;
	[sflag:s1] =	ssyncadd.s32 @!p2 $0xFFFFE000  }
0x1ee: {  	[tilespmem:s0], [sflag:$0x4] =	stream.indirect.gather @!p2 [hbm4b:s3+s11], $0x40, s30, s11, $0xb8;
	[tilespmem:$0x12800] =	vst v63  }
0x1ef: {  	s17 =	sadd.s32 $0x2000, s17;
	p2 =	seq.s32 s5, $0x0;
	_ =	swait.ge [sflag:s29], $0x2000  }
0x1f0: {  	[sflag:s29] =	ssyncset.done $0x0  }
0x1f1: {  	s0 =	simm.s32 @!p2 $0xD;
	[sflag:s29] =	ssyncadd.s32 $0xFFFFE000  }
0x1f2: {  	[hbm4b:s9+s2] =	stream.linear.scatter [tilespmem:s25], [sflag:$0x10], $0x2000, $0x38;
	[tilespmem:$0x12800] =	vst v63  }
0x1f3: {  	_ =	swait.ge @!p2 [sflag:s0], $0x2000  }
0x1f4: {  	s1 =	sshra.s32 s5, $0x2;
	[sflag:s0] =	ssyncset.done @!p2 $0x0  }
0x1f5: {  	s4 =	sadd.s32 $0x200, s1;
	[sflag:s0] =	ssyncadd.s32 @!p2 $0xFFFFE000  }
0x1f6: {  	[tilespmem:s19], [sflag:$0x5] =	stream.indirect.gather [hbm4b:s3+s12], $0x40, s4, s12, $0xb8;
	[tilespmem:$0x12800] =	vst v63  }
0x1f7: {  	_ =	swait.ge [sflag:s20], $0x2000  }
0x1f8: {  	[sflag:s20] =	ssyncset.done $0x0  }
0x1f9: {  	s7 =	sadd.s32 $0xFFFFE400, s17;
	s4 =	simm.s32 @!p2 $0xE;
	[sflag:s20] =	ssyncadd.s32 $0xFFFFE000  }
0x1fa: {  	[hbm4b:s7+s2] =	stream.linear.scatter [tilespmem:s13], [sflag:$0x9], $0x2000, $0x38;
	[tilespmem:$0x12800] =	vst v63  }
0x1fb: {  	_ =	swait.ge @!p2 [sflag:s4], $0x2000  }
0x1fc: {  	[sflag:s4] =	ssyncset.done @!p2 $0x0  }
0x1fd: {  	s8 =	sadd.s32 $0x280, s1;
	[sflag:s4] =	ssyncadd.s32 @!p2 $0xFFFFE000  }
0x1fe: {  	[tilespmem:s21], [sflag:$0x6] =	stream.indirect.gather [hbm4b:s3+s12], $0x40, s8, s12, $0xb8;
	[tilespmem:$0x12800] =	vst v63  }
0x1ff: {  	_ =	swait.ge [sflag:s22], $0x2000  }
0x200: {  	[sflag:s22] =	ssyncset.done $0x0  }
0x201: {  	s9 =	sadd.s32 $0xFFFFE800, s17;
	s4 =	simm.s32 @!p2 $0xF;
	[sflag:s22] =	ssyncadd.s32 $0xFFFFE000  }
0x202: {  	[hbm4b:s9+s2] =	stream.linear.scatter [tilespmem:s14], [sflag:$0xA], $0x2000, $0x38;
	[tilespmem:$0x12800] =	vst v63  }
0x203: {  	_ =	swait.ge @!p2 [sflag:s4], $0x2000  }
0x204: {  	[sflag:s4] =	ssyncset.done @!p2 $0x0  }
0x205: {  	s10 =	sadd.s32 $0x300, s1;
	[sflag:s4] =	ssyncadd.s32 @!p2 $0xFFFFE000  }
0x206: {  	[tilespmem:s23], [sflag:$0x7] =	stream.indirect.gather [hbm4b:s3+s12], $0x40, s10, s12, $0xb8;
	[tilespmem:$0x12800] =	vst v63  }
0x207: {  	_ =	swait.ge [sflag:s24], $0x2000  }
0x208: {  	[sflag:s24] =	ssyncset.done $0x0  }
0x209: {  	s11 =	sadd.s32 $0xFFFFEC00, s17;
	s4 =	simm.s32 @!p2 $0x10;
	[sflag:s24] =	ssyncadd.s32 $0xFFFFE000  }
0x20a: {  	[hbm4b:s11+s2] =	stream.linear.scatter [tilespmem:s16], [sflag:$0xB], $0x2000, $0x38;
	[tilespmem:$0x12800] =	vst v63  }
0x20b: {  	_ =	swait.ge @!p2 [sflag:s4], $0x2000  }
0x20c: {  	[sflag:s4] =	ssyncset.done @!p2 $0x0  }
0x20d: {  	s15 =	sadd.s32 $0x380, s1;
	[sflag:s4] =	ssyncadd.s32 @!p2 $0xFFFFE000  }
0x20e: {  	[tilespmem:s25], [sflag:$0x8] =	stream.indirect.gather [hbm4b:s3+s12], $0x40, s15, s12, $0xb8;
	[tilespmem:$0x12800] =	vst v63  }
0x20f: {  	_ =	swait.ge [sflag:s26], $0x2000  }
0x210: {  	p1 =	seq.s32 s5, $0x9000;
	[sflag:s26] =	ssyncset.done $0x0  }
0x211: {  	s30 =	sadd.s32 $0xFFFFF000, s17;
	s1 =	simm.s32 @p1 $0x5;
	[sflag:s26] =	ssyncadd.s32 $0xFFFFE000  }
0x212: {  	[hbm4b:s30+s2] =	stream.linear.scatter [tilespmem:s18], [sflag:$0xC], $0x2000, $0x38;
	[tilespmem:$0x12800] =	vst v63  }
0x213: {  	_ =	swait.ge @p1 [sflag:s1], $0x2000  }
0x214: {  	s7 =	simm.s32 @!p1 $0x9;
	s4 =	simm.s32 @p1 $0xA800;
	[sflag:s1] =	ssyncset.done @p1 $0x0  }
0x215: {  	s0 =	rddreg [dreg:$0x2];
	[sflag:s1] =	ssyncadd.s32 @p1 $0xFFFFE000;
	s1 =	simm.s32 @p1 $0x0  }
0x216: {  	[hbm4b:s0+s1] =	stream.linear.scatter @p1 [tilespmem:s4], [sflag:$0xD], $0x2000, $0x38;
	[tilespmem:$0x12800] =	vst v63  }
0x217: {  	s8 =	simm.s32 @!p1 $0x2800;
	_ =	swait.ge @!p1 [sflag:s7], $0x2000  }
0x218: {  	s0 =	sshra.s32 @!p1 s5, $0x2;
	s5 =	simm.s32 @!p1 $0x80;
	[sflag:s7] =	ssyncset.done @!p1 $0x0  }
0x219: {  	s4 =	sadd.s32 @!p1 $0x400, s0;
	[sflag:s7] =	ssyncadd.s32 @!p1 $0xFFFFE000;
	s7 =	simm.s32 @!p1 $0x5  }
0x21a: {  	[tilespmem:s8], [sflag:$0x1] =	stream.indirect.gather @!p1 [hbm4b:s3+s5], $0x40, s4, s5, $0xb8;
	[tilespmem:$0x12800] =	vst v63  }
0x21b: {  	_ =	swait.ge @!p1 [sflag:s7], $0x2000  }
0x21c: {  	s4 =	simm.s32 @!p1 $0xA800;
	[sflag:s7] =	ssyncset.done @!p1 $0x0  }
0x21d: {  	s8 =	sadd.s32 @!p1 $0xFFFFF400, s17;
	[sflag:s7] =	ssyncadd.s32 @!p1 $0xFFFFE000;
	s7 =	simm.s32 @!p1 $0x0  }
0x21e: {  	[hbm4b:s8+s7] =	stream.linear.scatter @!p1 [tilespmem:s4], [sflag:$0xD], $0x2000, $0x38;
	[tilespmem:$0x12800] =	vst v63  }
0x21f: {  	s4 =	simm.s32 @!p1 $0xA  }
0x220: {  	_ =	swait.ge @!p1 [sflag:s4], $0x2000  }
0x221: {  	[sflag:s4] =	ssyncset.done @!p1 $0x0  }
0x222: {  	s8 =	sadd.s32 @!p1 $0x480, s0;
	[sflag:s4] =	ssyncadd.s32 @!p1 $0xFFFFE000;
	s4 =	simm.s32 @!p1 $0x4800  }
0x223: {  	[tilespmem:s4], [sflag:$0x2] =	stream.indirect.gather @!p1 [hbm4b:s3+s5], $0x40, s8, s5, $0xb8;
	[tilespmem:$0x12800] =	vst v63  }
0x224: {  	_ =	swait.ge [sflag:s28], $0x2000  }
0x225: {  	[sflag:s28] =	ssyncset.done $0x0  }
0x226: {  	s31 =	sadd.s32 $0xFFFFF800, s17;
	s8 =	simm.s32 @p1 $0x7;
	[sflag:s28] =	ssyncadd.s32 $0xFFFFE000  }
0x227: {  	[hbm4b:s31+s2] =	stream.linear.scatter [tilespmem:s21], [sflag:$0xE], $0x2000, $0x38;
	[tilespmem:$0x12800] =	vst v63  }
0x228: {  	_ =	swait.ge @p1 [sflag:s8], $0x2000  }
0x229: {  	[sflag:s8] =	ssyncset.done @p1 $0x0  }
0x22a: {  	s4 =	rddreg [dreg:$0x3];
	[sflag:s8] =	ssyncadd.s32 @p1 $0xFFFFE000;
	s8 =	simm.s32 @p1 $0xE800  }
0x22b: {  	[hbm4b:s4+s1] =	stream.linear.scatter @p1 [tilespmem:s8], [sflag:$0xF], $0x2000, $0x38;
	[tilespmem:$0x12800] =	vst v63  }
0x22c: {  	s1 =	simm.s32 @!p1 $0xB  }
0x22d: {  	_ =	swait.ge @!p1 [sflag:s1], $0x2000  }
0x22e: {  	[sflag:s1] =	ssyncset.done @!p1 $0x0  }
0x22f: {  	s4 =	sadd.s32 @!p1 $0x500, s0;
	[sflag:s1] =	ssyncadd.s32 @!p1 $0xFFFFE000;
	s1 =	simm.s32 @!p1 $0x6800  }
0x230: {  	[tilespmem:s1], [sflag:$0x3] =	stream.indirect.gather @!p1 [hbm4b:s3+s5], $0x40, s4, s5, $0xb8;
	[tilespmem:$0x12800] =	vst v63  }
0x231: {  	s1 =	simm.s32 @!p1 $0x7  }
0x232: {  	_ =	swait.ge @!p1 [sflag:s1], $0x2000  }
0x233: {  	[sflag:s1] =	ssyncset.done @!p1 $0x0  }
0x234: {  	s4 =	sadd.s32 @!p1 $0xFFFFFC00, s17;
	[sflag:s1] =	ssyncadd.s32 @!p1 $0xFFFFE000;
	s1 =	simm.s32 @!p1 $0xE800  }
0x235: {  	[hbm4b:s4+s7] =	stream.linear.scatter @!p1 [tilespmem:s1], [sflag:$0xF], $0x2000, $0x38;
	[tilespmem:$0x12800] =	vst v63  }
0x236: {  	s1 =	simm.s32 @!p1 $0xC  }
0x237: {  	_ =	swait.ge @!p1 [sflag:s1], $0x2000  }
0x238: {  	[sflag:s1] =	ssyncset.done @!p1 $0x0  }
0x239: {  	s0 =	sadd.s32 @!p1 $0x580, s0;
	[sflag:s1] =	ssyncadd.s32 @!p1 $0xFFFFE000;
	s1 =	simm.s32 @!p1 $0x8800  }
0x23a: {  	[tilespmem:s1], [sflag:$0x4] =	stream.indirect.gather @!p1 [hbm4b:s3+s5], $0x40, s0, s5, $0xb8;
	[tilespmem:$0x12800] =	vst v63  }
.Ltmp8:
0x23b: {  	_ = 	snop;
	(pc) =	sbr.rel .LBB2_12-.Ltmp8, $4  }
0x23c: {  	_ =	swait.ge [sflag:s29], $0x2000  }
0x23d: {  	[sflag:s29] =	ssyncset.done $0x0  }
0x23e: {  	s4 =	rddreg [dreg:$0xd];
	[sflag:s29] =	ssyncadd.s32 $0xFFFFE000  }
0x23f: {  	[hbm4b:s17+s2] =	stream.linear.scatter [tilespmem:s25], [sflag:$0x10], $0x2000, $0x38;
	[tilespmem:$0x12800] =	vst v63  }
.LBB2_13:
0x240: {  	_ =	sfence.sel $0x180000  }
0x241: {  	[bflag:$0x0] =	sbarrier.arrive $0xFFFF  }
0x242: {  	_ =	strace $0x90000047  }
0x243: {  	s0 =	stileid.u32;
	[bflag:$0x2] =	sbarrier.arrive $0xFFFF  }
0x244: {  	p0 =	sne.s32 s0, $0x0;
	s0 =	rddreg [dreg:$0x1]  }
0x245: {  	s0 =	sadd.s32 @!p0 $0x100000, s0  }
0x246: {  	[sflag:s0] =	ssyncadd.tile.s32 @!p0 $0x1;
	_ =	shalt  }
.Lfunc_end2:
_tile_overlayer_lowered:
.L_overlay_start_2:
0x247: {  	(tag) =	ssettag $0x2  }
0x248: {  	s0 =	rddreg [dreg:$0x0];
	s2 =	stileid.u32  }
0x249: {  	s1 =	rddreg [dreg:$0x1];
	p0 =	sne.s32 s2, $0x0  }
0x24a: {  	s3 =	rddreg [dreg:$0x2];
	[bflag:$0x3] =	sbarrier.arrive $0xFFFF;
	s2 =	simm.s32 @!p0 $0x1C11  }
0x24b: {  	[timem:s3], [sflag:s2] =	dma.local @!p0 [hbm:s0], s1  }
0x24c: {  	s0 =	simm.s32 @!p0 $0x11  }
0x24d: {  	_ =	swait.ge @!p0 [sflag:s0], s1  }
0x24e: {  	s1 =	ssub.s32 @!p0 $0x0, s1;
	[sflag:s0] =	ssyncset.done @!p0 $0x0  }
0x24f: {  	[sflag:s0] =	ssyncadd.s32 @!p0 s1  }
0x250: {  	[bflag:$0x3] =	sbarrier.arrive $0xFFFF  }
0x251: {  	_ =	shalt  }

</sc_bundles>
